<compile_context>
chip_gen: v7x
topology: tpu7x:2x2x1
jax: 0.10.2.dev20260603
libtpu: 0.0.44.dev20260713+nightly
codegen_flags: <defaults>
</compile_context>

<pallas_src>
import functools

import jax
import jax.numpy as jnp
from jax import lax
from jax.experimental import pallas as pl
from jax.experimental.pallas import tpu as pltpu
from jax.experimental.pallas import tpu_sc as plsc

NC = 2
NS = 16
L = 16
NW = NC * NS
NUM_RESULTS = 1917
NUM_CLASSES = 91
A_PAD = 1920
NJ = A_PAD // L
MAX_BOXES = 10
NEG = -1e30
BIG = 2 ** 30

_mesh = plsc.VectorSubcoreMesh(
    core_axis_name="c", subcore_axis_name="s", num_cores=NC, num_subcores=NS
)


@functools.partial(
    pl.kernel,
    out_type=jax.ShapeDtypeStruct((90, 96), jnp.float32),
    mesh=_mesh,
    compiler_params=pltpu.CompilerParams(needs_layout_passes=False),
    scratch_types=[
        pltpu.VMEM((4, A_PAD), jnp.float32),
        pltpu.VMEM((4, A_PAD), jnp.float32),
        pltpu.VMEM((4, A_PAD), jnp.float32),
        pltpu.VMEM((A_PAD,), jnp.float32),
        pltpu.VMEM((3, A_PAD), jnp.float32),
        pltpu.VMEM((3, 96), jnp.float32),
        pltpu.SemaphoreType.DMA,
        pltpu.SemaphoreType.DMA,
    ],
)
def _nms_sc(loc_hbm, pri_hbm, log_hbm, out_hbm, loc_v, pri_v, by_v, ar_v, s_v,
            row_v, sem_lp, sem_lg):
    wid = lax.axis_index("s") * NC + lax.axis_index("c")
    lanes = lax.iota(jnp.int32, L)

    cs = [wid + 1 + NW * t for t in range(3)]
    ceff = [jnp.minimum(c, 90) for c in cs]

    h_lg = [
        pltpu.async_copy(
            log_hbm.at[pl.ds(ceff[t], 1)], s_v.at[pl.ds(t, 1)], sem_lg
        )
        for t in range(3)
    ]
    h_loc = pltpu.async_copy(loc_hbm, loc_v, sem_lp)
    h_pri = pltpu.async_copy(pri_hbm, pri_v, sem_lp)
    h_loc.wait()
    h_pri.wait()

    def decode(j):
        sl = pl.ds(j * L, L)
        l0 = loc_v[0, sl]
        l1 = loc_v[1, sl]
        l2 = loc_v[2, sl]
        l3 = loc_v[3, sl]
        p0 = pri_v[0, sl]
        p1 = pri_v[1, sl]
        p2 = pri_v[2, sl]
        p3 = pri_v[3, sl]
        yc = l0 / 10.0 * p2 + p0
        xc = l1 / 10.0 * p3 + p1
        h = jnp.exp(l2 / 5.0) * p2
        w = jnp.exp(l3 / 5.0) * p3
        ymin = yc - h / 2.0
        xmin = xc - w / 2.0
        ymax = yc + h / 2.0
        xmax = xc + w / 2.0
        by_v[0, sl] = ymin
        by_v[1, sl] = xmin
        by_v[2, sl] = ymax
        by_v[3, sl] = xmax
        ar_v[sl] = (ymax - ymin) * (xmax - xmin)

    plsc.parallel_loop(0, NJ, 1, unroll=2)(decode)

    for h in h_lg:
        h.wait()

    def sigmoid_thresh(j, mbs):
        sl = pl.ds(j * L, L)
        out = []
        for t in range(3):
            m, bi = mbs[2 * t], mbs[2 * t + 1]
            v = s_v[t, sl]
            sg = 1.0 / (1.0 + jnp.exp(-v))
            s = jnp.where(sg > 0.01, sg, NEG)
            s_v[t, sl] = s
            upd = s > m
            out += [jnp.where(upd, s, m), jnp.where(upd, j, bi)]
        return tuple(out)

    mneg = jnp.full((L,), NEG, jnp.float32)
    izero = jnp.zeros((L,), jnp.int32)
    mbs = plsc.parallel_loop(
        0, NJ, 1, unroll=2, carry=(mneg, izero, mneg, izero, mneg, izero)
    )(sigmoid_thresh)

    def pick(k, mbs):
        sels = []
        for t in range(3):
            m, bi = mbs[2 * t], mbs[2 * t + 1]
            M = jnp.max(m, axis=0)
            eidx = bi * L + lanes
            I = jnp.min(jnp.where(m == M, eidx, BIG), axis=0)
            iv = jnp.full((L,), I, jnp.int32)
            sel0 = plsc.load_gather(by_v, [izero, iv])
            sel1 = plsc.load_gather(by_v, [jnp.full((L,), 1, jnp.int32), iv])
            sel2 = plsc.load_gather(by_v, [jnp.full((L,), 2, jnp.int32), iv])
            sel3 = plsc.load_gather(by_v, [jnp.full((L,), 3, jnp.int32), iv])
            a1 = plsc.load_gather(ar_v, [iv])
            plsc.store_scatter(s_v, [jnp.full((L,), t, jnp.int32), iv], mneg)
            sels.append((M, I, sel0, sel1, sel2, sel3, a1))
            km = lanes == k
            row_v[t, pl.ds(0, L)] = jnp.where(
                km, jnp.full((L,), M, jnp.float32), row_v[t, pl.ds(0, L)])
            row_v[t, pl.ds(16, L)] = jnp.where(
                km, jnp.full((L,), I.astype(jnp.float32), jnp.float32),
                row_v[t, pl.ds(16, L)])
            row_v[t, pl.ds(32, L)] = jnp.where(km, sel0, row_v[t, pl.ds(32, L)])
            row_v[t, pl.ds(48, L)] = jnp.where(km, sel1, row_v[t, pl.ds(48, L)])
            row_v[t, pl.ds(64, L)] = jnp.where(km, sel2, row_v[t, pl.ds(64, L)])
            row_v[t, pl.ds(80, L)] = jnp.where(km, sel3, row_v[t, pl.ds(80, L)])
        return sels

    def nms_step(k, mbs):
        sels = pick(k, mbs)

        def suppress(j, mbs2):
            sl = pl.ds(j * L, L)
            b0 = by_v[0, sl]
            b1 = by_v[1, sl]
            b2 = by_v[2, sl]
            b3 = by_v[3, sl]
            ar = ar_v[sl]
            out = []
            for t in range(3):
                m2, bi2 = mbs2[2 * t], mbs2[2 * t + 1]
                _, _, sel0, sel1, sel2, sel3, a1 = sels[t]
                iy = jnp.maximum(sel0, b0)
                ix = jnp.maximum(sel1, b1)
                ay = jnp.minimum(sel2, b2)
                ax = jnp.minimum(sel3, b3)
                inter = jnp.maximum(ay - iy, 0.0) * jnp.maximum(ax - ix, 0.0)
                iou = inter / (a1 + ar - inter + 1e-8)
                s = jnp.where(iou >= 0.5, NEG, s_v[t, sl])
                s_v[t, sl] = s
                upd = s > m2
                out += [jnp.where(upd, s, m2), jnp.where(upd, j, bi2)]
            return tuple(out)

        return plsc.parallel_loop(
            0, NJ, 1, unroll=2, carry=(mneg, izero, mneg, izero, mneg, izero)
        )(suppress)

    mbs = lax.fori_loop(0, MAX_BOXES - 1, nms_step, mbs)
    pick(MAX_BOXES - 1, mbs)
    hs = [
        pltpu.async_copy(
            row_v.at[pl.ds(t, 1)], out_hbm.at[pl.ds(ceff[t] - 1, 1)], sem_lp
        )
        for t in range(3)
    ]
    for h in hs:
        h.wait()


def _merge_body(x_ref, o_ref):
    x = x_ref[...]
    sc = x[:, 0:10]
    idxm = x[:, 16:26]
    b0 = x[:, 32:42]
    b1 = x[:, 48:58]
    b2 = x[:, 64:74]
    b3 = x[:, 80:90]
    sc = jnp.where(sc > 0.0, sc, -1.0)
    rows = lax.broadcasted_iota(jnp.int32, (90, 10), 0)
    cols = lax.broadcasted_iota(jnp.int32, (90, 10), 1)
    flat = rows * 10 + cols
    clsm = (rows + 1).astype(jnp.float32)
    r16 = lax.broadcasted_iota(jnp.int32, (16, 128), 0)
    c128 = lax.broadcasted_iota(jnp.int32, (16, 128), 1)

    def step(k, carry):
        s, acc = carry
        M = jnp.max(s)
        f = jnp.min(jnp.where(s == M, flat, BIG))
        oh = flat == f
        vals = (
            jnp.sum(jnp.where(oh, s, 0.0)),
            jnp.sum(jnp.where(oh, idxm, 0.0)),
            jnp.sum(jnp.where(oh, clsm, 0.0)),
            jnp.sum(jnp.where(oh, b0, 0.0)),
            jnp.sum(jnp.where(oh, b1, 0.0)),
            jnp.sum(jnp.where(oh, b2, 0.0)),
            jnp.sum(jnp.where(oh, b3, 0.0)),
        )
        for j in range(7):
            acc = jnp.where((r16 == k) & (c128 == j), vals[j], acc)
        s = jnp.where(oh, -2.0, s)
        return s, acc

    _, acc = lax.fori_loop(0, MAX_BOXES, step, (sc, jnp.zeros((16, 128), jnp.float32)))
    o_ref[...] = acc[0:10, 0:7]


_merge = pl.pallas_call(
    _merge_body,
    out_shape=jax.ShapeDtypeStruct((10, 7), jnp.float32),
)


def kernel(inputs, locations, class_logits, priors):
    del inputs
    locT = jnp.zeros((4, A_PAD), jnp.float32).at[:, :NUM_RESULTS].set(locations.T)
    priT = jnp.zeros((4, A_PAD), jnp.float32).at[:, :NUM_RESULTS].set(priors)
    logT = jnp.full((NUM_CLASSES, A_PAD), -100.0, jnp.float32).at[:, :NUM_RESULTS].set(
        class_logits.T
    )
    cand = _nms_sc(locT, priT, logT)
    return _merge(cand)

# --- scband reference (transcript-rebuilt; emitter-appended) ---
"""Pipeline reference for scband-my-model-87522843559982 (READ-ONLY COPY).

The authoritative reference and input builder live on the scoring server;
editing this copy changes nothing except your own understanding.
"""

import jax, jax.numpy as jnp
import numpy as np

NUM_RESULTS = 1917
NUM_CLASSES = 91
Y_SCALE = 10.0
X_SCALE = 10.0
H_SCALE = 5.0
W_SCALE = 5.0
SCORE_THRESHOLD = 0.01
IOU_THRESHOLD = 0.5
MAX_BOXES = 10


def setup_inputs(seed: int = 0) -> dict:
    key = jax.random.key(seed)
    k1, k2, k3, k4 = jax.random.split(key, 4)
    inputs = jax.random.uniform(k1, (1, 300, 300, 3), dtype=jnp.float32)
    locations = jax.random.normal(k2, (NUM_RESULTS, 4), dtype=jnp.float32)
    # original uses uniform(-3, 3) logits; scale normals to a similar range
    class_logits = jax.random.normal(k3, (NUM_RESULTS, NUM_CLASSES), dtype=jnp.float32) * 1.5
    priors = jax.random.uniform(k4, (4, NUM_RESULTS), dtype=jnp.float32)
    return {"inputs": inputs, "locations": locations, "class_logits": class_logits, "priors": priors}


def _decode(locations, priors):
    yc_p, xc_p, h_p, w_p = priors[0], priors[1], priors[2], priors[3]
    ycenter = locations[:, 0] / Y_SCALE * h_p + yc_p
    xcenter = locations[:, 1] / X_SCALE * w_p + xc_p
    h = jnp.exp(locations[:, 2] / H_SCALE) * h_p
    w = jnp.exp(locations[:, 3] / W_SCALE) * w_p
    ymin = ycenter - h / 2.0
    xmin = xcenter - w / 2.0
    ymax = ycenter + h / 2.0
    xmax = xcenter + w / 2.0
    return jnp.stack([ymin, xmin, ymax, xmax], axis=1)


def _iou(box, boxes):
    ymin = jnp.maximum(box[0], boxes[:, 0])
    xmin = jnp.maximum(box[1], boxes[:, 1])
    ymax = jnp.minimum(box[2], boxes[:, 2])
    xmax = jnp.minimum(box[3], boxes[:, 3])
    inter = jnp.maximum(ymax - ymin, 0.0) * jnp.maximum(xmax - xmin, 0.0)
    a1 = (box[2] - box[0]) * (box[3] - box[1])
    a2 = (boxes[:, 2] - boxes[:, 0]) * (boxes[:, 3] - boxes[:, 1])
    return inter / (a1 + a2 - inter + 1e-8)


def _nms_class(boxes, scores_c):
    s0 = jnp.where(scores_c > SCORE_THRESHOLD, scores_c, -jnp.inf)

    def body(s, _):
        idx = jnp.argmax(s)
        sc = s[idx]
        bb = boxes[idx]
        ious = _iou(bb, boxes)
        s2 = jnp.where(ious >= IOU_THRESHOLD, -jnp.inf, s)
        s2 = s2.at[idx].set(-jnp.inf)
        return s2, (idx, sc, bb)

    _, (idxs, scs, bbs) = jax.lax.scan(body, s0, None, length=MAX_BOXES)
    return idxs, scs, bbs


def _forward(inputs, locations, class_logits, priors):
    # inputs (image) is unused by the original post-processing pipeline beyond a batch check
    decoded = _decode(locations, priors)
    scores = jax.nn.sigmoid(class_logits)
    class_ids = jnp.arange(1, NUM_CLASSES)  # skip background class 0

    def per_class(c):
        return _nms_class(decoded, scores[:, c])

    idxs, scs, bbs = jax.vmap(per_class)(class_ids)  # [90,10], [90,10], [90,10,4]
    cls = jnp.broadcast_to(class_ids[:, None], idxs.shape)
    flat_sc = scs.reshape(-1)
    flat_idx = idxs.reshape(-1)
    flat_cls = cls.reshape(-1)
    flat_box = bbs.reshape(-1, 4)
    valid = jnp.isfinite(flat_sc)
    flat_sc = jnp.where(valid, flat_sc, -1.0)
    order = jnp.argsort(-flat_sc)[:MAX_BOXES]
    out = jnp.concatenate([
        flat_sc[order][:, None],
        flat_idx[order].astype(jnp.float32)[:, None],
        flat_cls[order].astype(jnp.float32)[:, None],
        flat_box[order],
    ], axis=1)  # [10, 7]: score, anchor_index, class_id, ymin, xmin, ymax, xmax
    return out


def reference(inputs, locations, class_logits, priors):
    return _forward(inputs, locations, class_logits, priors)

if __name__ == "__main__":
    import jax
    _d = setup_inputs()
    print(jax.jit(kernel)(*tuple(_d.values())))

</pallas_src>

<mosaic_0001>
#map = affine_map<(d0, d1) -> (0, 0)>
module attributes {stable_mosaic.version = 14 : i64} {
  func.func @_nms_sc(%arg0: i32, %arg1: i32, %arg2: memref<4x1920xf32, #tpu.memory_space<hbm>>, %arg3: memref<4x1920xf32, #tpu.memory_space<hbm>>, %arg4: memref<91x1920xf32, #tpu.memory_space<hbm>>, %arg5: memref<90x96xf32, #tpu.memory_space<hbm>>, %arg6: memref<4x1920xf32, #tpu.memory_space<vmem>>, %arg7: memref<4x1920xf32, #tpu.memory_space<vmem>>, %arg8: memref<4x1920xf32, #tpu.memory_space<vmem>>, %arg9: memref<1920xf32, #tpu.memory_space<vmem>>, %arg10: memref<3x1920xf32, #tpu.memory_space<vmem>>, %arg11: memref<3x96xf32, #tpu.memory_space<vmem>>, %arg12: memref<!tpu.dma_semaphore, #tpu.memory_space<semaphore_mem>>, %arg13: memref<!tpu.dma_semaphore, #tpu.memory_space<semaphore_mem>>) attributes {dimension_semantics = [#tpu.dimension_semantics<core_parallel>, #tpu.dimension_semantics<subcore_parallel>], iteration_bounds = array<i64: 2, 16>, scalar_prefetch = 0 : i64, scratch_operands = 8 : i64, tpu.core_type = #tpu.core_type<sc_vector_subcore>, window_params = [{transform_indices = #map}, {transform_indices = #map}, {transform_indices = #map}, {transform_indices = #map}]} {
    %mul3A = arith.constant 2 : i32
    %mul3A_0 = arith.muli %arg1, %mul3A : i32
    %add3A = arith.addi %mul3A_0, %arg0 : i32
    %iota3A = tpu.iota {dimensions = array<i32: 0>} : vector<16xi32>
    %add3A_1 = arith.constant 1 : i32
    %add3A_2 = arith.addi %add3A, %add3A_1 : i32
    %add3A_3 = arith.constant 0 : i32
    %add3A_4 = arith.addi %add3A_2, %add3A_3 : i32
    %add3A_5 = arith.constant 1 : i32
    %add3A_6 = arith.addi %add3A, %add3A_5 : i32
    %add3A_7 = arith.constant 32 : i32
    %add3A_8 = arith.addi %add3A_6, %add3A_7 : i32
    %add3A_9 = arith.constant 1 : i32
    %add3A_10 = arith.addi %add3A, %add3A_9 : i32
    %add3A_11 = arith.constant 64 : i32
    %add3A_12 = arith.addi %add3A_10, %add3A_11 : i32
    %min3A = arith.constant 90 : i32
    %min3A_13 = arith.minsi %add3A_4, %min3A : i32
    %min3A_14 = arith.constant 90 : i32
    %min3A_15 = arith.minsi %add3A_8, %min3A_14 : i32
    %min3A_16 = arith.constant 90 : i32
    %min3A_17 = arith.minsi %add3A_12, %min3A_16 : i32
    %dma_start3A = arith.constant 0 : i32
    %dma_start3A_18 = arith.constant 0 : i32
    %dma_start3A_19 = tpu.memref_slice %arg10[%dma_start3A, %dma_start3A_18] : memref<3x1920xf32, #tpu.memory_space<vmem>> -> memref<1x1920xf32, #tpu.memory_space<vmem>>
    %dma_start3A_20 = arith.constant 0 : i32
    %dma_start3A_21 = tpu.memref_slice %arg4[%min3A_13, %dma_start3A_20] : memref<91x1920xf32, #tpu.memory_space<hbm>> -> memref<1x1920xf32, #tpu.memory_space<hbm>>
    %dma_start3A_22 = arith.constant 0 : i32
    %dma_start3A_23 = arith.constant 0 : i32
    %dma_start3A_24 = tpu.memref_slice %arg10[%dma_start3A_22, %dma_start3A_23] : memref<3x1920xf32, #tpu.memory_space<vmem>> -> memref<1x1920xf32, #tpu.memory_space<vmem>>
    %dma_start3A_25 = arith.constant 0 : i32
    %dma_start3A_26 = tpu.memref_slice %arg4[%min3A_13, %dma_start3A_25] : memref<91x1920xf32, #tpu.memory_space<hbm>> -> memref<1x1920xf32, #tpu.memory_space<hbm>>
    tpu.enqueue_dma source(%dma_start3A_26 : memref<1x1920xf32, #tpu.memory_space<hbm>>) target(%dma_start3A_24 : memref<1x1920xf32, #tpu.memory_space<vmem>>) target_semaphore(%arg13 : memref<!tpu.dma_semaphore, #tpu.memory_space<semaphore_mem>>)
    %dma_start3A_27 = arith.constant 1 : i32
    %dma_start3A_28 = arith.constant 0 : i32
    %dma_start3A_29 = tpu.memref_slice %arg10[%dma_start3A_27, %dma_start3A_28] : memref<3x1920xf32, #tpu.memory_space<vmem>> -> memref<1x1920xf32, #tpu.memory_space<vmem>>
    %dma_start3A_30 = arith.constant 0 : i32
    %dma_start3A_31 = tpu.memref_slice %arg4[%min3A_15, %dma_start3A_30] : memref<91x1920xf32, #tpu.memory_space<hbm>> -> memref<1x1920xf32, #tpu.memory_space<hbm>>
    %dma_start3A_32 = arith.constant 1 : i32
    %dma_start3A_33 = arith.constant 0 : i32
    %dma_start3A_34 = tpu.memref_slice %arg10[%dma_start3A_32, %dma_start3A_33] : memref<3x1920xf32, #tpu.memory_space<vmem>> -> memref<1x1920xf32, #tpu.memory_space<vmem>>
    %dma_start3A_35 = arith.constant 0 : i32
    %dma_start3A_36 = tpu.memref_slice %arg4[%min3A_15, %dma_start3A_35] : memref<91x1920xf32, #tpu.memory_space<hbm>> -> memref<1x1920xf32, #tpu.memory_space<hbm>>
    tpu.enqueue_dma source(%dma_start3A_36 : memref<1x1920xf32, #tpu.memory_space<hbm>>) target(%dma_start3A_34 : memref<1x1920xf32, #tpu.memory_space<vmem>>) target_semaphore(%arg13 : memref<!tpu.dma_semaphore, #tpu.memory_space<semaphore_mem>>)
    %dma_start3A_37 = arith.constant 2 : i32
    %dma_start3A_38 = arith.constant 0 : i32
    %dma_start3A_39 = tpu.memref_slice %arg10[%dma_start3A_37, %dma_start3A_38] : memref<3x1920xf32, #tpu.memory_space<vmem>> -> memref<1x1920xf32, #tpu.memory_space<vmem>>
    %dma_start3A_40 = arith.constant 0 : i32
    %dma_start3A_41 = tpu.memref_slice %arg4[%min3A_17, %dma_start3A_40] : memref<91x1920xf32, #tpu.memory_space<hbm>> -> memref<1x1920xf32, #tpu.memory_space<hbm>>
    %dma_start3A_42 = arith.constant 2 : i32
    %dma_start3A_43 = arith.constant 0 : i32
    %dma_start3A_44 = tpu.memref_slice %arg10[%dma_start3A_42, %dma_start3A_43] : memref<3x1920xf32, #tpu.memory_space<vmem>> -> memref<1x1920xf32, #tpu.memory_space<vmem>>
    %dma_start3A_45 = arith.constant 0 : i32
    %dma_start3A_46 = tpu.memref_slice %arg4[%min3A_17, %dma_start3A_45] : memref<91x1920xf32, #tpu.memory_space<hbm>> -> memref<1x1920xf32, #tpu.memory_space<hbm>>
    tpu.enqueue_dma source(%dma_start3A_46 : memref<1x1920xf32, #tpu.memory_space<hbm>>) target(%dma_start3A_44 : memref<1x1920xf32, #tpu.memory_space<vmem>>) target_semaphore(%arg13 : memref<!tpu.dma_semaphore, #tpu.memory_space<semaphore_mem>>)
    tpu.enqueue_dma source(%arg2 : memref<4x1920xf32, #tpu.memory_space<hbm>>) target(%arg6 : memref<4x1920xf32, #tpu.memory_space<vmem>>) target_semaphore(%arg12 : memref<!tpu.dma_semaphore, #tpu.memory_space<semaphore_mem>>)
    tpu.enqueue_dma source(%arg3 : memref<4x1920xf32, #tpu.memory_space<hbm>>) target(%arg7 : memref<4x1920xf32, #tpu.memory_space<vmem>>) target_semaphore(%arg12 : memref<!tpu.dma_semaphore, #tpu.memory_space<semaphore_mem>>)
    tpu.wait_dma2 semaphore(%arg12 : memref<!tpu.dma_semaphore, #tpu.memory_space<semaphore_mem>>) src(%arg2 : memref<4x1920xf32, #tpu.memory_space<hbm>>) dst(%arg6 : memref<4x1920xf32, #tpu.memory_space<vmem>>)
    tpu.wait_dma2 semaphore(%arg12 : memref<!tpu.dma_semaphore, #tpu.memory_space<semaphore_mem>>) src(%arg3 : memref<4x1920xf32, #tpu.memory_space<hbm>>) dst(%arg7 : memref<4x1920xf32, #tpu.memory_space<vmem>>)
    %parallel_loop3A = arith.constant 0 : i32
    %parallel_loop3A_47 = arith.constant 120 : i32
    %parallel_loop3A_48 = arith.constant 1 : i32
    scf.for %parallel_loop3A_431 = %parallel_loop3A to %parallel_loop3A_47 step %parallel_loop3A_48  : i32 {
      %parallel_loop3A_432 = arith.constant 16 : i32
      %parallel_loop3A_433 = arith.muli %parallel_loop3A_431, %parallel_loop3A_432 : i32
      %parallel_loop3A_434 = arith.constant 0 : i32
      %parallel_loop3A_435 = arith.index_cast %parallel_loop3A_434 : i32 to index
      %parallel_loop3A_436 = arith.index_cast %parallel_loop3A_433 : i32 to index
      %parallel_loop3A_437 = tpu.vector_load %arg6[%parallel_loop3A_435, %parallel_loop3A_436] {strides = array<i32>} : memref<4x1920xf32, #tpu.memory_space<vmem>>, vector<16xf32>,
      %parallel_loop3A_438 = arith.constant 1 : i32
      %parallel_loop3A_439 = arith.index_cast %parallel_loop3A_438 : i32 to index
      %parallel_loop3A_440 = arith.index_cast %parallel_loop3A_433 : i32 to index
      %parallel_loop3A_441 = tpu.vector_load %arg6[%parallel_loop3A_439, %parallel_loop3A_440] {strides = array<i32>} : memref<4x1920xf32, #tpu.memory_space<vmem>>, vector<16xf32>,
      %parallel_loop3A_442 = arith.constant 2 : i32
      %parallel_loop3A_443 = arith.index_cast %parallel_loop3A_442 : i32 to index
      %parallel_loop3A_444 = arith.index_cast %parallel_loop3A_433 : i32 to index
      %parallel_loop3A_445 = tpu.vector_load %arg6[%parallel_loop3A_443, %parallel_loop3A_444] {strides = array<i32>} : memref<4x1920xf32, #tpu.memory_space<vmem>>, vector<16xf32>,
      %parallel_loop3A_446 = arith.constant 3 : i32
      %parallel_loop3A_447 = arith.index_cast %parallel_loop3A_446 : i32 to index
      %parallel_loop3A_448 = arith.index_cast %parallel_loop3A_433 : i32 to index
      %parallel_loop3A_449 = tpu.vector_load %arg6[%parallel_loop3A_447, %parallel_loop3A_448] {strides = array<i32>} : memref<4x1920xf32, #tpu.memory_space<vmem>>, vector<16xf32>,
      %parallel_loop3A_450 = arith.constant 0 : i32
      %parallel_loop3A_451 = arith.index_cast %parallel_loop3A_450 : i32 to index
      %parallel_loop3A_452 = arith.index_cast %parallel_loop3A_433 : i32 to index
      %parallel_loop3A_453 = tpu.vector_load %arg7[%parallel_loop3A_451, %parallel_loop3A_452] {strides = array<i32>} : memref<4x1920xf32, #tpu.memory_space<vmem>>, vector<16xf32>,
      %parallel_loop3A_454 = arith.constant 1 : i32
      %parallel_loop3A_455 = arith.index_cast %parallel_loop3A_454 : i32 to index
      %parallel_loop3A_456 = arith.index_cast %parallel_loop3A_433 : i32 to index
      %parallel_loop3A_457 = tpu.vector_load %arg7[%parallel_loop3A_455, %parallel_loop3A_456] {strides = array<i32>} : memref<4x1920xf32, #tpu.memory_space<vmem>>, vector<16xf32>,
      %parallel_loop3A_458 = arith.constant 2 : i32
      %parallel_loop3A_459 = arith.index_cast %parallel_loop3A_458 : i32 to index
      %parallel_loop3A_460 = arith.index_cast %parallel_loop3A_433 : i32 to index
      %parallel_loop3A_461 = tpu.vector_load %arg7[%parallel_loop3A_459, %parallel_loop3A_460] {strides = array<i32>} : memref<4x1920xf32, #tpu.memory_space<vmem>>, vector<16xf32>,
      %parallel_loop3A_462 = arith.constant 3 : i32
      %parallel_loop3A_463 = arith.index_cast %parallel_loop3A_462 : i32 to index
      %parallel_loop3A_464 = arith.index_cast %parallel_loop3A_433 : i32 to index
      %parallel_loop3A_465 = tpu.vector_load %arg7[%parallel_loop3A_463, %parallel_loop3A_464] {strides = array<i32>} : memref<4x1920xf32, #tpu.memory_space<vmem>>, vector<16xf32>,
      %parallel_loop3A_466 = arith.constant 1.000000e+01 : f32
      %parallel_loop3A_467 = vector.broadcast %parallel_loop3A_466 : f32 to vector<16xf32>
      %parallel_loop3A_468 = arith.divf %parallel_loop3A_437, %parallel_loop3A_467 : vector<16xf32>
      %parallel_loop3A_469 = arith.mulf %parallel_loop3A_468, %parallel_loop3A_461 : vector<16xf32>
      %parallel_loop3A_470 = arith.addf %parallel_loop3A_469, %parallel_loop3A_453 : vector<16xf32>
      %parallel_loop3A_471 = arith.constant 1.000000e+01 : f32
      %parallel_loop3A_472 = vector.broadcast %parallel_loop3A_471 : f32 to vector<16xf32>
      %parallel_loop3A_473 = arith.divf %parallel_loop3A_441, %parallel_loop3A_472 : vector<16xf32>
      %parallel_loop3A_474 = arith.mulf %parallel_loop3A_473, %parallel_loop3A_465 : vector<16xf32>
      %parallel_loop3A_475 = arith.addf %parallel_loop3A_474, %parallel_loop3A_457 : vector<16xf32>
      %parallel_loop3A_476 = arith.constant 5.000000e+00 : f32
      %parallel_loop3A_477 = vector.broadcast %parallel_loop3A_476 : f32 to vector<16xf32>
      %parallel_loop3A_478 = arith.divf %parallel_loop3A_445, %parallel_loop3A_477 : vector<16xf32>
      %parallel_loop3A_479 = math.exp %parallel_loop3A_478 : vector<16xf32>
      %parallel_loop3A_480 = arith.mulf %parallel_loop3A_479, %parallel_loop3A_461 : vector<16xf32>
      %parallel_loop3A_481 = arith.constant 5.000000e+00 : f32
      %parallel_loop3A_482 = vector.broadcast %parallel_loop3A_481 : f32 to vector<16xf32>
      %parallel_loop3A_483 = arith.divf %parallel_loop3A_449, %parallel_loop3A_482 : vector<16xf32>
      %parallel_loop3A_484 = math.exp %parallel_loop3A_483 : vector<16xf32>
      %parallel_loop3A_485 = arith.mulf %parallel_loop3A_484, %parallel_loop3A_465 : vector<16xf32>
      %parallel_loop3A_486 = arith.constant 2.000000e+00 : f32
      %parallel_loop3A_487 = vector.broadcast %parallel_loop3A_486 : f32 to vector<16xf32>
      %parallel_loop3A_488 = arith.divf %parallel_loop3A_480, %parallel_loop3A_487 : vector<16xf32>
      %parallel_loop3A_489 = arith.subf %parallel_loop3A_470, %parallel_loop3A_488 : vector<16xf32>
      %parallel_loop3A_490 = arith.constant 2.000000e+00 : f32
      %parallel_loop3A_491 = vector.broadcast %parallel_loop3A_490 : f32 to vector<16xf32>
      %parallel_loop3A_492 = arith.divf %parallel_loop3A_485, %parallel_loop3A_491 : vector<16xf32>
      %parallel_loop3A_493 = arith.subf %parallel_loop3A_475, %parallel_loop3A_492 : vector<16xf32>
      %parallel_loop3A_494 = arith.constant 2.000000e+00 : f32
      %parallel_loop3A_495 = vector.broadcast %parallel_loop3A_494 : f32 to vector<16xf32>
      %parallel_loop3A_496 = arith.divf %parallel_loop3A_480, %parallel_loop3A_495 : vector<16xf32>
      %parallel_loop3A_497 = arith.addf %parallel_loop3A_470, %parallel_loop3A_496 : vector<16xf32>
      %parallel_loop3A_498 = arith.constant 2.000000e+00 : f32
      %parallel_loop3A_499 = vector.broadcast %parallel_loop3A_498 : f32 to vector<16xf32>
      %parallel_loop3A_500 = arith.divf %parallel_loop3A_485, %parallel_loop3A_499 : vector<16xf32>
      %parallel_loop3A_501 = arith.addf %parallel_loop3A_475, %parallel_loop3A_500 : vector<16xf32>
      %parallel_loop3A_502 = arith.constant 0 : i32
      %parallel_loop3A_503 = arith.index_cast %parallel_loop3A_502 : i32 to index
      %parallel_loop3A_504 = arith.index_cast %parallel_loop3A_433 : i32 to index
      %parallel_loop3A_505 = tpu.vector_load %arg8[%parallel_loop3A_503, %parallel_loop3A_504] {strides = array<i32>} : memref<4x1920xf32, #tpu.memory_space<vmem>>, vector<16xf32>,
      tpu.vector_store %arg8[%parallel_loop3A_503, %parallel_loop3A_504], %parallel_loop3A_489 {strides = array<i32>} : memref<4x1920xf32, #tpu.memory_space<vmem>>, vector<16xf32>,
      %parallel_loop3A_506 = arith.constant 1 : i32
      %parallel_loop3A_507 = arith.index_cast %parallel_loop3A_506 : i32 to index
      %parallel_loop3A_508 = arith.index_cast %parallel_loop3A_433 : i32 to index
      %parallel_loop3A_509 = tpu.vector_load %arg8[%parallel_loop3A_507, %parallel_loop3A_508] {strides = array<i32>} : memref<4x1920xf32, #tpu.memory_space<vmem>>, vector<16xf32>,
      tpu.vector_store %arg8[%parallel_loop3A_507, %parallel_loop3A_508], %parallel_loop3A_493 {strides = array<i32>} : memref<4x1920xf32, #tpu.memory_space<vmem>>, vector<16xf32>,
      %parallel_loop3A_510 = arith.constant 2 : i32
      %parallel_loop3A_511 = arith.index_cast %parallel_loop3A_510 : i32 to index
      %parallel_loop3A_512 = arith.index_cast %parallel_loop3A_433 : i32 to index
      %parallel_loop3A_513 = tpu.vector_load %arg8[%parallel_loop3A_511, %parallel_loop3A_512] {strides = array<i32>} : memref<4x1920xf32, #tpu.memory_space<vmem>>, vector<16xf32>,
      tpu.vector_store %arg8[%parallel_loop3A_511, %parallel_loop3A_512], %parallel_loop3A_497 {strides = array<i32>} : memref<4x1920xf32, #tpu.memory_space<vmem>>, vector<16xf32>,
      %parallel_loop3A_514 = arith.constant 3 : i32
      %parallel_loop3A_515 = arith.index_cast %parallel_loop3A_514 : i32 to index
      %parallel_loop3A_516 = arith.index_cast %parallel_loop3A_433 : i32 to index
      %parallel_loop3A_517 = tpu.vector_load %arg8[%parallel_loop3A_515, %parallel_loop3A_516] {strides = array<i32>} : memref<4x1920xf32, #tpu.memory_space<vmem>>, vector<16xf32>,
      tpu.vector_store %arg8[%parallel_loop3A_515, %parallel_loop3A_516], %parallel_loop3A_501 {strides = array<i32>} : memref<4x1920xf32, #tpu.memory_space<vmem>>, vector<16xf32>,
      %parallel_loop3A_518 = arith.subf %parallel_loop3A_497, %parallel_loop3A_489 : vector<16xf32>
      %parallel_loop3A_519 = arith.subf %parallel_loop3A_501, %parallel_loop3A_493 : vector<16xf32>
      %parallel_loop3A_520 = arith.mulf %parallel_loop3A_518, %parallel_loop3A_519 : vector<16xf32>
      %parallel_loop3A_521 = arith.index_cast %parallel_loop3A_433 : i32 to index
      %parallel_loop3A_522 = tpu.vector_load %arg9[%parallel_loop3A_521] {strides = array<i32>} : memref<1920xf32, #tpu.memory_space<vmem>>, vector<16xf32>,
      tpu.vector_store %arg9[%parallel_loop3A_521], %parallel_loop3A_520 {strides = array<i32>} : memref<1920xf32, #tpu.memory_space<vmem>>, vector<16xf32>,
    } {sc.loop_unroll_factor = 2 : i64, sc.parallel_access}
    %dma_wait3A = arith.constant 0 : i32
    %dma_wait3A_49 = arith.constant 0 : i32
    %dma_wait3A_50 = tpu.memref_slice %arg10[%dma_wait3A, %dma_wait3A_49] : memref<3x1920xf32, #tpu.memory_space<vmem>> -> memref<1x1920xf32, #tpu.memory_space<vmem>>
    %dma_wait3A_51 = arith.constant 0 : i32
    %dma_wait3A_52 = tpu.memref_slice %arg4[%min3A_13, %dma_wait3A_51] : memref<91x1920xf32, #tpu.memory_space<hbm>> -> memref<1x1920xf32, #tpu.memory_space<hbm>>
    %dma_wait3A_53 = arith.constant 0 : i32
    %dma_wait3A_54 = arith.constant 0 : i32
    %dma_wait3A_55 = tpu.memref_slice %arg10[%dma_wait3A_53, %dma_wait3A_54] : memref<3x1920xf32, #tpu.memory_space<vmem>> -> memref<1x1920xf32, #tpu.memory_space<vmem>>
    %dma_wait3A_56 = arith.constant 0 : i32
    %dma_wait3A_57 = tpu.memref_slice %arg4[%min3A_13, %dma_wait3A_56] : memref<91x1920xf32, #tpu.memory_space<hbm>> -> memref<1x1920xf32, #tpu.memory_space<hbm>>
    tpu.wait_dma2 semaphore(%arg13 : memref<!tpu.dma_semaphore, #tpu.memory_space<semaphore_mem>>) src(%dma_wait3A_57 : memref<1x1920xf32, #tpu.memory_space<hbm>>) dst(%dma_wait3A_55 : memref<1x1920xf32, #tpu.memory_space<vmem>>)
    %dma_wait3A_58 = arith.constant 1 : i32
    %dma_wait3A_59 = arith.constant 0 : i32
    %dma_wait3A_60 = tpu.memref_slice %arg10[%dma_wait3A_58, %dma_wait3A_59] : memref<3x1920xf32, #tpu.memory_space<vmem>> -> memref<1x1920xf32, #tpu.memory_space<vmem>>
    %dma_wait3A_61 = arith.constant 0 : i32
    %dma_wait3A_62 = tpu.memref_slice %arg4[%min3A_15, %dma_wait3A_61] : memref<91x1920xf32, #tpu.memory_space<hbm>> -> memref<1x1920xf32, #tpu.memory_space<hbm>>
    %dma_wait3A_63 = arith.constant 1 : i32
    %dma_wait3A_64 = arith.constant 0 : i32
    %dma_wait3A_65 = tpu.memref_slice %arg10[%dma_wait3A_63, %dma_wait3A_64] : memref<3x1920xf32, #tpu.memory_space<vmem>> -> memref<1x1920xf32, #tpu.memory_space<vmem>>
    %dma_wait3A_66 = arith.constant 0 : i32
    %dma_wait3A_67 = tpu.memref_slice %arg4[%min3A_15, %dma_wait3A_66] : memref<91x1920xf32, #tpu.memory_space<hbm>> -> memref<1x1920xf32, #tpu.memory_space<hbm>>
    tpu.wait_dma2 semaphore(%arg13 : memref<!tpu.dma_semaphore, #tpu.memory_space<semaphore_mem>>) src(%dma_wait3A_67 : memref<1x1920xf32, #tpu.memory_space<hbm>>) dst(%dma_wait3A_65 : memref<1x1920xf32, #tpu.memory_space<vmem>>)
    %dma_wait3A_68 = arith.constant 2 : i32
    %dma_wait3A_69 = arith.constant 0 : i32
    %dma_wait3A_70 = tpu.memref_slice %arg10[%dma_wait3A_68, %dma_wait3A_69] : memref<3x1920xf32, #tpu.memory_space<vmem>> -> memref<1x1920xf32, #tpu.memory_space<vmem>>
    %dma_wait3A_71 = arith.constant 0 : i32
    %dma_wait3A_72 = tpu.memref_slice %arg4[%min3A_17, %dma_wait3A_71] : memref<91x1920xf32, #tpu.memory_space<hbm>> -> memref<1x1920xf32, #tpu.memory_space<hbm>>
    %dma_wait3A_73 = arith.constant 2 : i32
    %dma_wait3A_74 = arith.constant 0 : i32
    %dma_wait3A_75 = tpu.memref_slice %arg10[%dma_wait3A_73, %dma_wait3A_74] : memref<3x1920xf32, #tpu.memory_space<vmem>> -> memref<1x1920xf32, #tpu.memory_space<vmem>>
    %dma_wait3A_76 = arith.constant 0 : i32
    %dma_wait3A_77 = tpu.memref_slice %arg4[%min3A_17, %dma_wait3A_76] : memref<91x1920xf32, #tpu.memory_space<hbm>> -> memref<1x1920xf32, #tpu.memory_space<hbm>>
    tpu.wait_dma2 semaphore(%arg13 : memref<!tpu.dma_semaphore, #tpu.memory_space<semaphore_mem>>) src(%dma_wait3A_77 : memref<1x1920xf32, #tpu.memory_space<hbm>>) dst(%dma_wait3A_75 : memref<1x1920xf32, #tpu.memory_space<vmem>>)
    %broadcast_in_dim3A = arith.constant -1.000000e+30 : f32
    %broadcast_in_dim3A_78 = vector.broadcast %broadcast_in_dim3A : f32 to vector<16xf32>
    %broadcast_in_dim3A_79 = arith.constant 0 : i32
    %broadcast_in_dim3A_80 = vector.broadcast %broadcast_in_dim3A_79 : i32 to vector<16xi32>
    %parallel_loop3A_81 = arith.constant 0 : i32
    %parallel_loop3A_82 = arith.constant 120 : i32
    %parallel_loop3A_83 = arith.constant 1 : i32
    %parallel_loop3A_84:6 = scf.for %parallel_loop3A_431 = %parallel_loop3A_81 to %parallel_loop3A_82 step %parallel_loop3A_83 iter_args(%parallel_loop3A_432 = %broadcast_in_dim3A_78, %parallel_loop3A_433 = %broadcast_in_dim3A_80, %parallel_loop3A_434 = %broadcast_in_dim3A_78, %parallel_loop3A_435 = %broadcast_in_dim3A_80, %parallel_loop3A_436 = %broadcast_in_dim3A_78, %parallel_loop3A_437 = %broadcast_in_dim3A_80) -> (vector<16xf32>, vector<16xi32>, vector<16xf32>, vector<16xi32>, vector<16xf32>, vector<16xi32>)  : i32 {
      %parallel_loop3A_438 = arith.constant 16 : i32
      %parallel_loop3A_439 = arith.muli %parallel_loop3A_431, %parallel_loop3A_438 : i32
      %parallel_loop3A_440 = arith.constant 0 : i32
      %parallel_loop3A_441 = arith.index_cast %parallel_loop3A_440 : i32 to index
      %parallel_loop3A_442 = arith.index_cast %parallel_loop3A_439 : i32 to index
      %parallel_loop3A_443 = tpu.vector_load %arg10[%parallel_loop3A_441, %parallel_loop3A_442] {strides = array<i32>} : memref<3x1920xf32, #tpu.memory_space<vmem>>, vector<16xf32>,
      %parallel_loop3A_444 = arith.constant 0.000000e+00 : f32
      %parallel_loop3A_445 = vector.broadcast %parallel_loop3A_444 : f32 to vector<16xf32>
      %parallel_loop3A_446 = arith.subf %parallel_loop3A_445, %parallel_loop3A_443 : vector<16xf32>
      %parallel_loop3A_447 = math.exp %parallel_loop3A_446 : vector<16xf32>
      %parallel_loop3A_448 = arith.constant 1.000000e+00 : f32
      %parallel_loop3A_449 = vector.broadcast %parallel_loop3A_448 : f32 to vector<16xf32>
      %parallel_loop3A_450 = arith.addf %parallel_loop3A_449, %parallel_loop3A_447 : vector<16xf32>
      %parallel_loop3A_451 = arith.constant 1.000000e+00 : f32
      %parallel_loop3A_452 = vector.broadcast %parallel_loop3A_451 : f32 to vector<16xf32>
      %parallel_loop3A_453 = arith.divf %parallel_loop3A_452, %parallel_loop3A_450 : vector<16xf32>
      %parallel_loop3A_454 = arith.constant 0.00999999977 : f32
      %parallel_loop3A_455 = vector.broadcast %parallel_loop3A_454 : f32 to vector<16xf32>
      %parallel_loop3A_456 = arith.cmpf ogt, %parallel_loop3A_453, %parallel_loop3A_455 : vector<16xf32>
      %parallel_loop3A_457 = arith.constant -1.000000e+30 : f32
      %parallel_loop3A_458 = vector.broadcast %parallel_loop3A_457 : f32 to vector<16xf32>
      %parallel_loop3A_459 = arith.select %parallel_loop3A_456, %parallel_loop3A_453, %parallel_loop3A_458 : vector<16xi1>, vector<16xf32>
      %parallel_loop3A_460 = arith.constant 0 : i32
      %parallel_loop3A_461 = arith.index_cast %parallel_loop3A_460 : i32 to index
      %parallel_loop3A_462 = arith.index_cast %parallel_loop3A_439 : i32 to index
      %parallel_loop3A_463 = tpu.vector_load %arg10[%parallel_loop3A_461, %parallel_loop3A_462] {strides = array<i32>} : memref<3x1920xf32, #tpu.memory_space<vmem>>, vector<16xf32>,
      tpu.vector_store %arg10[%parallel_loop3A_461, %parallel_loop3A_462], %parallel_loop3A_459 {strides = array<i32>} : memref<3x1920xf32, #tpu.memory_space<vmem>>, vector<16xf32>,
      %parallel_loop3A_464 = arith.cmpf ogt, %parallel_loop3A_459, %parallel_loop3A_432 : vector<16xf32>
      %parallel_loop3A_465 = arith.select %parallel_loop3A_464, %parallel_loop3A_459, %parallel_loop3A_432 : vector<16xi1>, vector<16xf32>
      %parallel_loop3A_466 = vector.broadcast %parallel_loop3A_431 : i32 to vector<16xi32>
      %parallel_loop3A_467 = arith.select %parallel_loop3A_464, %parallel_loop3A_466, %parallel_loop3A_433 : vector<16xi1>, vector<16xi32>
      %parallel_loop3A_468 = arith.constant 1 : i32
      %parallel_loop3A_469 = arith.index_cast %parallel_loop3A_468 : i32 to index
      %parallel_loop3A_470 = arith.index_cast %parallel_loop3A_439 : i32 to index
      %parallel_loop3A_471 = tpu.vector_load %arg10[%parallel_loop3A_469, %parallel_loop3A_470] {strides = array<i32>} : memref<3x1920xf32, #tpu.memory_space<vmem>>, vector<16xf32>,
      %parallel_loop3A_472 = arith.constant 0.000000e+00 : f32
      %parallel_loop3A_473 = vector.broadcast %parallel_loop3A_472 : f32 to vector<16xf32>
      %parallel_loop3A_474 = arith.subf %parallel_loop3A_473, %parallel_loop3A_471 : vector<16xf32>
      %parallel_loop3A_475 = math.exp %parallel_loop3A_474 : vector<16xf32>
      %parallel_loop3A_476 = arith.constant 1.000000e+00 : f32
      %parallel_loop3A_477 = vector.broadcast %parallel_loop3A_476 : f32 to vector<16xf32>
      %parallel_loop3A_478 = arith.addf %parallel_loop3A_477, %parallel_loop3A_475 : vector<16xf32>
      %parallel_loop3A_479 = arith.constant 1.000000e+00 : f32
      %parallel_loop3A_480 = vector.broadcast %parallel_loop3A_479 : f32 to vector<16xf32>
      %parallel_loop3A_481 = arith.divf %parallel_loop3A_480, %parallel_loop3A_478 : vector<16xf32>
      %parallel_loop3A_482 = arith.constant 0.00999999977 : f32
      %parallel_loop3A_483 = vector.broadcast %parallel_loop3A_482 : f32 to vector<16xf32>
      %parallel_loop3A_484 = arith.cmpf ogt, %parallel_loop3A_481, %parallel_loop3A_483 : vector<16xf32>
      %parallel_loop3A_485 = arith.constant -1.000000e+30 : f32
      %parallel_loop3A_486 = vector.broadcast %parallel_loop3A_485 : f32 to vector<16xf32>
      %parallel_loop3A_487 = arith.select %parallel_loop3A_484, %parallel_loop3A_481, %parallel_loop3A_486 : vector<16xi1>, vector<16xf32>
      %parallel_loop3A_488 = arith.constant 1 : i32
      %parallel_loop3A_489 = arith.index_cast %parallel_loop3A_488 : i32 to index
      %parallel_loop3A_490 = arith.index_cast %parallel_loop3A_439 : i32 to index
      %parallel_loop3A_491 = tpu.vector_load %arg10[%parallel_loop3A_489, %parallel_loop3A_490] {strides = array<i32>} : memref<3x1920xf32, #tpu.memory_space<vmem>>, vector<16xf32>,
      tpu.vector_store %arg10[%parallel_loop3A_489, %parallel_loop3A_490], %parallel_loop3A_487 {strides = array<i32>} : memref<3x1920xf32, #tpu.memory_space<vmem>>, vector<16xf32>,
      %parallel_loop3A_492 = arith.cmpf ogt, %parallel_loop3A_487, %parallel_loop3A_434 : vector<16xf32>
      %parallel_loop3A_493 = arith.select %parallel_loop3A_492, %parallel_loop3A_487, %parallel_loop3A_434 : vector<16xi1>, vector<16xf32>
      %parallel_loop3A_494 = vector.broadcast %parallel_loop3A_431 : i32 to vector<16xi32>
      %parallel_loop3A_495 = arith.select %parallel_loop3A_492, %parallel_loop3A_494, %parallel_loop3A_435 : vector<16xi1>, vector<16xi32>
      %parallel_loop3A_496 = arith.constant 2 : i32
      %parallel_loop3A_497 = arith.index_cast %parallel_loop3A_496 : i32 to index
      %parallel_loop3A_498 = arith.index_cast %parallel_loop3A_439 : i32 to index
      %parallel_loop3A_499 = tpu.vector_load %arg10[%parallel_loop3A_497, %parallel_loop3A_498] {strides = array<i32>} : memref<3x1920xf32, #tpu.memory_space<vmem>>, vector<16xf32>,
      %parallel_loop3A_500 = arith.constant 0.000000e+00 : f32
      %parallel_loop3A_501 = vector.broadcast %parallel_loop3A_500 : f32 to vector<16xf32>
      %parallel_loop3A_502 = arith.subf %parallel_loop3A_501, %parallel_loop3A_499 : vector<16xf32>
      %parallel_loop3A_503 = math.exp %parallel_loop3A_502 : vector<16xf32>
      %parallel_loop3A_504 = arith.constant 1.000000e+00 : f32
      %parallel_loop3A_505 = vector.broadcast %parallel_loop3A_504 : f32 to vector<16xf32>
      %parallel_loop3A_506 = arith.addf %parallel_loop3A_505, %parallel_loop3A_503 : vector<16xf32>
      %parallel_loop3A_507 = arith.constant 1.000000e+00 : f32
      %parallel_loop3A_508 = vector.broadcast %parallel_loop3A_507 : f32 to vector<16xf32>
      %parallel_loop3A_509 = arith.divf %parallel_loop3A_508, %parallel_loop3A_506 : vector<16xf32>
      %parallel_loop3A_510 = arith.constant 0.00999999977 : f32
      %parallel_loop3A_511 = vector.broadcast %parallel_loop3A_510 : f32 to vector<16xf32>
      %parallel_loop3A_512 = arith.cmpf ogt, %parallel_loop3A_509, %parallel_loop3A_511 : vector<16xf32>
      %parallel_loop3A_513 = arith.constant -1.000000e+30 : f32
      %parallel_loop3A_514 = vector.broadcast %parallel_loop3A_513 : f32 to vector<16xf32>
      %parallel_loop3A_515 = arith.select %parallel_loop3A_512, %parallel_loop3A_509, %parallel_loop3A_514 : vector<16xi1>, vector<16xf32>
      %parallel_loop3A_516 = arith.constant 2 : i32
      %parallel_loop3A_517 = arith.index_cast %parallel_loop3A_516 : i32 to index
      %parallel_loop3A_518 = arith.index_cast %parallel_loop3A_439 : i32 to index
      %parallel_loop3A_519 = tpu.vector_load %arg10[%parallel_loop3A_517, %parallel_loop3A_518] {strides = array<i32>} : memref<3x1920xf32, #tpu.memory_space<vmem>>, vector<16xf32>,
      tpu.vector_store %arg10[%parallel_loop3A_517, %parallel_loop3A_518], %parallel_loop3A_515 {strides = array<i32>} : memref<3x1920xf32, #tpu.memory_space<vmem>>, vector<16xf32>,
      %parallel_loop3A_520 = arith.cmpf ogt, %parallel_loop3A_515, %parallel_loop3A_436 : vector<16xf32>
      %parallel_loop3A_521 = arith.select %parallel_loop3A_520, %parallel_loop3A_515, %parallel_loop3A_436 : vector<16xi1>, vector<16xf32>
      %parallel_loop3A_522 = vector.broadcast %parallel_loop3A_431 : i32 to vector<16xi32>
      %parallel_loop3A_523 = arith.select %parallel_loop3A_520, %parallel_loop3A_522, %parallel_loop3A_437 : vector<16xi1>, vector<16xi32>
      scf.yield %parallel_loop3A_465, %parallel_loop3A_467, %parallel_loop3A_493, %parallel_loop3A_495, %parallel_loop3A_521, %parallel_loop3A_523 : vector<16xf32>, vector<16xi32>, vector<16xf32>, vector<16xi32>, vector<16xf32>, vector<16xi32>
    } {sc.loop_unroll_factor = 2 : i64, sc.parallel_access}
    %scan3A = arith.constant 0 : i32
    %scan3A_85 = arith.constant 9 : i32
    %scan3A_86 = arith.addi %scan3A, %scan3A_85 : i32
    %scan3A_87 = arith.constant 1 : i32
    %scan3A_88:6 = scf.for %scan3A_431 = %scan3A to %scan3A_86 step %scan3A_87 iter_args(%scan3A_432 = %parallel_loop3A_84#0, %scan3A_433 = %parallel_loop3A_84#1, %scan3A_434 = %parallel_loop3A_84#2, %scan3A_435 = %parallel_loop3A_84#3, %scan3A_436 = %parallel_loop3A_84#4, %scan3A_437 = %parallel_loop3A_84#5) -> (vector<16xf32>, vector<16xi32>, vector<16xf32>, vector<16xi32>, vector<16xf32>, vector<16xi32>)  : i32 {
      %reduce_max3A_438 = arith.constant true
      %reduce_max3A_439 = vector.broadcast %reduce_max3A_438 : i1 to vector<16xi1>
      %reduce_max3A_440 = tpu.scan <max>, %scan3A_432 masked %reduce_max3A_439 : vector<16xf32>, vector<16xi1> -> vector<16xf32>
      %reduce_max3A_441 = vector.extract %reduce_max3A_440[15] : f32 from vector<16xf32>
      %mul3A_442 = arith.constant 16 : i32
      %mul3A_443 = vector.broadcast %mul3A_442 : i32 to vector<16xi32>
      %mul3A_444 = arith.muli %scan3A_433, %mul3A_443 : vector<16xi32>
      %add3A_445 = arith.addi %mul3A_444, %iota3A : vector<16xi32>
      %eq3A_446 = vector.broadcast %reduce_max3A_441 : f32 to vector<16xf32>
      %eq3A_447 = arith.cmpf oeq, %scan3A_432, %eq3A_446 : vector<16xf32>
      %jit3A_448 = arith.constant 1073741824 : i32
      %broadcast_in_dim3A_449 = vector.broadcast %jit3A_448 : i32 to vector<16xi32>
      %select_n3A_450 = arith.select %eq3A_447, %add3A_445, %broadcast_in_dim3A_449 : vector<16xi1>, vector<16xi32>
      %reduce_min3A_451 = arith.constant true
      %reduce_min3A_452 = vector.broadcast %reduce_min3A_451 : i1 to vector<16xi1>
      %reduce_min3A_453 = arith.constant -2147483648 : i32
      %reduce_min3A_454 = vector.broadcast %reduce_min3A_453 : i32 to vector<16xi32>
      %reduce_min3A_455 = arith.xori %select_n3A_450, %reduce_min3A_454 : vector<16xi32>
      %reduce_min3A_456 = tpu.scan <min>, %reduce_min3A_455 masked %reduce_min3A_452 : vector<16xi32>, vector<16xi1> -> vector<16xi32>
      %reduce_min3A_457 = arith.xori %reduce_min3A_456, %reduce_min3A_454 : vector<16xi32>
      %reduce_min3A_458 = vector.extract %reduce_min3A_457[15] : i32 from vector<16xi32>
      %broadcast_in_dim3A_459 = vector.broadcast %reduce_min3A_458 : i32 to vector<16xi32>
      %gather3A_460 = tpu.vector_load_idx %arg8[%broadcast_in_dim3A_80, %broadcast_in_dim3A_459] : memref<4x1920xf32, #tpu.memory_space<vmem>>[vector<16xi32>, vector<16xi32>], vector<16xf32>,
      %broadcast_in_dim3A_461 = arith.constant 1 : i32
      %broadcast_in_dim3A_462 = vector.broadcast %broadcast_in_dim3A_461 : i32 to vector<16xi32>
      %gather3A_463 = tpu.vector_load_idx %arg8[%broadcast_in_dim3A_462, %broadcast_in_dim3A_459] : memref<4x1920xf32, #tpu.memory_space<vmem>>[vector<16xi32>, vector<16xi32>], vector<16xf32>,
      %broadcast_in_dim3A_464 = arith.constant 2 : i32
      %broadcast_in_dim3A_465 = vector.broadcast %broadcast_in_dim3A_464 : i32 to vector<16xi32>
      %gather3A_466 = tpu.vector_load_idx %arg8[%broadcast_in_dim3A_465, %broadcast_in_dim3A_459] : memref<4x1920xf32, #tpu.memory_space<vmem>>[vector<16xi32>, vector<16xi32>], vector<16xf32>,
      %broadcast_in_dim3A_467 = arith.constant 3 : i32
      %broadcast_in_dim3A_468 = vector.broadcast %broadcast_in_dim3A_467 : i32 to vector<16xi32>
      %gather3A_469 = tpu.vector_load_idx %arg8[%broadcast_in_dim3A_468, %broadcast_in_dim3A_459] : memref<4x1920xf32, #tpu.memory_space<vmem>>[vector<16xi32>, vector<16xi32>], vector<16xf32>,
      %gather3A_470 = tpu.vector_load_idx %arg9[%broadcast_in_dim3A_459] : memref<1920xf32, #tpu.memory_space<vmem>>[vector<16xi32>], vector<16xf32>,
      %broadcast_in_dim3A_471 = arith.constant 0 : i32
      %broadcast_in_dim3A_472 = vector.broadcast %broadcast_in_dim3A_471 : i32 to vector<16xi32>
      tpu.vector_store_idx %arg10[%broadcast_in_dim3A_472, %broadcast_in_dim3A_459], %broadcast_in_dim3A_78 : memref<3x1920xf32, #tpu.memory_space<vmem>>[vector<16xi32>, vector<16xi32>], vector<16xf32>,
      %eq3A_473 = vector.broadcast %scan3A_431 : i32 to vector<16xi32>
      %eq3A_474 = arith.cmpi eq, %iota3A, %eq3A_473 : vector<16xi32>
      %broadcast_in_dim3A_475 = vector.broadcast %reduce_max3A_441 : f32 to vector<16xf32>
      %get3A_476 = arith.constant 0 : i32
      %get3A_477 = arith.index_cast %get3A_476 : i32 to index
      %get3A_478 = arith.constant 0 : index
      %get3A_479 = tpu.vector_load %arg11[%get3A_477, %get3A_478] {strides = array<i32>} : memref<3x96xf32, #tpu.memory_space<vmem>>, vector<16xf32>,
      %select_n3A_480 = arith.select %eq3A_474, %broadcast_in_dim3A_475, %get3A_479 : vector<16xi1>, vector<16xf32>
      %swap3A_481 = arith.constant 0 : i32
      %swap3A_482 = arith.index_cast %swap3A_481 : i32 to index
      %swap3A_483 = arith.constant 0 : index
      %swap3A_484 = tpu.vector_load %arg11[%swap3A_482, %swap3A_483] {strides = array<i32>} : memref<3x96xf32, #tpu.memory_space<vmem>>, vector<16xf32>,
      tpu.vector_store %arg11[%swap3A_482, %swap3A_483], %select_n3A_480 {strides = array<i32>} : memref<3x96xf32, #tpu.memory_space<vmem>>, vector<16xf32>,
      %convert_element_type3A_485 = arith.sitofp %reduce_min3A_458 : i32 to f32
      %broadcast_in_dim3A_486 = vector.broadcast %convert_element_type3A_485 : f32 to vector<16xf32>
      %get3A_487 = arith.constant 0 : i32
      %get3A_488 = arith.index_cast %get3A_487 : i32 to index
      %get3A_489 = arith.constant 16 : index
      %get3A_490 = tpu.vector_load %arg11[%get3A_488, %get3A_489] {strides = array<i32>} : memref<3x96xf32, #tpu.memory_space<vmem>>, vector<16xf32>,
      %select_n3A_491 = arith.select %eq3A_474, %broadcast_in_dim3A_486, %get3A_490 : vector<16xi1>, vector<16xf32>
      %swap3A_492 = arith.constant 0 : i32
      %swap3A_493 = arith.index_cast %swap3A_492 : i32 to index
      %swap3A_494 = arith.constant 16 : index
      %swap3A_495 = tpu.vector_load %arg11[%swap3A_493, %swap3A_494] {strides = array<i32>} : memref<3x96xf32, #tpu.memory_space<vmem>>, vector<16xf32>,
      tpu.vector_store %arg11[%swap3A_493, %swap3A_494], %select_n3A_491 {strides = array<i32>} : memref<3x96xf32, #tpu.memory_space<vmem>>, vector<16xf32>,
      %get3A_496 = arith.constant 0 : i32
      %get3A_497 = arith.index_cast %get3A_496 : i32 to index
      %get3A_498 = arith.constant 32 : index
      %get3A_499 = tpu.vector_load %arg11[%get3A_497, %get3A_498] {strides = array<i32>} : memref<3x96xf32, #tpu.memory_space<vmem>>, vector<16xf32>,
      %select_n3A_500 = arith.select %eq3A_474, %gather3A_460, %get3A_499 : vector<16xi1>, vector<16xf32>
      %swap3A_501 = arith.constant 0 : i32
      %swap3A_502 = arith.index_cast %swap3A_501 : i32 to index
      %swap3A_503 = arith.constant 32 : index
      %swap3A_504 = tpu.vector_load %arg11[%swap3A_502, %swap3A_503] {strides = array<i32>} : memref<3x96xf32, #tpu.memory_space<vmem>>, vector<16xf32>,
      tpu.vector_store %arg11[%swap3A_502, %swap3A_503], %select_n3A_500 {strides = array<i32>} : memref<3x96xf32, #tpu.memory_space<vmem>>, vector<16xf32>,
      %get3A_505 = arith.constant 0 : i32
      %get3A_506 = arith.index_cast %get3A_505 : i32 to index
      %get3A_507 = arith.constant 48 : index
      %get3A_508 = tpu.vector_load %arg11[%get3A_506, %get3A_507] {strides = array<i32>} : memref<3x96xf32, #tpu.memory_space<vmem>>, vector<16xf32>,
      %select_n3A_509 = arith.select %eq3A_474, %gather3A_463, %get3A_508 : vector<16xi1>, vector<16xf32>
      %swap3A_510 = arith.constant 0 : i32
      %swap3A_511 = arith.index_cast %swap3A_510 : i32 to index
      %swap3A_512 = arith.constant 48 : index
      %swap3A_513 = tpu.vector_load %arg11[%swap3A_511, %swap3A_512] {strides = array<i32>} : memref<3x96xf32, #tpu.memory_space<vmem>>, vector<16xf32>,
      tpu.vector_store %arg11[%swap3A_511, %swap3A_512], %select_n3A_509 {strides = array<i32>} : memref<3x96xf32, #tpu.memory_space<vmem>>, vector<16xf32>,
      %get3A_514 = arith.constant 0 : i32
      %get3A_515 = arith.index_cast %get3A_514 : i32 to index
      %get3A_516 = arith.constant 64 : index
      %get3A_517 = tpu.vector_load %arg11[%get3A_515, %get3A_516] {strides = array<i32>} : memref<3x96xf32, #tpu.memory_space<vmem>>, vector<16xf32>,
      %select_n3A_518 = arith.select %eq3A_474, %gather3A_466, %get3A_517 : vector<16xi1>, vector<16xf32>
      %swap3A_519 = arith.constant 0 : i32
      %swap3A_520 = arith.index_cast %swap3A_519 : i32 to index
      %swap3A_521 = arith.constant 64 : index
      %swap3A_522 = tpu.vector_load %arg11[%swap3A_520, %swap3A_521] {strides = array<i32>} : memref<3x96xf32, #tpu.memory_space<vmem>>, vector<16xf32>,
      tpu.vector_store %arg11[%swap3A_520, %swap3A_521], %select_n3A_518 {strides = array<i32>} : memref<3x96xf32, #tpu.memory_space<vmem>>, vector<16xf32>,
      %get3A_523 = arith.constant 0 : i32
      %get3A_524 = arith.index_cast %get3A_523 : i32 to index
      %get3A_525 = arith.constant 80 : index
      %get3A_526 = tpu.vector_load %arg11[%get3A_524, %get3A_525] {strides = array<i32>} : memref<3x96xf32, #tpu.memory_space<vmem>>, vector<16xf32>,
      %select_n3A_527 = arith.select %eq3A_474, %gather3A_469, %get3A_526 : vector<16xi1>, vector<16xf32>
      %swap3A_528 = arith.constant 0 : i32
      %swap3A_529 = arith.index_cast %swap3A_528 : i32 to index
      %swap3A_530 = arith.constant 80 : index
      %swap3A_531 = tpu.vector_load %arg11[%swap3A_529, %swap3A_530] {strides = array<i32>} : memref<3x96xf32, #tpu.memory_space<vmem>>, vector<16xf32>,
      tpu.vector_store %arg11[%swap3A_529, %swap3A_530], %select_n3A_527 {strides = array<i32>} : memref<3x96xf32, #tpu.memory_space<vmem>>, vector<16xf32>,
      %reduce_max3A_532 = arith.constant true
      %reduce_max3A_533 = vector.broadcast %reduce_max3A_532 : i1 to vector<16xi1>
      %reduce_max3A_534 = tpu.scan <max>, %scan3A_434 masked %reduce_max3A_533 : vector<16xf32>, vector<16xi1> -> vector<16xf32>
      %reduce_max3A_535 = vector.extract %reduce_max3A_534[15] : f32 from vector<16xf32>
      %mul3A_536 = arith.constant 16 : i32
      %mul3A_537 = vector.broadcast %mul3A_536 : i32 to vector<16xi32>
      %mul3A_538 = arith.muli %scan3A_435, %mul3A_537 : vector<16xi32>
      %add3A_539 = arith.addi %mul3A_538, %iota3A : vector<16xi32>
      %eq3A_540 = vector.broadcast %reduce_max3A_535 : f32 to vector<16xf32>
      %eq3A_541 = arith.cmpf oeq, %scan3A_434, %eq3A_540 : vector<16xf32>
      %jit3A_542 = arith.constant 1073741824 : i32
      %broadcast_in_dim3A_543 = vector.broadcast %jit3A_542 : i32 to vector<16xi32>
      %select_n3A_544 = arith.select %eq3A_541, %add3A_539, %broadcast_in_dim3A_543 : vector<16xi1>, vector<16xi32>
      %reduce_min3A_545 = arith.constant true
      %reduce_min3A_546 = vector.broadcast %reduce_min3A_545 : i1 to vector<16xi1>
      %reduce_min3A_547 = arith.constant -2147483648 : i32
      %reduce_min3A_548 = vector.broadcast %reduce_min3A_547 : i32 to vector<16xi32>
      %reduce_min3A_549 = arith.xori %select_n3A_544, %reduce_min3A_548 : vector<16xi32>
      %reduce_min3A_550 = tpu.scan <min>, %reduce_min3A_549 masked %reduce_min3A_546 : vector<16xi32>, vector<16xi1> -> vector<16xi32>
      %reduce_min3A_551 = arith.xori %reduce_min3A_550, %reduce_min3A_548 : vector<16xi32>
      %reduce_min3A_552 = vector.extract %reduce_min3A_551[15] : i32 from vector<16xi32>
      %broadcast_in_dim3A_553 = vector.broadcast %reduce_min3A_552 : i32 to vector<16xi32>
      %gather3A_554 = tpu.vector_load_idx %arg8[%broadcast_in_dim3A_80, %broadcast_in_dim3A_553] : memref<4x1920xf32, #tpu.memory_space<vmem>>[vector<16xi32>, vector<16xi32>], vector<16xf32>,
      %broadcast_in_dim3A_555 = arith.constant 1 : i32
      %broadcast_in_dim3A_556 = vector.broadcast %broadcast_in_dim3A_555 : i32 to vector<16xi32>
      %gather3A_557 = tpu.vector_load_idx %arg8[%broadcast_in_dim3A_556, %broadcast_in_dim3A_553] : memref<4x1920xf32, #tpu.memory_space<vmem>>[vector<16xi32>, vector<16xi32>], vector<16xf32>,
      %broadcast_in_dim3A_558 = arith.constant 2 : i32
      %broadcast_in_dim3A_559 = vector.broadcast %broadcast_in_dim3A_558 : i32 to vector<16xi32>
      %gather3A_560 = tpu.vector_load_idx %arg8[%broadcast_in_dim3A_559, %broadcast_in_dim3A_553] : memref<4x1920xf32, #tpu.memory_space<vmem>>[vector<16xi32>, vector<16xi32>], vector<16xf32>,
      %broadcast_in_dim3A_561 = arith.constant 3 : i32
      %broadcast_in_dim3A_562 = vector.broadcast %broadcast_in_dim3A_561 : i32 to vector<16xi32>
      %gather3A_563 = tpu.vector_load_idx %arg8[%broadcast_in_dim3A_562, %broadcast_in_dim3A_553] : memref<4x1920xf32, #tpu.memory_space<vmem>>[vector<16xi32>, vector<16xi32>], vector<16xf32>,
      %gather3A_564 = tpu.vector_load_idx %arg9[%broadcast_in_dim3A_553] : memref<1920xf32, #tpu.memory_space<vmem>>[vector<16xi32>], vector<16xf32>,
      %broadcast_in_dim3A_565 = arith.constant 1 : i32
      %broadcast_in_dim3A_566 = vector.broadcast %broadcast_in_dim3A_565 : i32 to vector<16xi32>
      tpu.vector_store_idx %arg10[%broadcast_in_dim3A_566, %broadcast_in_dim3A_553], %broadcast_in_dim3A_78 : memref<3x1920xf32, #tpu.memory_space<vmem>>[vector<16xi32>, vector<16xi32>], vector<16xf32>,
      %eq3A_567 = vector.broadcast %scan3A_431 : i32 to vector<16xi32>
      %eq3A_568 = arith.cmpi eq, %iota3A, %eq3A_567 : vector<16xi32>
      %broadcast_in_dim3A_569 = vector.broadcast %reduce_max3A_535 : f32 to vector<16xf32>
      %get3A_570 = arith.constant 1 : i32
      %get3A_571 = arith.index_cast %get3A_570 : i32 to index
      %get3A_572 = arith.constant 0 : index
      %get3A_573 = tpu.vector_load %arg11[%get3A_571, %get3A_572] {strides = array<i32>} : memref<3x96xf32, #tpu.memory_space<vmem>>, vector<16xf32>,
      %select_n3A_574 = arith.select %eq3A_568, %broadcast_in_dim3A_569, %get3A_573 : vector<16xi1>, vector<16xf32>
      %swap3A_575 = arith.constant 1 : i32
      %swap3A_576 = arith.index_cast %swap3A_575 : i32 to index
      %swap3A_577 = arith.constant 0 : index
      %swap3A_578 = tpu.vector_load %arg11[%swap3A_576, %swap3A_577] {strides = array<i32>} : memref<3x96xf32, #tpu.memory_space<vmem>>, vector<16xf32>,
      tpu.vector_store %arg11[%swap3A_576, %swap3A_577], %select_n3A_574 {strides = array<i32>} : memref<3x96xf32, #tpu.memory_space<vmem>>, vector<16xf32>,
      %convert_element_type3A_579 = arith.sitofp %reduce_min3A_552 : i32 to f32
      %broadcast_in_dim3A_580 = vector.broadcast %convert_element_type3A_579 : f32 to vector<16xf32>
      %get3A_581 = arith.constant 1 : i32
      %get3A_582 = arith.index_cast %get3A_581 : i32 to index
      %get3A_583 = arith.constant 16 : index
      %get3A_584 = tpu.vector_load %arg11[%get3A_582, %get3A_583] {strides = array<i32>} : memref<3x96xf32, #tpu.memory_space<vmem>>, vector<16xf32>,
      %select_n3A_585 = arith.select %eq3A_568, %broadcast_in_dim3A_580, %get3A_584 : vector<16xi1>, vector<16xf32>
      %swap3A_586 = arith.constant 1 : i32
      %swap3A_587 = arith.index_cast %swap3A_586 : i32 to index
      %swap3A_588 = arith.constant 16 : index
      %swap3A_589 = tpu.vector_load %arg11[%swap3A_587, %swap3A_588] {strides = array<i32>} : memref<3x96xf32, #tpu.memory_space<vmem>>, vector<16xf32>,
      tpu.vector_store %arg11[%swap3A_587, %swap3A_588], %select_n3A_585 {strides = array<i32>} : memref<3x96xf32, #tpu.memory_space<vmem>>, vector<16xf32>,
      %get3A_590 = arith.constant 1 : i32
      %get3A_591 = arith.index_cast %get3A_590 : i32 to index
      %get3A_592 = arith.constant 32 : index
      %get3A_593 = tpu.vector_load %arg11[%get3A_591, %get3A_592] {strides = array<i32>} : memref<3x96xf32, #tpu.memory_space<vmem>>, vector<16xf32>,
      %select_n3A_594 = arith.select %eq3A_568, %gather3A_554, %get3A_593 : vector<16xi1>, vector<16xf32>
      %swap3A_595 = arith.constant 1 : i32
      %swap3A_596 = arith.index_cast %swap3A_595 : i32 to index
      %swap3A_597 = arith.constant 32 : index
      %swap3A_598 = tpu.vector_load %arg11[%swap3A_596, %swap3A_597] {strides = array<i32>} : memref<3x96xf32, #tpu.memory_space<vmem>>, vector<16xf32>,
      tpu.vector_store %arg11[%swap3A_596, %swap3A_597], %select_n3A_594 {strides = array<i32>} : memref<3x96xf32, #tpu.memory_space<vmem>>, vector<16xf32>,
      %get3A_599 = arith.constant 1 : i32
      %get3A_600 = arith.index_cast %get3A_599 : i32 to index
      %get3A_601 = arith.constant 48 : index
      %get3A_602 = tpu.vector_load %arg11[%get3A_600, %get3A_601] {strides = array<i32>} : memref<3x96xf32, #tpu.memory_space<vmem>>, vector<16xf32>,
      %select_n3A_603 = arith.select %eq3A_568, %gather3A_557, %get3A_602 : vector<16xi1>, vector<16xf32>
      %swap3A_604 = arith.constant 1 : i32
      %swap3A_605 = arith.index_cast %swap3A_604 : i32 to index
      %swap3A_606 = arith.constant 48 : index
      %swap3A_607 = tpu.vector_load %arg11[%swap3A_605, %swap3A_606] {strides = array<i32>} : memref<3x96xf32, #tpu.memory_space<vmem>>, vector<16xf32>,
      tpu.vector_store %arg11[%swap3A_605, %swap3A_606], %select_n3A_603 {strides = array<i32>} : memref<3x96xf32, #tpu.memory_space<vmem>>, vector<16xf32>,
      %get3A_608 = arith.constant 1 : i32
      %get3A_609 = arith.index_cast %get3A_608 : i32 to index
      %get3A_610 = arith.constant 64 : index
      %get3A_611 = tpu.vector_load %arg11[%get3A_609, %get3A_610] {strides = array<i32>} : memref<3x96xf32, #tpu.memory_space<vmem>>, vector<16xf32>,
      %select_n3A_612 = arith.select %eq3A_568, %gather3A_560, %get3A_611 : vector<16xi1>, vector<16xf32>
      %swap3A_613 = arith.constant 1 : i32
      %swap3A_614 = arith.index_cast %swap3A_613 : i32 to index
      %swap3A_615 = arith.constant 64 : index
      %swap3A_616 = tpu.vector_load %arg11[%swap3A_614, %swap3A_615] {strides = array<i32>} : memref<3x96xf32, #tpu.memory_space<vmem>>, vector<16xf32>,
      tpu.vector_store %arg11[%swap3A_614, %swap3A_615], %select_n3A_612 {strides = array<i32>} : memref<3x96xf32, #tpu.memory_space<vmem>>, vector<16xf32>,
      %get3A_617 = arith.constant 1 : i32
      %get3A_618 = arith.index_cast %get3A_617 : i32 to index
      %get3A_619 = arith.constant 80 : index
      %get3A_620 = tpu.vector_load %arg11[%get3A_618, %get3A_619] {strides = array<i32>} : memref<3x96xf32, #tpu.memory_space<vmem>>, vector<16xf32>,
      %select_n3A_621 = arith.select %eq3A_568, %gather3A_563, %get3A_620 : vector<16xi1>, vector<16xf32>
      %swap3A_622 = arith.constant 1 : i32
      %swap3A_623 = arith.index_cast %swap3A_622 : i32 to index
      %swap3A_624 = arith.constant 80 : index
      %swap3A_625 = tpu.vector_load %arg11[%swap3A_623, %swap3A_624] {strides = array<i32>} : memref<3x96xf32, #tpu.memory_space<vmem>>, vector<16xf32>,
      tpu.vector_store %arg11[%swap3A_623, %swap3A_624], %select_n3A_621 {strides = array<i32>} : memref<3x96xf32, #tpu.memory_space<vmem>>, vector<16xf32>,
      %reduce_max3A_626 = arith.constant true
      %reduce_max3A_627 = vector.broadcast %reduce_max3A_626 : i1 to vector<16xi1>
      %reduce_max3A_628 = tpu.scan <max>, %scan3A_436 masked %reduce_max3A_627 : vector<16xf32>, vector<16xi1> -> vector<16xf32>
      %reduce_max3A_629 = vector.extract %reduce_max3A_628[15] : f32 from vector<16xf32>
      %mul3A_630 = arith.constant 16 : i32
      %mul3A_631 = vector.broadcast %mul3A_630 : i32 to vector<16xi32>
      %mul3A_632 = arith.muli %scan3A_437, %mul3A_631 : vector<16xi32>
      %add3A_633 = arith.addi %mul3A_632, %iota3A : vector<16xi32>
      %eq3A_634 = vector.broadcast %reduce_max3A_629 : f32 to vector<16xf32>
      %eq3A_635 = arith.cmpf oeq, %scan3A_436, %eq3A_634 : vector<16xf32>
      %jit3A_636 = arith.constant 1073741824 : i32
      %broadcast_in_dim3A_637 = vector.broadcast %jit3A_636 : i32 to vector<16xi32>
      %select_n3A_638 = arith.select %eq3A_635, %add3A_633, %broadcast_in_dim3A_637 : vector<16xi1>, vector<16xi32>
      %reduce_min3A_639 = arith.constant true
      %reduce_min3A_640 = vector.broadcast %reduce_min3A_639 : i1 to vector<16xi1>
      %reduce_min3A_641 = arith.constant -2147483648 : i32
      %reduce_min3A_642 = vector.broadcast %reduce_min3A_641 : i32 to vector<16xi32>
      %reduce_min3A_643 = arith.xori %select_n3A_638, %reduce_min3A_642 : vector<16xi32>
      %reduce_min3A_644 = tpu.scan <min>, %reduce_min3A_643 masked %reduce_min3A_640 : vector<16xi32>, vector<16xi1> -> vector<16xi32>
      %reduce_min3A_645 = arith.xori %reduce_min3A_644, %reduce_min3A_642 : vector<16xi32>
      %reduce_min3A_646 = vector.extract %reduce_min3A_645[15] : i32 from vector<16xi32>
      %broadcast_in_dim3A_647 = vector.broadcast %reduce_min3A_646 : i32 to vector<16xi32>
      %gather3A_648 = tpu.vector_load_idx %arg8[%broadcast_in_dim3A_80, %broadcast_in_dim3A_647] : memref<4x1920xf32, #tpu.memory_space<vmem>>[vector<16xi32>, vector<16xi32>], vector<16xf32>,
      %broadcast_in_dim3A_649 = arith.constant 1 : i32
      %broadcast_in_dim3A_650 = vector.broadcast %broadcast_in_dim3A_649 : i32 to vector<16xi32>
      %gather3A_651 = tpu.vector_load_idx %arg8[%broadcast_in_dim3A_650, %broadcast_in_dim3A_647] : memref<4x1920xf32, #tpu.memory_space<vmem>>[vector<16xi32>, vector<16xi32>], vector<16xf32>,
      %broadcast_in_dim3A_652 = arith.constant 2 : i32
      %broadcast_in_dim3A_653 = vector.broadcast %broadcast_in_dim3A_652 : i32 to vector<16xi32>
      %gather3A_654 = tpu.vector_load_idx %arg8[%broadcast_in_dim3A_653, %broadcast_in_dim3A_647] : memref<4x1920xf32, #tpu.memory_space<vmem>>[vector<16xi32>, vector<16xi32>], vector<16xf32>,
      %broadcast_in_dim3A_655 = arith.constant 3 : i32
      %broadcast_in_dim3A_656 = vector.broadcast %broadcast_in_dim3A_655 : i32 to vector<16xi32>
      %gather3A_657 = tpu.vector_load_idx %arg8[%broadcast_in_dim3A_656, %broadcast_in_dim3A_647] : memref<4x1920xf32, #tpu.memory_space<vmem>>[vector<16xi32>, vector<16xi32>], vector<16xf32>,
      %gather3A_658 = tpu.vector_load_idx %arg9[%broadcast_in_dim3A_647] : memref<1920xf32, #tpu.memory_space<vmem>>[vector<16xi32>], vector<16xf32>,
      %broadcast_in_dim3A_659 = arith.constant 2 : i32
      %broadcast_in_dim3A_660 = vector.broadcast %broadcast_in_dim3A_659 : i32 to vector<16xi32>
      tpu.vector_store_idx %arg10[%broadcast_in_dim3A_660, %broadcast_in_dim3A_647], %broadcast_in_dim3A_78 : memref<3x1920xf32, #tpu.memory_space<vmem>>[vector<16xi32>, vector<16xi32>], vector<16xf32>,
      %eq3A_661 = vector.broadcast %scan3A_431 : i32 to vector<16xi32>
      %eq3A_662 = arith.cmpi eq, %iota3A, %eq3A_661 : vector<16xi32>
      %broadcast_in_dim3A_663 = vector.broadcast %reduce_max3A_629 : f32 to vector<16xf32>
      %get3A_664 = arith.constant 2 : i32
      %get3A_665 = arith.index_cast %get3A_664 : i32 to index
      %get3A_666 = arith.constant 0 : index
      %get3A_667 = tpu.vector_load %arg11[%get3A_665, %get3A_666] {strides = array<i32>} : memref<3x96xf32, #tpu.memory_space<vmem>>, vector<16xf32>,
      %select_n3A_668 = arith.select %eq3A_662, %broadcast_in_dim3A_663, %get3A_667 : vector<16xi1>, vector<16xf32>
      %swap3A_669 = arith.constant 2 : i32
      %swap3A_670 = arith.index_cast %swap3A_669 : i32 to index
      %swap3A_671 = arith.constant 0 : index
      %swap3A_672 = tpu.vector_load %arg11[%swap3A_670, %swap3A_671] {strides = array<i32>} : memref<3x96xf32, #tpu.memory_space<vmem>>, vector<16xf32>,
      tpu.vector_store %arg11[%swap3A_670, %swap3A_671], %select_n3A_668 {strides = array<i32>} : memref<3x96xf32, #tpu.memory_space<vmem>>, vector<16xf32>,
      %convert_element_type3A_673 = arith.sitofp %reduce_min3A_646 : i32 to f32
      %broadcast_in_dim3A_674 = vector.broadcast %convert_element_type3A_673 : f32 to vector<16xf32>
      %get3A_675 = arith.constant 2 : i32
      %get3A_676 = arith.index_cast %get3A_675 : i32 to index
      %get3A_677 = arith.constant 16 : index
      %get3A_678 = tpu.vector_load %arg11[%get3A_676, %get3A_677] {strides = array<i32>} : memref<3x96xf32, #tpu.memory_space<vmem>>, vector<16xf32>,
      %select_n3A_679 = arith.select %eq3A_662, %broadcast_in_dim3A_674, %get3A_678 : vector<16xi1>, vector<16xf32>
      %swap3A_680 = arith.constant 2 : i32
      %swap3A_681 = arith.index_cast %swap3A_680 : i32 to index
      %swap3A_682 = arith.constant 16 : index
      %swap3A_683 = tpu.vector_load %arg11[%swap3A_681, %swap3A_682] {strides = array<i32>} : memref<3x96xf32, #tpu.memory_space<vmem>>, vector<16xf32>,
      tpu.vector_store %arg11[%swap3A_681, %swap3A_682], %select_n3A_679 {strides = array<i32>} : memref<3x96xf32, #tpu.memory_space<vmem>>, vector<16xf32>,
      %get3A_684 = arith.constant 2 : i32
      %get3A_685 = arith.index_cast %get3A_684 : i32 to index
      %get3A_686 = arith.constant 32 : index
      %get3A_687 = tpu.vector_load %arg11[%get3A_685, %get3A_686] {strides = array<i32>} : memref<3x96xf32, #tpu.memory_space<vmem>>, vector<16xf32>,
      %select_n3A_688 = arith.select %eq3A_662, %gather3A_648, %get3A_687 : vector<16xi1>, vector<16xf32>
      %swap3A_689 = arith.constant 2 : i32
      %swap3A_690 = arith.index_cast %swap3A_689 : i32 to index
      %swap3A_691 = arith.constant 32 : index
      %swap3A_692 = tpu.vector_load %arg11[%swap3A_690, %swap3A_691] {strides = array<i32>} : memref<3x96xf32, #tpu.memory_space<vmem>>, vector<16xf32>,
      tpu.vector_store %arg11[%swap3A_690, %swap3A_691], %select_n3A_688 {strides = array<i32>} : memref<3x96xf32, #tpu.memory_space<vmem>>, vector<16xf32>,
      %get3A_693 = arith.constant 2 : i32
      %get3A_694 = arith.index_cast %get3A_693 : i32 to index
      %get3A_695 = arith.constant 48 : index
      %get3A_696 = tpu.vector_load %arg11[%get3A_694, %get3A_695] {strides = array<i32>} : memref<3x96xf32, #tpu.memory_space<vmem>>, vector<16xf32>,
      %select_n3A_697 = arith.select %eq3A_662, %gather3A_651, %get3A_696 : vector<16xi1>, vector<16xf32>
      %swap3A_698 = arith.constant 2 : i32
      %swap3A_699 = arith.index_cast %swap3A_698 : i32 to index
      %swap3A_700 = arith.constant 48 : index
      %swap3A_701 = tpu.vector_load %arg11[%swap3A_699, %swap3A_700] {strides = array<i32>} : memref<3x96xf32, #tpu.memory_space<vmem>>, vector<16xf32>,
      tpu.vector_store %arg11[%swap3A_699, %swap3A_700], %select_n3A_697 {strides = array<i32>} : memref<3x96xf32, #tpu.memory_space<vmem>>, vector<16xf32>,
      %get3A_702 = arith.constant 2 : i32
      %get3A_703 = arith.index_cast %get3A_702 : i32 to index
      %get3A_704 = arith.constant 64 : index
      %get3A_705 = tpu.vector_load %arg11[%get3A_703, %get3A_704] {strides = array<i32>} : memref<3x96xf32, #tpu.memory_space<vmem>>, vector<16xf32>,
      %select_n3A_706 = arith.select %eq3A_662, %gather3A_654, %get3A_705 : vector<16xi1>, vector<16xf32>
      %swap3A_707 = arith.constant 2 : i32
      %swap3A_708 = arith.index_cast %swap3A_707 : i32 to index
      %swap3A_709 = arith.constant 64 : index
      %swap3A_710 = tpu.vector_load %arg11[%swap3A_708, %swap3A_709] {strides = array<i32>} : memref<3x96xf32, #tpu.memory_space<vmem>>, vector<16xf32>,
      tpu.vector_store %arg11[%swap3A_708, %swap3A_709], %select_n3A_706 {strides = array<i32>} : memref<3x96xf32, #tpu.memory_space<vmem>>, vector<16xf32>,
      %get3A_711 = arith.constant 2 : i32
      %get3A_712 = arith.index_cast %get3A_711 : i32 to index
      %get3A_713 = arith.constant 80 : index
      %get3A_714 = tpu.vector_load %arg11[%get3A_712, %get3A_713] {strides = array<i32>} : memref<3x96xf32, #tpu.memory_space<vmem>>, vector<16xf32>,
      %select_n3A_715 = arith.select %eq3A_662, %gather3A_657, %get3A_714 : vector<16xi1>, vector<16xf32>
      %swap3A_716 = arith.constant 2 : i32
      %swap3A_717 = arith.index_cast %swap3A_716 : i32 to index
      %swap3A_718 = arith.constant 80 : index
      %swap3A_719 = tpu.vector_load %arg11[%swap3A_717, %swap3A_718] {strides = array<i32>} : memref<3x96xf32, #tpu.memory_space<vmem>>, vector<16xf32>,
      tpu.vector_store %arg11[%swap3A_717, %swap3A_718], %select_n3A_715 {strides = array<i32>} : memref<3x96xf32, #tpu.memory_space<vmem>>, vector<16xf32>,
      %parallel_loop3A_720 = arith.constant 0 : i32
      %parallel_loop3A_721 = arith.constant 120 : i32
      %parallel_loop3A_722 = arith.constant 1 : i32
      %parallel_loop3A_723:6 = scf.for %parallel_loop3A_724 = %parallel_loop3A_720 to %parallel_loop3A_721 step %parallel_loop3A_722 iter_args(%parallel_loop3A_725 = %broadcast_in_dim3A_78, %parallel_loop3A_726 = %broadcast_in_dim3A_80, %parallel_loop3A_727 = %broadcast_in_dim3A_78, %parallel_loop3A_728 = %broadcast_in_dim3A_80, %parallel_loop3A_729 = %broadcast_in_dim3A_78, %parallel_loop3A_730 = %broadcast_in_dim3A_80) -> (vector<16xf32>, vector<16xi32>, vector<16xf32>, vector<16xi32>, vector<16xf32>, vector<16xi32>)  : i32 {
        %parallel_loop3A_731 = arith.constant 16 : i32
        %parallel_loop3A_732 = arith.muli %parallel_loop3A_724, %parallel_loop3A_731 : i32
        %parallel_loop3A_733 = arith.constant 0 : i32
        %parallel_loop3A_734 = arith.index_cast %parallel_loop3A_733 : i32 to index
        %parallel_loop3A_735 = arith.index_cast %parallel_loop3A_732 : i32 to index
        %parallel_loop3A_736 = tpu.vector_load %arg8[%parallel_loop3A_734, %parallel_loop3A_735] {strides = array<i32>} : memref<4x1920xf32, #tpu.memory_space<vmem>>, vector<16xf32>,
        %parallel_loop3A_737 = arith.constant 1 : i32
        %parallel_loop3A_738 = arith.index_cast %parallel_loop3A_737 : i32 to index
        %parallel_loop3A_739 = arith.index_cast %parallel_loop3A_732 : i32 to index
        %parallel_loop3A_740 = tpu.vector_load %arg8[%parallel_loop3A_738, %parallel_loop3A_739] {strides = array<i32>} : memref<4x1920xf32, #tpu.memory_space<vmem>>, vector<16xf32>,
        %parallel_loop3A_741 = arith.constant 2 : i32
        %parallel_loop3A_742 = arith.index_cast %parallel_loop3A_741 : i32 to index
        %parallel_loop3A_743 = arith.index_cast %parallel_loop3A_732 : i32 to index
        %parallel_loop3A_744 = tpu.vector_load %arg8[%parallel_loop3A_742, %parallel_loop3A_743] {strides = array<i32>} : memref<4x1920xf32, #tpu.memory_space<vmem>>, vector<16xf32>,
        %parallel_loop3A_745 = arith.constant 3 : i32
        %parallel_loop3A_746 = arith.index_cast %parallel_loop3A_745 : i32 to index
        %parallel_loop3A_747 = arith.index_cast %parallel_loop3A_732 : i32 to index
        %parallel_loop3A_748 = tpu.vector_load %arg8[%parallel_loop3A_746, %parallel_loop3A_747] {strides = array<i32>} : memref<4x1920xf32, #tpu.memory_space<vmem>>, vector<16xf32>,
        %parallel_loop3A_749 = arith.index_cast %parallel_loop3A_732 : i32 to index
        %parallel_loop3A_750 = tpu.vector_load %arg9[%parallel_loop3A_749] {strides = array<i32>} : memref<1920xf32, #tpu.memory_space<vmem>>, vector<16xf32>,
        %parallel_loop3A_751 = arith.maximumf %gather3A_460, %parallel_loop3A_736 : vector<16xf32>
        %parallel_loop3A_752 = arith.maximumf %gather3A_463, %parallel_loop3A_740 : vector<16xf32>
        %parallel_loop3A_753 = arith.minimumf %gather3A_466, %parallel_loop3A_744 : vector<16xf32>
        %parallel_loop3A_754 = arith.minimumf %gather3A_469, %parallel_loop3A_748 : vector<16xf32>
        %parallel_loop3A_755 = arith.subf %parallel_loop3A_753, %parallel_loop3A_751 : vector<16xf32>
        %parallel_loop3A_756 = arith.constant 0.000000e+00 : f32
        %parallel_loop3A_757 = vector.broadcast %parallel_loop3A_756 : f32 to vector<16xf32>
        %parallel_loop3A_758 = arith.maximumf %parallel_loop3A_755, %parallel_loop3A_757 : vector<16xf32>
        %parallel_loop3A_759 = arith.subf %parallel_loop3A_754, %parallel_loop3A_752 : vector<16xf32>
        %parallel_loop3A_760 = arith.constant 0.000000e+00 : f32
        %parallel_loop3A_761 = vector.broadcast %parallel_loop3A_760 : f32 to vector<16xf32>
        %parallel_loop3A_762 = arith.maximumf %parallel_loop3A_759, %parallel_loop3A_761 : vector<16xf32>
        %parallel_loop3A_763 = arith.mulf %parallel_loop3A_758, %parallel_loop3A_762 : vector<16xf32>
        %parallel_loop3A_764 = arith.addf %gather3A_470, %parallel_loop3A_750 : vector<16xf32>
        %parallel_loop3A_765 = arith.subf %parallel_loop3A_764, %parallel_loop3A_763 : vector<16xf32>
        %parallel_loop3A_766 = arith.constant 9.99999993E-9 : f32
        %parallel_loop3A_767 = vector.broadcast %parallel_loop3A_766 : f32 to vector<16xf32>
        %parallel_loop3A_768 = arith.addf %parallel_loop3A_765, %parallel_loop3A_767 : vector<16xf32>
        %parallel_loop3A_769 = arith.divf %parallel_loop3A_763, %parallel_loop3A_768 : vector<16xf32>
        %parallel_loop3A_770 = arith.constant 5.000000e-01 : f32
        %parallel_loop3A_771 = vector.broadcast %parallel_loop3A_770 : f32 to vector<16xf32>
        %parallel_loop3A_772 = arith.cmpf oge, %parallel_loop3A_769, %parallel_loop3A_771 : vector<16xf32>
        %parallel_loop3A_773 = arith.constant 0 : i32
        %parallel_loop3A_774 = arith.index_cast %parallel_loop3A_773 : i32 to index
        %parallel_loop3A_775 = arith.index_cast %parallel_loop3A_732 : i32 to index
        %parallel_loop3A_776 = tpu.vector_load %arg10[%parallel_loop3A_774, %parallel_loop3A_775] {strides = array<i32>} : memref<3x1920xf32, #tpu.memory_space<vmem>>, vector<16xf32>,
        %parallel_loop3A_777 = arith.constant -1.000000e+30 : f32
        %parallel_loop3A_778 = vector.broadcast %parallel_loop3A_777 : f32 to vector<16xf32>
        %parallel_loop3A_779 = arith.select %parallel_loop3A_772, %parallel_loop3A_778, %parallel_loop3A_776 : vector<16xi1>, vector<16xf32>
        %parallel_loop3A_780 = arith.constant 0 : i32
        %parallel_loop3A_781 = arith.index_cast %parallel_loop3A_780 : i32 to index
        %parallel_loop3A_782 = arith.index_cast %parallel_loop3A_732 : i32 to index
        %parallel_loop3A_783 = tpu.vector_load %arg10[%parallel_loop3A_781, %parallel_loop3A_782] {strides = array<i32>} : memref<3x1920xf32, #tpu.memory_space<vmem>>, vector<16xf32>,
        tpu.vector_store %arg10[%parallel_loop3A_781, %parallel_loop3A_782], %parallel_loop3A_779 {strides = array<i32>} : memref<3x1920xf32, #tpu.memory_space<vmem>>, vector<16xf32>,
        %parallel_loop3A_784 = arith.cmpf ogt, %parallel_loop3A_779, %parallel_loop3A_725 : vector<16xf32>
        %parallel_loop3A_785 = arith.select %parallel_loop3A_784, %parallel_loop3A_779, %parallel_loop3A_725 : vector<16xi1>, vector<16xf32>
        %parallel_loop3A_786 = vector.broadcast %parallel_loop3A_724 : i32 to vector<16xi32>
        %parallel_loop3A_787 = arith.select %parallel_loop3A_784, %parallel_loop3A_786, %parallel_loop3A_726 : vector<16xi1>, vector<16xi32>
        %parallel_loop3A_788 = arith.maximumf %gather3A_554, %parallel_loop3A_736 : vector<16xf32>
        %parallel_loop3A_789 = arith.maximumf %gather3A_557, %parallel_loop3A_740 : vector<16xf32>
        %parallel_loop3A_790 = arith.minimumf %gather3A_560, %parallel_loop3A_744 : vector<16xf32>
        %parallel_loop3A_791 = arith.minimumf %gather3A_563, %parallel_loop3A_748 : vector<16xf32>
        %parallel_loop3A_792 = arith.subf %parallel_loop3A_790, %parallel_loop3A_788 : vector<16xf32>
        %parallel_loop3A_793 = arith.constant 0.000000e+00 : f32
        %parallel_loop3A_794 = vector.broadcast %parallel_loop3A_793 : f32 to vector<16xf32>
        %parallel_loop3A_795 = arith.maximumf %parallel_loop3A_792, %parallel_loop3A_794 : vector<16xf32>
        %parallel_loop3A_796 = arith.subf %parallel_loop3A_791, %parallel_loop3A_789 : vector<16xf32>
        %parallel_loop3A_797 = arith.constant 0.000000e+00 : f32
        %parallel_loop3A_798 = vector.broadcast %parallel_loop3A_797 : f32 to vector<16xf32>
        %parallel_loop3A_799 = arith.maximumf %parallel_loop3A_796, %parallel_loop3A_798 : vector<16xf32>
        %parallel_loop3A_800 = arith.mulf %parallel_loop3A_795, %parallel_loop3A_799 : vector<16xf32>
        %parallel_loop3A_801 = arith.addf %gather3A_564, %parallel_loop3A_750 : vector<16xf32>
        %parallel_loop3A_802 = arith.subf %parallel_loop3A_801, %parallel_loop3A_800 : vector<16xf32>
        %parallel_loop3A_803 = arith.constant 9.99999993E-9 : f32
        %parallel_loop3A_804 = vector.broadcast %parallel_loop3A_803 : f32 to vector<16xf32>
        %parallel_loop3A_805 = arith.addf %parallel_loop3A_802, %parallel_loop3A_804 : vector<16xf32>
        %parallel_loop3A_806 = arith.divf %parallel_loop3A_800, %parallel_loop3A_805 : vector<16xf32>
        %parallel_loop3A_807 = arith.constant 5.000000e-01 : f32
        %parallel_loop3A_808 = vector.broadcast %parallel_loop3A_807 : f32 to vector<16xf32>
        %parallel_loop3A_809 = arith.cmpf oge, %parallel_loop3A_806, %parallel_loop3A_808 : vector<16xf32>
        %parallel_loop3A_810 = arith.constant 1 : i32
        %parallel_loop3A_811 = arith.index_cast %parallel_loop3A_810 : i32 to index
        %parallel_loop3A_812 = arith.index_cast %parallel_loop3A_732 : i32 to index
        %parallel_loop3A_813 = tpu.vector_load %arg10[%parallel_loop3A_811, %parallel_loop3A_812] {strides = array<i32>} : memref<3x1920xf32, #tpu.memory_space<vmem>>, vector<16xf32>,
        %parallel_loop3A_814 = arith.constant -1.000000e+30 : f32
        %parallel_loop3A_815 = vector.broadcast %parallel_loop3A_814 : f32 to vector<16xf32>
        %parallel_loop3A_816 = arith.select %parallel_loop3A_809, %parallel_loop3A_815, %parallel_loop3A_813 : vector<16xi1>, vector<16xf32>
        %parallel_loop3A_817 = arith.constant 1 : i32
        %parallel_loop3A_818 = arith.index_cast %parallel_loop3A_817 : i32 to index
        %parallel_loop3A_819 = arith.index_cast %parallel_loop3A_732 : i32 to index
        %parallel_loop3A_820 = tpu.vector_load %arg10[%parallel_loop3A_818, %parallel_loop3A_819] {strides = array<i32>} : memref<3x1920xf32, #tpu.memory_space<vmem>>, vector<16xf32>,
        tpu.vector_store %arg10[%parallel_loop3A_818, %parallel_loop3A_819], %parallel_loop3A_816 {strides = array<i32>} : memref<3x1920xf32, #tpu.memory_space<vmem>>, vector<16xf32>,
        %parallel_loop3A_821 = arith.cmpf ogt, %parallel_loop3A_816, %parallel_loop3A_727 : vector<16xf32>
        %parallel_loop3A_822 = arith.select %parallel_loop3A_821, %parallel_loop3A_816, %parallel_loop3A_727 : vector<16xi1>, vector<16xf32>
        %parallel_loop3A_823 = vector.broadcast %parallel_loop3A_724 : i32 to vector<16xi32>
        %parallel_loop3A_824 = arith.select %parallel_loop3A_821, %parallel_loop3A_823, %parallel_loop3A_728 : vector<16xi1>, vector<16xi32>
        %parallel_loop3A_825 = arith.maximumf %gather3A_648, %parallel_loop3A_736 : vector<16xf32>
        %parallel_loop3A_826 = arith.maximumf %gather3A_651, %parallel_loop3A_740 : vector<16xf32>
        %parallel_loop3A_827 = arith.minimumf %gather3A_654, %parallel_loop3A_744 : vector<16xf32>
        %parallel_loop3A_828 = arith.minimumf %gather3A_657, %parallel_loop3A_748 : vector<16xf32>
        %parallel_loop3A_829 = arith.subf %parallel_loop3A_827, %parallel_loop3A_825 : vector<16xf32>
        %parallel_loop3A_830 = arith.constant 0.000000e+00 : f32
        %parallel_loop3A_831 = vector.broadcast %parallel_loop3A_830 : f32 to vector<16xf32>
        %parallel_loop3A_832 = arith.maximumf %parallel_loop3A_829, %parallel_loop3A_831 : vector<16xf32>
        %parallel_loop3A_833 = arith.subf %parallel_loop3A_828, %parallel_loop3A_826 : vector<16xf32>
        %parallel_loop3A_834 = arith.constant 0.000000e+00 : f32
        %parallel_loop3A_835 = vector.broadcast %parallel_loop3A_834 : f32 to vector<16xf32>
        %parallel_loop3A_836 = arith.maximumf %parallel_loop3A_833, %parallel_loop3A_835 : vector<16xf32>
        %parallel_loop3A_837 = arith.mulf %parallel_loop3A_832, %parallel_loop3A_836 : vector<16xf32>
        %parallel_loop3A_838 = arith.addf %gather3A_658, %parallel_loop3A_750 : vector<16xf32>
        %parallel_loop3A_839 = arith.subf %parallel_loop3A_838, %parallel_loop3A_837 : vector<16xf32>
        %parallel_loop3A_840 = arith.constant 9.99999993E-9 : f32
        %parallel_loop3A_841 = vector.broadcast %parallel_loop3A_840 : f32 to vector<16xf32>
        %parallel_loop3A_842 = arith.addf %parallel_loop3A_839, %parallel_loop3A_841 : vector<16xf32>
        %parallel_loop3A_843 = arith.divf %parallel_loop3A_837, %parallel_loop3A_842 : vector<16xf32>
        %parallel_loop3A_844 = arith.constant 5.000000e-01 : f32
        %parallel_loop3A_845 = vector.broadcast %parallel_loop3A_844 : f32 to vector<16xf32>
        %parallel_loop3A_846 = arith.cmpf oge, %parallel_loop3A_843, %parallel_loop3A_845 : vector<16xf32>
        %parallel_loop3A_847 = arith.constant 2 : i32
        %parallel_loop3A_848 = arith.index_cast %parallel_loop3A_847 : i32 to index
        %parallel_loop3A_849 = arith.index_cast %parallel_loop3A_732 : i32 to index
        %parallel_loop3A_850 = tpu.vector_load %arg10[%parallel_loop3A_848, %parallel_loop3A_849] {strides = array<i32>} : memref<3x1920xf32, #tpu.memory_space<vmem>>, vector<16xf32>,
        %parallel_loop3A_851 = arith.constant -1.000000e+30 : f32
        %parallel_loop3A_852 = vector.broadcast %parallel_loop3A_851 : f32 to vector<16xf32>
        %parallel_loop3A_853 = arith.select %parallel_loop3A_846, %parallel_loop3A_852, %parallel_loop3A_850 : vector<16xi1>, vector<16xf32>
        %parallel_loop3A_854 = arith.constant 2 : i32
        %parallel_loop3A_855 = arith.index_cast %parallel_loop3A_854 : i32 to index
        %parallel_loop3A_856 = arith.index_cast %parallel_loop3A_732 : i32 to index
        %parallel_loop3A_857 = tpu.vector_load %arg10[%parallel_loop3A_855, %parallel_loop3A_856] {strides = array<i32>} : memref<3x1920xf32, #tpu.memory_space<vmem>>, vector<16xf32>,
        tpu.vector_store %arg10[%parallel_loop3A_855, %parallel_loop3A_856], %parallel_loop3A_853 {strides = array<i32>} : memref<3x1920xf32, #tpu.memory_space<vmem>>, vector<16xf32>,
        %parallel_loop3A_858 = arith.cmpf ogt, %parallel_loop3A_853, %parallel_loop3A_729 : vector<16xf32>
        %parallel_loop3A_859 = arith.select %parallel_loop3A_858, %parallel_loop3A_853, %parallel_loop3A_729 : vector<16xi1>, vector<16xf32>
        %parallel_loop3A_860 = vector.broadcast %parallel_loop3A_724 : i32 to vector<16xi32>
        %parallel_loop3A_861 = arith.select %parallel_loop3A_858, %parallel_loop3A_860, %parallel_loop3A_730 : vector<16xi1>, vector<16xi32>
        scf.yield %parallel_loop3A_785, %parallel_loop3A_787, %parallel_loop3A_822, %parallel_loop3A_824, %parallel_loop3A_859, %parallel_loop3A_861 : vector<16xf32>, vector<16xi32>, vector<16xf32>, vector<16xi32>, vector<16xf32>, vector<16xi32>
      } {sc.loop_unroll_factor = 2 : i64, sc.parallel_access}
      scf.yield %parallel_loop3A_723#0, %parallel_loop3A_723#1, %parallel_loop3A_723#2, %parallel_loop3A_723#3, %parallel_loop3A_723#4, %parallel_loop3A_723#5 : vector<16xf32>, vector<16xi32>, vector<16xf32>, vector<16xi32>, vector<16xf32>, vector<16xi32>
    }
    %scan3A_89 = arith.constant 9 : i32
    %reduce_max3A = arith.constant true
    %reduce_max3A_90 = vector.broadcast %reduce_max3A : i1 to vector<16xi1>
    %reduce_max3A_91 = tpu.scan <max>, %scan3A_88#0 masked %reduce_max3A_90 : vector<16xf32>, vector<16xi1> -> vector<16xf32>
    %reduce_max3A_92 = vector.extract %reduce_max3A_91[15] : f32 from vector<16xf32>
    %mul3A_93 = arith.constant 16 : i32
    %mul3A_94 = vector.broadcast %mul3A_93 : i32 to vector<16xi32>
    %mul3A_95 = arith.muli %scan3A_88#1, %mul3A_94 : vector<16xi32>
    %add3A_96 = arith.addi %mul3A_95, %iota3A : vector<16xi32>
    %eq3A = vector.broadcast %reduce_max3A_92 : f32 to vector<16xf32>
    %eq3A_97 = arith.cmpf oeq, %scan3A_88#0, %eq3A : vector<16xf32>
    %jit3A = arith.constant 1073741824 : i32
    %broadcast_in_dim3A_98 = vector.broadcast %jit3A : i32 to vector<16xi32>
    %select_n3A = arith.select %eq3A_97, %add3A_96, %broadcast_in_dim3A_98 : vector<16xi1>, vector<16xi32>
    %reduce_min3A = arith.constant true
    %reduce_min3A_99 = vector.broadcast %reduce_min3A : i1 to vector<16xi1>
    %reduce_min3A_100 = arith.constant -2147483648 : i32
    %reduce_min3A_101 = vector.broadcast %reduce_min3A_100 : i32 to vector<16xi32>
    %reduce_min3A_102 = arith.xori %select_n3A, %reduce_min3A_101 : vector<16xi32>
    %reduce_min3A_103 = tpu.scan <min>, %reduce_min3A_102 masked %reduce_min3A_99 : vector<16xi32>, vector<16xi1> -> vector<16xi32>
    %reduce_min3A_104 = arith.xori %reduce_min3A_103, %reduce_min3A_101 : vector<16xi32>
    %reduce_min3A_105 = vector.extract %reduce_min3A_104[15] : i32 from vector<16xi32>
    %broadcast_in_dim3A_106 = vector.broadcast %reduce_min3A_105 : i32 to vector<16xi32>
    %gather3A = tpu.vector_load_idx %arg8[%broadcast_in_dim3A_80, %broadcast_in_dim3A_106] : memref<4x1920xf32, #tpu.memory_space<vmem>>[vector<16xi32>, vector<16xi32>], vector<16xf32>,
    %broadcast_in_dim3A_107 = arith.constant 1 : i32
    %broadcast_in_dim3A_108 = vector.broadcast %broadcast_in_dim3A_107 : i32 to vector<16xi32>
    %gather3A_109 = tpu.vector_load_idx %arg8[%broadcast_in_dim3A_108, %broadcast_in_dim3A_106] : memref<4x1920xf32, #tpu.memory_space<vmem>>[vector<16xi32>, vector<16xi32>], vector<16xf32>,
    %broadcast_in_dim3A_110 = arith.constant 2 : i32
    %broadcast_in_dim3A_111 = vector.broadcast %broadcast_in_dim3A_110 : i32 to vector<16xi32>
    %gather3A_112 = tpu.vector_load_idx %arg8[%broadcast_in_dim3A_111, %broadcast_in_dim3A_106] : memref<4x1920xf32, #tpu.memory_space<vmem>>[vector<16xi32>, vector<16xi32>], vector<16xf32>,
    %broadcast_in_dim3A_113 = arith.constant 3 : i32
    %broadcast_in_dim3A_114 = vector.broadcast %broadcast_in_dim3A_113 : i32 to vector<16xi32>
    %gather3A_115 = tpu.vector_load_idx %arg8[%broadcast_in_dim3A_114, %broadcast_in_dim3A_106] : memref<4x1920xf32, #tpu.memory_space<vmem>>[vector<16xi32>, vector<16xi32>], vector<16xf32>,
    %gather3A_116 = tpu.vector_load_idx %arg9[%broadcast_in_dim3A_106] : memref<1920xf32, #tpu.memory_space<vmem>>[vector<16xi32>], vector<16xf32>,
    %broadcast_in_dim3A_117 = arith.constant 0 : i32
    %broadcast_in_dim3A_118 = vector.broadcast %broadcast_in_dim3A_117 : i32 to vector<16xi32>
    tpu.vector_store_idx %arg10[%broadcast_in_dim3A_118, %broadcast_in_dim3A_106], %broadcast_in_dim3A_78 : memref<3x1920xf32, #tpu.memory_space<vmem>>[vector<16xi32>, vector<16xi32>], vector<16xf32>,
    %eq3A_119 = arith.constant 9 : i32
    %eq3A_120 = vector.broadcast %eq3A_119 : i32 to vector<16xi32>
    %eq3A_121 = arith.cmpi eq, %iota3A, %eq3A_120 : vector<16xi32>
    %broadcast_in_dim3A_122 = vector.broadcast %reduce_max3A_92 : f32 to vector<16xf32>
    %get3A = arith.constant 0 : i32
    %get3A_123 = arith.index_cast %get3A : i32 to index
    %get3A_124 = arith.constant 0 : index
    %get3A_125 = tpu.vector_load %arg11[%get3A_123, %get3A_124] {strides = array<i32>} : memref<3x96xf32, #tpu.memory_space<vmem>>, vector<16xf32>,
    %select_n3A_126 = arith.select %eq3A_121, %broadcast_in_dim3A_122, %get3A_125 : vector<16xi1>, vector<16xf32>
    %swap3A = arith.constant 0 : i32
    %swap3A_127 = arith.index_cast %swap3A : i32 to index
    %swap3A_128 = arith.constant 0 : index
    %swap3A_129 = tpu.vector_load %arg11[%swap3A_127, %swap3A_128] {strides = array<i32>} : memref<3x96xf32, #tpu.memory_space<vmem>>, vector<16xf32>,
    tpu.vector_store %arg11[%swap3A_127, %swap3A_128], %select_n3A_126 {strides = array<i32>} : memref<3x96xf32, #tpu.memory_space<vmem>>, vector<16xf32>,
    %convert_element_type3A = arith.sitofp %reduce_min3A_105 : i32 to f32
    %broadcast_in_dim3A_130 = vector.broadcast %convert_element_type3A : f32 to vector<16xf32>
    %get3A_131 = arith.constant 0 : i32
    %get3A_132 = arith.index_cast %get3A_131 : i32 to index
    %get3A_133 = arith.constant 16 : index
    %get3A_134 = tpu.vector_load %arg11[%get3A_132, %get3A_133] {strides = array<i32>} : memref<3x96xf32, #tpu.memory_space<vmem>>, vector<16xf32>,
    %select_n3A_135 = arith.select %eq3A_121, %broadcast_in_dim3A_130, %get3A_134 : vector<16xi1>, vector<16xf32>
    %swap3A_136 = arith.constant 0 : i32
    %swap3A_137 = arith.index_cast %swap3A_136 : i32 to index
    %swap3A_138 = arith.constant 16 : index
    %swap3A_139 = tpu.vector_load %arg11[%swap3A_137, %swap3A_138] {strides = array<i32>} : memref<3x96xf32, #tpu.memory_space<vmem>>, vector<16xf32>,
    tpu.vector_store %arg11[%swap3A_137, %swap3A_138], %select_n3A_135 {strides = array<i32>} : memref<3x96xf32, #tpu.memory_space<vmem>>, vector<16xf32>,
    %get3A_140 = arith.constant 0 : i32
    %get3A_141 = arith.index_cast %get3A_140 : i32 to index
    %get3A_142 = arith.constant 32 : index
    %get3A_143 = tpu.vector_load %arg11[%get3A_141, %get3A_142] {strides = array<i32>} : memref<3x96xf32, #tpu.memory_space<vmem>>, vector<16xf32>,
    %select_n3A_144 = arith.select %eq3A_121, %gather3A, %get3A_143 : vector<16xi1>, vector<16xf32>
    %swap3A_145 = arith.constant 0 : i32
    %swap3A_146 = arith.index_cast %swap3A_145 : i32 to index
    %swap3A_147 = arith.constant 32 : index
    %swap3A_148 = tpu.vector_load %arg11[%swap3A_146, %swap3A_147] {strides = array<i32>} : memref<3x96xf32, #tpu.memory_space<vmem>>, vector<16xf32>,
    tpu.vector_store %arg11[%swap3A_146, %swap3A_147], %select_n3A_144 {strides = array<i32>} : memref<3x96xf32, #tpu.memory_space<vmem>>, vector<16xf32>,
    %get3A_149 = arith.constant 0 : i32
    %get3A_150 = arith.index_cast %get3A_149 : i32 to index
    %get3A_151 = arith.constant 48 : index
    %get3A_152 = tpu.vector_load %arg11[%get3A_150, %get3A_151] {strides = array<i32>} : memref<3x96xf32, #tpu.memory_space<vmem>>, vector<16xf32>,
    %select_n3A_153 = arith.select %eq3A_121, %gather3A_109, %get3A_152 : vector<16xi1>, vector<16xf32>
    %swap3A_154 = arith.constant 0 : i32
    %swap3A_155 = arith.index_cast %swap3A_154 : i32 to index
    %swap3A_156 = arith.constant 48 : index
    %swap3A_157 = tpu.vector_load %arg11[%swap3A_155, %swap3A_156] {strides = array<i32>} : memref<3x96xf32, #tpu.memory_space<vmem>>, vector<16xf32>,
    tpu.vector_store %arg11[%swap3A_155, %swap3A_156], %select_n3A_153 {strides = array<i32>} : memref<3x96xf32, #tpu.memory_space<vmem>>, vector<16xf32>,
    %get3A_158 = arith.constant 0 : i32
    %get3A_159 = arith.index_cast %get3A_158 : i32 to index
    %get3A_160 = arith.constant 64 : index
    %get3A_161 = tpu.vector_load %arg11[%get3A_159, %get3A_160] {strides = array<i32>} : memref<3x96xf32, #tpu.memory_space<vmem>>, vector<16xf32>,
    %select_n3A_162 = arith.select %eq3A_121, %gather3A_112, %get3A_161 : vector<16xi1>, vector<16xf32>
    %swap3A_163 = arith.constant 0 : i32
    %swap3A_164 = arith.index_cast %swap3A_163 : i32 to index
    %swap3A_165 = arith.constant 64 : index
    %swap3A_166 = tpu.vector_load %arg11[%swap3A_164, %swap3A_165] {strides = array<i32>} : memref<3x96xf32, #tpu.memory_space<vmem>>, vector<16xf32>,
    tpu.vector_store %arg11[%swap3A_164, %swap3A_165], %select_n3A_162 {strides = array<i32>} : memref<3x96xf32, #tpu.memory_space<vmem>>, vector<16xf32>,
    %get3A_167 = arith.constant 0 : i32
    %get3A_168 = arith.index_cast %get3A_167 : i32 to index
    %get3A_169 = arith.constant 80 : index
    %get3A_170 = tpu.vector_load %arg11[%get3A_168, %get3A_169] {strides = array<i32>} : memref<3x96xf32, #tpu.memory_space<vmem>>, vector<16xf32>,
    %select_n3A_171 = arith.select %eq3A_121, %gather3A_115, %get3A_170 : vector<16xi1>, vector<16xf32>
    %swap3A_172 = arith.constant 0 : i32
    %swap3A_173 = arith.index_cast %swap3A_172 : i32 to index
    %swap3A_174 = arith.constant 80 : index
    %swap3A_175 = tpu.vector_load %arg11[%swap3A_173, %swap3A_174] {strides = array<i32>} : memref<3x96xf32, #tpu.memory_space<vmem>>, vector<16xf32>,
    tpu.vector_store %arg11[%swap3A_173, %swap3A_174], %select_n3A_171 {strides = array<i32>} : memref<3x96xf32, #tpu.memory_space<vmem>>, vector<16xf32>,
    %reduce_max3A_176 = arith.constant true
    %reduce_max3A_177 = vector.broadcast %reduce_max3A_176 : i1 to vector<16xi1>
    %reduce_max3A_178 = tpu.scan <max>, %scan3A_88#2 masked %reduce_max3A_177 : vector<16xf32>, vector<16xi1> -> vector<16xf32>
    %reduce_max3A_179 = vector.extract %reduce_max3A_178[15] : f32 from vector<16xf32>
    %mul3A_180 = arith.constant 16 : i32
    %mul3A_181 = vector.broadcast %mul3A_180 : i32 to vector<16xi32>
    %mul3A_182 = arith.muli %scan3A_88#3, %mul3A_181 : vector<16xi32>
    %add3A_183 = arith.addi %mul3A_182, %iota3A : vector<16xi32>
    %eq3A_184 = vector.broadcast %reduce_max3A_179 : f32 to vector<16xf32>
    %eq3A_185 = arith.cmpf oeq, %scan3A_88#2, %eq3A_184 : vector<16xf32>
    %jit3A_186 = arith.constant 1073741824 : i32
    %broadcast_in_dim3A_187 = vector.broadcast %jit3A_186 : i32 to vector<16xi32>
    %select_n3A_188 = arith.select %eq3A_185, %add3A_183, %broadcast_in_dim3A_187 : vector<16xi1>, vector<16xi32>
    %reduce_min3A_189 = arith.constant true
    %reduce_min3A_190 = vector.broadcast %reduce_min3A_189 : i1 to vector<16xi1>
    %reduce_min3A_191 = arith.constant -2147483648 : i32
    %reduce_min3A_192 = vector.broadcast %reduce_min3A_191 : i32 to vector<16xi32>
    %reduce_min3A_193 = arith.xori %select_n3A_188, %reduce_min3A_192 : vector<16xi32>
    %reduce_min3A_194 = tpu.scan <min>, %reduce_min3A_193 masked %reduce_min3A_190 : vector<16xi32>, vector<16xi1> -> vector<16xi32>
    %reduce_min3A_195 = arith.xori %reduce_min3A_194, %reduce_min3A_192 : vector<16xi32>
    %reduce_min3A_196 = vector.extract %reduce_min3A_195[15] : i32 from vector<16xi32>
    %broadcast_in_dim3A_197 = vector.broadcast %reduce_min3A_196 : i32 to vector<16xi32>
    %gather3A_198 = tpu.vector_load_idx %arg8[%broadcast_in_dim3A_80, %broadcast_in_dim3A_197] : memref<4x1920xf32, #tpu.memory_space<vmem>>[vector<16xi32>, vector<16xi32>], vector<16xf32>,
    %broadcast_in_dim3A_199 = arith.constant 1 : i32
    %broadcast_in_dim3A_200 = vector.broadcast %broadcast_in_dim3A_199 : i32 to vector<16xi32>
    %gather3A_201 = tpu.vector_load_idx %arg8[%broadcast_in_dim3A_200, %broadcast_in_dim3A_197] : memref<4x1920xf32, #tpu.memory_space<vmem>>[vector<16xi32>, vector<16xi32>], vector<16xf32>,
    %broadcast_in_dim3A_202 = arith.constant 2 : i32
    %broadcast_in_dim3A_203 = vector.broadcast %broadcast_in_dim3A_202 : i32 to vector<16xi32>
    %gather3A_204 = tpu.vector_load_idx %arg8[%broadcast_in_dim3A_203, %broadcast_in_dim3A_197] : memref<4x1920xf32, #tpu.memory_space<vmem>>[vector<16xi32>, vector<16xi32>], vector<16xf32>,
    %broadcast_in_dim3A_205 = arith.constant 3 : i32
    %broadcast_in_dim3A_206 = vector.broadcast %broadcast_in_dim3A_205 : i32 to vector<16xi32>
    %gather3A_207 = tpu.vector_load_idx %arg8[%broadcast_in_dim3A_206, %broadcast_in_dim3A_197] : memref<4x1920xf32, #tpu.memory_space<vmem>>[vector<16xi32>, vector<16xi32>], vector<16xf32>,
    %gather3A_208 = tpu.vector_load_idx %arg9[%broadcast_in_dim3A_197] : memref<1920xf32, #tpu.memory_space<vmem>>[vector<16xi32>], vector<16xf32>,
    %broadcast_in_dim3A_209 = arith.constant 1 : i32
    %broadcast_in_dim3A_210 = vector.broadcast %broadcast_in_dim3A_209 : i32 to vector<16xi32>
    tpu.vector_store_idx %arg10[%broadcast_in_dim3A_210, %broadcast_in_dim3A_197], %broadcast_in_dim3A_78 : memref<3x1920xf32, #tpu.memory_space<vmem>>[vector<16xi32>, vector<16xi32>], vector<16xf32>,
    %eq3A_211 = arith.constant 9 : i32
    %eq3A_212 = vector.broadcast %eq3A_211 : i32 to vector<16xi32>
    %eq3A_213 = arith.cmpi eq, %iota3A, %eq3A_212 : vector<16xi32>
    %broadcast_in_dim3A_214 = vector.broadcast %reduce_max3A_179 : f32 to vector<16xf32>
    %get3A_215 = arith.constant 1 : i32
    %get3A_216 = arith.index_cast %get3A_215 : i32 to index
    %get3A_217 = arith.constant 0 : index
    %get3A_218 = tpu.vector_load %arg11[%get3A_216, %get3A_217] {strides = array<i32>} : memref<3x96xf32, #tpu.memory_space<vmem>>, vector<16xf32>,
    %select_n3A_219 = arith.select %eq3A_213, %broadcast_in_dim3A_214, %get3A_218 : vector<16xi1>, vector<16xf32>
    %swap3A_220 = arith.constant 1 : i32
    %swap3A_221 = arith.index_cast %swap3A_220 : i32 to index
    %swap3A_222 = arith.constant 0 : index
    %swap3A_223 = tpu.vector_load %arg11[%swap3A_221, %swap3A_222] {strides = array<i32>} : memref<3x96xf32, #tpu.memory_space<vmem>>, vector<16xf32>,
    tpu.vector_store %arg11[%swap3A_221, %swap3A_222], %select_n3A_219 {strides = array<i32>} : memref<3x96xf32, #tpu.memory_space<vmem>>, vector<16xf32>,
    %convert_element_type3A_224 = arith.sitofp %reduce_min3A_196 : i32 to f32
    %broadcast_in_dim3A_225 = vector.broadcast %convert_element_type3A_224 : f32 to vector<16xf32>
    %get3A_226 = arith.constant 1 : i32
    %get3A_227 = arith.index_cast %get3A_226 : i32 to index
    %get3A_228 = arith.constant 16 : index
    %get3A_229 = tpu.vector_load %arg11[%get3A_227, %get3A_228] {strides = array<i32>} : memref<3x96xf32, #tpu.memory_space<vmem>>, vector<16xf32>,
    %select_n3A_230 = arith.select %eq3A_213, %broadcast_in_dim3A_225, %get3A_229 : vector<16xi1>, vector<16xf32>
    %swap3A_231 = arith.constant 1 : i32
    %swap3A_232 = arith.index_cast %swap3A_231 : i32 to index
    %swap3A_233 = arith.constant 16 : index
    %swap3A_234 = tpu.vector_load %arg11[%swap3A_232, %swap3A_233] {strides = array<i32>} : memref<3x96xf32, #tpu.memory_space<vmem>>, vector<16xf32>,
    tpu.vector_store %arg11[%swap3A_232, %swap3A_233], %select_n3A_230 {strides = array<i32>} : memref<3x96xf32, #tpu.memory_space<vmem>>, vector<16xf32>,
    %get3A_235 = arith.constant 1 : i32
    %get3A_236 = arith.index_cast %get3A_235 : i32 to index
    %get3A_237 = arith.constant 32 : index
    %get3A_238 = tpu.vector_load %arg11[%get3A_236, %get3A_237] {strides = array<i32>} : memref<3x96xf32, #tpu.memory_space<vmem>>, vector<16xf32>,
    %select_n3A_239 = arith.select %eq3A_213, %gather3A_198, %get3A_238 : vector<16xi1>, vector<16xf32>
    %swap3A_240 = arith.constant 1 : i32
    %swap3A_241 = arith.index_cast %swap3A_240 : i32 to index
    %swap3A_242 = arith.constant 32 : index
    %swap3A_243 = tpu.vector_load %arg11[%swap3A_241, %swap3A_242] {strides = array<i32>} : memref<3x96xf32, #tpu.memory_space<vmem>>, vector<16xf32>,
    tpu.vector_store %arg11[%swap3A_241, %swap3A_242], %select_n3A_239 {strides = array<i32>} : memref<3x96xf32, #tpu.memory_space<vmem>>, vector<16xf32>,
    %get3A_244 = arith.constant 1 : i32
    %get3A_245 = arith.index_cast %get3A_244 : i32 to index
    %get3A_246 = arith.constant 48 : index
    %get3A_247 = tpu.vector_load %arg11[%get3A_245, %get3A_246] {strides = array<i32>} : memref<3x96xf32, #tpu.memory_space<vmem>>, vector<16xf32>,
    %select_n3A_248 = arith.select %eq3A_213, %gather3A_201, %get3A_247 : vector<16xi1>, vector<16xf32>
    %swap3A_249 = arith.constant 1 : i32
    %swap3A_250 = arith.index_cast %swap3A_249 : i32 to index
    %swap3A_251 = arith.constant 48 : index
    %swap3A_252 = tpu.vector_load %arg11[%swap3A_250, %swap3A_251] {strides = array<i32>} : memref<3x96xf32, #tpu.memory_space<vmem>>, vector<16xf32>,
    tpu.vector_store %arg11[%swap3A_250, %swap3A_251], %select_n3A_248 {strides = array<i32>} : memref<3x96xf32, #tpu.memory_space<vmem>>, vector<16xf32>,
    %get3A_253 = arith.constant 1 : i32
    %get3A_254 = arith.index_cast %get3A_253 : i32 to index
    %get3A_255 = arith.constant 64 : index
    %get3A_256 = tpu.vector_load %arg11[%get3A_254, %get3A_255] {strides = array<i32>} : memref<3x96xf32, #tpu.memory_space<vmem>>, vector<16xf32>,
    %select_n3A_257 = arith.select %eq3A_213, %gather3A_204, %get3A_256 : vector<16xi1>, vector<16xf32>
    %swap3A_258 = arith.constant 1 : i32
    %swap3A_259 = arith.index_cast %swap3A_258 : i32 to index
    %swap3A_260 = arith.constant 64 : index
    %swap3A_261 = tpu.vector_load %arg11[%swap3A_259, %swap3A_260] {strides = array<i32>} : memref<3x96xf32, #tpu.memory_space<vmem>>, vector<16xf32>,
    tpu.vector_store %arg11[%swap3A_259, %swap3A_260], %select_n3A_257 {strides = array<i32>} : memref<3x96xf32, #tpu.memory_space<vmem>>, vector<16xf32>,
    %get3A_262 = arith.constant 1 : i32
    %get3A_263 = arith.index_cast %get3A_262 : i32 to index
    %get3A_264 = arith.constant 80 : index
    %get3A_265 = tpu.vector_load %arg11[%get3A_263, %get3A_264] {strides = array<i32>} : memref<3x96xf32, #tpu.memory_space<vmem>>, vector<16xf32>,
    %select_n3A_266 = arith.select %eq3A_213, %gather3A_207, %get3A_265 : vector<16xi1>, vector<16xf32>
    %swap3A_267 = arith.constant 1 : i32
    %swap3A_268 = arith.index_cast %swap3A_267 : i32 to index
    %swap3A_269 = arith.constant 80 : index
    %swap3A_270 = tpu.vector_load %arg11[%swap3A_268, %swap3A_269] {strides = array<i32>} : memref<3x96xf32, #tpu.memory_space<vmem>>, vector<16xf32>,
    tpu.vector_store %arg11[%swap3A_268, %swap3A_269], %select_n3A_266 {strides = array<i32>} : memref<3x96xf32, #tpu.memory_space<vmem>>, vector<16xf32>,
    %reduce_max3A_271 = arith.constant true
    %reduce_max3A_272 = vector.broadcast %reduce_max3A_271 : i1 to vector<16xi1>
    %reduce_max3A_273 = tpu.scan <max>, %scan3A_88#4 masked %reduce_max3A_272 : vector<16xf32>, vector<16xi1> -> vector<16xf32>
    %reduce_max3A_274 = vector.extract %reduce_max3A_273[15] : f32 from vector<16xf32>
    %mul3A_275 = arith.constant 16 : i32
    %mul3A_276 = vector.broadcast %mul3A_275 : i32 to vector<16xi32>
    %mul3A_277 = arith.muli %scan3A_88#5, %mul3A_276 : vector<16xi32>
    %add3A_278 = arith.addi %mul3A_277, %iota3A : vector<16xi32>
    %eq3A_279 = vector.broadcast %reduce_max3A_274 : f32 to vector<16xf32>
    %eq3A_280 = arith.cmpf oeq, %scan3A_88#4, %eq3A_279 : vector<16xf32>
    %jit3A_281 = arith.constant 1073741824 : i32
    %broadcast_in_dim3A_282 = vector.broadcast %jit3A_281 : i32 to vector<16xi32>
    %select_n3A_283 = arith.select %eq3A_280, %add3A_278, %broadcast_in_dim3A_282 : vector<16xi1>, vector<16xi32>
    %reduce_min3A_284 = arith.constant true
    %reduce_min3A_285 = vector.broadcast %reduce_min3A_284 : i1 to vector<16xi1>
    %reduce_min3A_286 = arith.constant -2147483648 : i32
    %reduce_min3A_287 = vector.broadcast %reduce_min3A_286 : i32 to vector<16xi32>
    %reduce_min3A_288 = arith.xori %select_n3A_283, %reduce_min3A_287 : vector<16xi32>
    %reduce_min3A_289 = tpu.scan <min>, %reduce_min3A_288 masked %reduce_min3A_285 : vector<16xi32>, vector<16xi1> -> vector<16xi32>
    %reduce_min3A_290 = arith.xori %reduce_min3A_289, %reduce_min3A_287 : vector<16xi32>
    %reduce_min3A_291 = vector.extract %reduce_min3A_290[15] : i32 from vector<16xi32>
    %broadcast_in_dim3A_292 = vector.broadcast %reduce_min3A_291 : i32 to vector<16xi32>
    %gather3A_293 = tpu.vector_load_idx %arg8[%broadcast_in_dim3A_80, %broadcast_in_dim3A_292] : memref<4x1920xf32, #tpu.memory_space<vmem>>[vector<16xi32>, vector<16xi32>], vector<16xf32>,
    %broadcast_in_dim3A_294 = arith.constant 1 : i32
    %broadcast_in_dim3A_295 = vector.broadcast %broadcast_in_dim3A_294 : i32 to vector<16xi32>
    %gather3A_296 = tpu.vector_load_idx %arg8[%broadcast_in_dim3A_295, %broadcast_in_dim3A_292] : memref<4x1920xf32, #tpu.memory_space<vmem>>[vector<16xi32>, vector<16xi32>], vector<16xf32>,
    %broadcast_in_dim3A_297 = arith.constant 2 : i32
    %broadcast_in_dim3A_298 = vector.broadcast %broadcast_in_dim3A_297 : i32 to vector<16xi32>
    %gather3A_299 = tpu.vector_load_idx %arg8[%broadcast_in_dim3A_298, %broadcast_in_dim3A_292] : memref<4x1920xf32, #tpu.memory_space<vmem>>[vector<16xi32>, vector<16xi32>], vector<16xf32>,
    %broadcast_in_dim3A_300 = arith.constant 3 : i32
    %broadcast_in_dim3A_301 = vector.broadcast %broadcast_in_dim3A_300 : i32 to vector<16xi32>
    %gather3A_302 = tpu.vector_load_idx %arg8[%broadcast_in_dim3A_301, %broadcast_in_dim3A_292] : memref<4x1920xf32, #tpu.memory_space<vmem>>[vector<16xi32>, vector<16xi32>], vector<16xf32>,
    %gather3A_303 = tpu.vector_load_idx %arg9[%broadcast_in_dim3A_292] : memref<1920xf32, #tpu.memory_space<vmem>>[vector<16xi32>], vector<16xf32>,
    %broadcast_in_dim3A_304 = arith.constant 2 : i32
    %broadcast_in_dim3A_305 = vector.broadcast %broadcast_in_dim3A_304 : i32 to vector<16xi32>
    tpu.vector_store_idx %arg10[%broadcast_in_dim3A_305, %broadcast_in_dim3A_292], %broadcast_in_dim3A_78 : memref<3x1920xf32, #tpu.memory_space<vmem>>[vector<16xi32>, vector<16xi32>], vector<16xf32>,
    %eq3A_306 = arith.constant 9 : i32
    %eq3A_307 = vector.broadcast %eq3A_306 : i32 to vector<16xi32>
    %eq3A_308 = arith.cmpi eq, %iota3A, %eq3A_307 : vector<16xi32>
    %broadcast_in_dim3A_309 = vector.broadcast %reduce_max3A_274 : f32 to vector<16xf32>
    %get3A_310 = arith.constant 2 : i32
    %get3A_311 = arith.index_cast %get3A_310 : i32 to index
    %get3A_312 = arith.constant 0 : index
    %get3A_313 = tpu.vector_load %arg11[%get3A_311, %get3A_312] {strides = array<i32>} : memref<3x96xf32, #tpu.memory_space<vmem>>, vector<16xf32>,
    %select_n3A_314 = arith.select %eq3A_308, %broadcast_in_dim3A_309, %get3A_313 : vector<16xi1>, vector<16xf32>
    %swap3A_315 = arith.constant 2 : i32
    %swap3A_316 = arith.index_cast %swap3A_315 : i32 to index
    %swap3A_317 = arith.constant 0 : index
    %swap3A_318 = tpu.vector_load %arg11[%swap3A_316, %swap3A_317] {strides = array<i32>} : memref<3x96xf32, #tpu.memory_space<vmem>>, vector<16xf32>,
    tpu.vector_store %arg11[%swap3A_316, %swap3A_317], %select_n3A_314 {strides = array<i32>} : memref<3x96xf32, #tpu.memory_space<vmem>>, vector<16xf32>,
    %convert_element_type3A_319 = arith.sitofp %reduce_min3A_291 : i32 to f32
    %broadcast_in_dim3A_320 = vector.broadcast %convert_element_type3A_319 : f32 to vector<16xf32>
    %get3A_321 = arith.constant 2 : i32
    %get3A_322 = arith.index_cast %get3A_321 : i32 to index
    %get3A_323 = arith.constant 16 : index
    %get3A_324 = tpu.vector_load %arg11[%get3A_322, %get3A_323] {strides = array<i32>} : memref<3x96xf32, #tpu.memory_space<vmem>>, vector<16xf32>,
    %select_n3A_325 = arith.select %eq3A_308, %broadcast_in_dim3A_320, %get3A_324 : vector<16xi1>, vector<16xf32>
    %swap3A_326 = arith.constant 2 : i32
    %swap3A_327 = arith.index_cast %swap3A_326 : i32 to index
    %swap3A_328 = arith.constant 16 : index
    %swap3A_329 = tpu.vector_load %arg11[%swap3A_327, %swap3A_328] {strides = array<i32>} : memref<3x96xf32, #tpu.memory_space<vmem>>, vector<16xf32>,
    tpu.vector_store %arg11[%swap3A_327, %swap3A_328], %select_n3A_325 {strides = array<i32>} : memref<3x96xf32, #tpu.memory_space<vmem>>, vector<16xf32>,
    %get3A_330 = arith.constant 2 : i32
    %get3A_331 = arith.index_cast %get3A_330 : i32 to index
    %get3A_332 = arith.constant 32 : index
    %get3A_333 = tpu.vector_load %arg11[%get3A_331, %get3A_332] {strides = array<i32>} : memref<3x96xf32, #tpu.memory_space<vmem>>, vector<16xf32>,
    %select_n3A_334 = arith.select %eq3A_308, %gather3A_293, %get3A_333 : vector<16xi1>, vector<16xf32>
    %swap3A_335 = arith.constant 2 : i32
    %swap3A_336 = arith.index_cast %swap3A_335 : i32 to index
    %swap3A_337 = arith.constant 32 : index
    %swap3A_338 = tpu.vector_load %arg11[%swap3A_336, %swap3A_337] {strides = array<i32>} : memref<3x96xf32, #tpu.memory_space<vmem>>, vector<16xf32>,
    tpu.vector_store %arg11[%swap3A_336, %swap3A_337], %select_n3A_334 {strides = array<i32>} : memref<3x96xf32, #tpu.memory_space<vmem>>, vector<16xf32>,
    %get3A_339 = arith.constant 2 : i32
    %get3A_340 = arith.index_cast %get3A_339 : i32 to index
    %get3A_341 = arith.constant 48 : index
    %get3A_342 = tpu.vector_load %arg11[%get3A_340, %get3A_341] {strides = array<i32>} : memref<3x96xf32, #tpu.memory_space<vmem>>, vector<16xf32>,
    %select_n3A_343 = arith.select %eq3A_308, %gather3A_296, %get3A_342 : vector<16xi1>, vector<16xf32>
    %swap3A_344 = arith.constant 2 : i32
    %swap3A_345 = arith.index_cast %swap3A_344 : i32 to index
    %swap3A_346 = arith.constant 48 : index
    %swap3A_347 = tpu.vector_load %arg11[%swap3A_345, %swap3A_346] {strides = array<i32>} : memref<3x96xf32, #tpu.memory_space<vmem>>, vector<16xf32>,
    tpu.vector_store %arg11[%swap3A_345, %swap3A_346], %select_n3A_343 {strides = array<i32>} : memref<3x96xf32, #tpu.memory_space<vmem>>, vector<16xf32>,
    %get3A_348 = arith.constant 2 : i32
    %get3A_349 = arith.index_cast %get3A_348 : i32 to index
    %get3A_350 = arith.constant 64 : index
    %get3A_351 = tpu.vector_load %arg11[%get3A_349, %get3A_350] {strides = array<i32>} : memref<3x96xf32, #tpu.memory_space<vmem>>, vector<16xf32>,
    %select_n3A_352 = arith.select %eq3A_308, %gather3A_299, %get3A_351 : vector<16xi1>, vector<16xf32>
    %swap3A_353 = arith.constant 2 : i32
    %swap3A_354 = arith.index_cast %swap3A_353 : i32 to index
    %swap3A_355 = arith.constant 64 : index
    %swap3A_356 = tpu.vector_load %arg11[%swap3A_354, %swap3A_355] {strides = array<i32>} : memref<3x96xf32, #tpu.memory_space<vmem>>, vector<16xf32>,
    tpu.vector_store %arg11[%swap3A_354, %swap3A_355], %select_n3A_352 {strides = array<i32>} : memref<3x96xf32, #tpu.memory_space<vmem>>, vector<16xf32>,
    %get3A_357 = arith.constant 2 : i32
    %get3A_358 = arith.index_cast %get3A_357 : i32 to index
    %get3A_359 = arith.constant 80 : index
    %get3A_360 = tpu.vector_load %arg11[%get3A_358, %get3A_359] {strides = array<i32>} : memref<3x96xf32, #tpu.memory_space<vmem>>, vector<16xf32>,
    %select_n3A_361 = arith.select %eq3A_308, %gather3A_302, %get3A_360 : vector<16xi1>, vector<16xf32>
    %swap3A_362 = arith.constant 2 : i32
    %swap3A_363 = arith.index_cast %swap3A_362 : i32 to index
    %swap3A_364 = arith.constant 80 : index
    %swap3A_365 = tpu.vector_load %arg11[%swap3A_363, %swap3A_364] {strides = array<i32>} : memref<3x96xf32, #tpu.memory_space<vmem>>, vector<16xf32>,
    tpu.vector_store %arg11[%swap3A_363, %swap3A_364], %select_n3A_361 {strides = array<i32>} : memref<3x96xf32, #tpu.memory_space<vmem>>, vector<16xf32>,
    %sub3A = arith.constant 1 : i32
    %sub3A_366 = arith.subi %min3A_13, %sub3A : i32
    %dma_start3A_367 = arith.constant 0 : i32
    %dma_start3A_368 = arith.constant 0 : i32
    %dma_start3A_369 = tpu.memref_slice %arg11[%dma_start3A_367, %dma_start3A_368] : memref<3x96xf32, #tpu.memory_space<vmem>> -> memref<1x96xf32, #tpu.memory_space<vmem>>
    %dma_start3A_370 = arith.constant 0 : i32
    %dma_start3A_371 = tpu.memref_slice %arg5[%sub3A_366, %dma_start3A_370] : memref<90x96xf32, #tpu.memory_space<hbm>> -> memref<1x96xf32, #tpu.memory_space<hbm>>
    %dma_start3A_372 = arith.constant 0 : i32
    %dma_start3A_373 = tpu.memref_slice %arg5[%sub3A_366, %dma_start3A_372] : memref<90x96xf32, #tpu.memory_space<hbm>> -> memref<1x96xf32, #tpu.memory_space<hbm>>
    %dma_start3A_374 = arith.constant 0 : i32
    %dma_start3A_375 = arith.constant 0 : i32
    %dma_start3A_376 = tpu.memref_slice %arg11[%dma_start3A_374, %dma_start3A_375] : memref<3x96xf32, #tpu.memory_space<vmem>> -> memref<1x96xf32, #tpu.memory_space<vmem>>
    tpu.enqueue_dma source(%dma_start3A_376 : memref<1x96xf32, #tpu.memory_space<vmem>>) target(%dma_start3A_373 : memref<1x96xf32, #tpu.memory_space<hbm>>) target_semaphore(%arg12 : memref<!tpu.dma_semaphore, #tpu.memory_space<semaphore_mem>>)
    %sub3A_377 = arith.constant 1 : i32
    %sub3A_378 = arith.subi %min3A_15, %sub3A_377 : i32
    %dma_start3A_379 = arith.constant 1 : i32
    %dma_start3A_380 = arith.constant 0 : i32
    %dma_start3A_381 = tpu.memref_slice %arg11[%dma_start3A_379, %dma_start3A_380] : memref<3x96xf32, #tpu.memory_space<vmem>> -> memref<1x96xf32, #tpu.memory_space<vmem>>
    %dma_start3A_382 = arith.constant 0 : i32
    %dma_start3A_383 = tpu.memref_slice %arg5[%sub3A_378, %dma_start3A_382] : memref<90x96xf32, #tpu.memory_space<hbm>> -> memref<1x96xf32, #tpu.memory_space<hbm>>
    %dma_start3A_384 = arith.constant 0 : i32
    %dma_start3A_385 = tpu.memref_slice %arg5[%sub3A_378, %dma_start3A_384] : memref<90x96xf32, #tpu.memory_space<hbm>> -> memref<1x96xf32, #tpu.memory_space<hbm>>
    %dma_start3A_386 = arith.constant 1 : i32
    %dma_start3A_387 = arith.constant 0 : i32
    %dma_start3A_388 = tpu.memref_slice %arg11[%dma_start3A_386, %dma_start3A_387] : memref<3x96xf32, #tpu.memory_space<vmem>> -> memref<1x96xf32, #tpu.memory_space<vmem>>
    tpu.enqueue_dma source(%dma_start3A_388 : memref<1x96xf32, #tpu.memory_space<vmem>>) target(%dma_start3A_385 : memref<1x96xf32, #tpu.memory_space<hbm>>) target_semaphore(%arg12 : memref<!tpu.dma_semaphore, #tpu.memory_space<semaphore_mem>>)
    %sub3A_389 = arith.constant 1 : i32
    %sub3A_390 = arith.subi %min3A_17, %sub3A_389 : i32
    %dma_start3A_391 = arith.constant 2 : i32
    %dma_start3A_392 = arith.constant 0 : i32
    %dma_start3A_393 = tpu.memref_slice %arg11[%dma_start3A_391, %dma_start3A_392] : memref<3x96xf32, #tpu.memory_space<vmem>> -> memref<1x96xf32, #tpu.memory_space<vmem>>
    %dma_start3A_394 = arith.constant 0 : i32
    %dma_start3A_395 = tpu.memref_slice %arg5[%sub3A_390, %dma_start3A_394] : memref<90x96xf32, #tpu.memory_space<hbm>> -> memref<1x96xf32, #tpu.memory_space<hbm>>
    %dma_start3A_396 = arith.constant 0 : i32
    %dma_start3A_397 = tpu.memref_slice %arg5[%sub3A_390, %dma_start3A_396] : memref<90x96xf32, #tpu.memory_space<hbm>> -> memref<1x96xf32, #tpu.memory_space<hbm>>
    %dma_start3A_398 = arith.constant 2 : i32
    %dma_start3A_399 = arith.constant 0 : i32
    %dma_start3A_400 = tpu.memref_slice %arg11[%dma_start3A_398, %dma_start3A_399] : memref<3x96xf32, #tpu.memory_space<vmem>> -> memref<1x96xf32, #tpu.memory_space<vmem>>
    tpu.enqueue_dma source(%dma_start3A_400 : memref<1x96xf32, #tpu.memory_space<vmem>>) target(%dma_start3A_397 : memref<1x96xf32, #tpu.memory_space<hbm>>) target_semaphore(%arg12 : memref<!tpu.dma_semaphore, #tpu.memory_space<semaphore_mem>>)
    %dma_wait3A_401 = arith.constant 0 : i32
    %dma_wait3A_402 = arith.constant 0 : i32
    %dma_wait3A_403 = tpu.memref_slice %arg11[%dma_wait3A_401, %dma_wait3A_402] : memref<3x96xf32, #tpu.memory_space<vmem>> -> memref<1x96xf32, #tpu.memory_space<vmem>>
    %dma_wait3A_404 = arith.constant 0 : i32
    %dma_wait3A_405 = tpu.memref_slice %arg5[%sub3A_366, %dma_wait3A_404] : memref<90x96xf32, #tpu.memory_space<hbm>> -> memref<1x96xf32, #tpu.memory_space<hbm>>
    %dma_wait3A_406 = arith.constant 0 : i32
    %dma_wait3A_407 = tpu.memref_slice %arg5[%sub3A_366, %dma_wait3A_406] : memref<90x96xf32, #tpu.memory_space<hbm>> -> memref<1x96xf32, #tpu.memory_space<hbm>>
    %dma_wait3A_408 = arith.constant 0 : i32
    %dma_wait3A_409 = arith.constant 0 : i32
    %dma_wait3A_410 = tpu.memref_slice %arg11[%dma_wait3A_408, %dma_wait3A_409] : memref<3x96xf32, #tpu.memory_space<vmem>> -> memref<1x96xf32, #tpu.memory_space<vmem>>
    tpu.wait_dma2 semaphore(%arg12 : memref<!tpu.dma_semaphore, #tpu.memory_space<semaphore_mem>>) src(%dma_wait3A_410 : memref<1x96xf32, #tpu.memory_space<vmem>>) dst(%dma_wait3A_407 : memref<1x96xf32, #tpu.memory_space<hbm>>)
    %dma_wait3A_411 = arith.constant 1 : i32
    %dma_wait3A_412 = arith.constant 0 : i32
    %dma_wait3A_413 = tpu.memref_slice %arg11[%dma_wait3A_411, %dma_wait3A_412] : memref<3x96xf32, #tpu.memory_space<vmem>> -> memref<1x96xf32, #tpu.memory_space<vmem>>
    %dma_wait3A_414 = arith.constant 0 : i32
    %dma_wait3A_415 = tpu.memref_slice %arg5[%sub3A_378, %dma_wait3A_414] : memref<90x96xf32, #tpu.memory_space<hbm>> -> memref<1x96xf32, #tpu.memory_space<hbm>>
    %dma_wait3A_416 = arith.constant 0 : i32
    %dma_wait3A_417 = tpu.memref_slice %arg5[%sub3A_378, %dma_wait3A_416] : memref<90x96xf32, #tpu.memory_space<hbm>> -> memref<1x96xf32, #tpu.memory_space<hbm>>
    %dma_wait3A_418 = arith.constant 1 : i32
    %dma_wait3A_419 = arith.constant 0 : i32
    %dma_wait3A_420 = tpu.memref_slice %arg11[%dma_wait3A_418, %dma_wait3A_419] : memref<3x96xf32, #tpu.memory_space<vmem>> -> memref<1x96xf32, #tpu.memory_space<vmem>>
    tpu.wait_dma2 semaphore(%arg12 : memref<!tpu.dma_semaphore, #tpu.memory_space<semaphore_mem>>) src(%dma_wait3A_420 : memref<1x96xf32, #tpu.memory_space<vmem>>) dst(%dma_wait3A_417 : memref<1x96xf32, #tpu.memory_space<hbm>>)
    %dma_wait3A_421 = arith.constant 2 : i32
    %dma_wait3A_422 = arith.constant 0 : i32
    %dma_wait3A_423 = tpu.memref_slice %arg11[%dma_wait3A_421, %dma_wait3A_422] : memref<3x96xf32, #tpu.memory_space<vmem>> -> memref<1x96xf32, #tpu.memory_space<vmem>>
    %dma_wait3A_424 = arith.constant 0 : i32
    %dma_wait3A_425 = tpu.memref_slice %arg5[%sub3A_390, %dma_wait3A_424] : memref<90x96xf32, #tpu.memory_space<hbm>> -> memref<1x96xf32, #tpu.memory_space<hbm>>
    %dma_wait3A_426 = arith.constant 0 : i32
    %dma_wait3A_427 = tpu.memref_slice %arg5[%sub3A_390, %dma_wait3A_426] : memref<90x96xf32, #tpu.memory_space<hbm>> -> memref<1x96xf32, #tpu.memory_space<hbm>>
    %dma_wait3A_428 = arith.constant 2 : i32
    %dma_wait3A_429 = arith.constant 0 : i32
    %dma_wait3A_430 = tpu.memref_slice %arg11[%dma_wait3A_428, %dma_wait3A_429] : memref<3x96xf32, #tpu.memory_space<vmem>> -> memref<1x96xf32, #tpu.memory_space<vmem>>
    tpu.wait_dma2 semaphore(%arg12 : memref<!tpu.dma_semaphore, #tpu.memory_space<semaphore_mem>>) src(%dma_wait3A_430 : memref<1x96xf32, #tpu.memory_space<vmem>>) dst(%dma_wait3A_427 : memref<1x96xf32, #tpu.memory_space<hbm>>)
    return
  }
}

module attributes {stable_mosaic.version = 14 : i64} {
  func.func @_merge_body(%arg0: memref<90x96xf32, #tpu.memory_space<vmem>>, %arg1: memref<10x7xf32, #tpu.memory_space<vmem>>) attributes {dimension_semantics = [], scalar_prefetch = 0 : i64, scratch_operands = 0 : i64, tpu.core_type = #tpu.core_type<tc>} {
    %get3A = arith.constant 0 : index
    %get3A_0 = arith.constant 0 : index
    %get3A_1 = vector.load %arg0[%get3A, %get3A_0] : memref<90x96xf32, #tpu.memory_space<vmem>>, vector<90x96xf32>
    %slice3A = vector.extract_strided_slice %get3A_1 {offsets = [0, 0], sizes = [90, 10], strides = [1, 1]} : vector<90x96xf32> to vector<90x10xf32>
    %slice3A_2 = vector.extract_strided_slice %get3A_1 {offsets = [0, 16], sizes = [90, 10], strides = [1, 1]} : vector<90x96xf32> to vector<90x10xf32>
    %slice3A_3 = vector.extract_strided_slice %get3A_1 {offsets = [0, 32], sizes = [90, 10], strides = [1, 1]} : vector<90x96xf32> to vector<90x10xf32>
    %slice3A_4 = vector.extract_strided_slice %get3A_1 {offsets = [0, 48], sizes = [90, 10], strides = [1, 1]} : vector<90x96xf32> to vector<90x10xf32>
    %slice3A_5 = vector.extract_strided_slice %get3A_1 {offsets = [0, 64], sizes = [90, 10], strides = [1, 1]} : vector<90x96xf32> to vector<90x10xf32>
    %slice3A_6 = vector.extract_strided_slice %get3A_1 {offsets = [0, 80], sizes = [90, 10], strides = [1, 1]} : vector<90x96xf32> to vector<90x10xf32>
    %gt3A = arith.constant 0.000000e+00 : f32
    %gt3A_7 = vector.broadcast %gt3A : f32 to vector<90x10xf32>
    %gt3A_8 = arith.cmpf ogt, %slice3A, %gt3A_7 : vector<90x10xf32>
    %jit3A = arith.constant -1.000000e+00 : f32
    %broadcast_in_dim3A = vector.broadcast %jit3A : f32 to vector<90x10xf32>
    %select_n3A = arith.select %gt3A_8, %slice3A, %broadcast_in_dim3A : vector<90x10xi1>, vector<90x10xf32>
    %iota3A = tpu.iota {dimensions = array<i32: 0>} : vector<90x10xi32>
    %iota3A_9 = tpu.iota {dimensions = array<i32: 1>} : vector<90x10xi32>
    %mul3A = arith.constant 10 : i32
    %mul3A_10 = vector.broadcast %mul3A : i32 to vector<90x10xi32>
    %mul3A_11 = arith.muli %iota3A, %mul3A_10 : vector<90x10xi32>
    %add3A = arith.addi %mul3A_11, %iota3A_9 : vector<90x10xi32>
    %add3A_12 = arith.constant 1 : i32
    %add3A_13 = vector.broadcast %add3A_12 : i32 to vector<90x10xi32>
    %add3A_14 = arith.addi %iota3A, %add3A_13 : vector<90x10xi32>
    %convert_element_type3A = arith.sitofp %add3A_14 : vector<90x10xi32> to vector<90x10xf32>
    %iota3A_15 = tpu.iota {dimensions = array<i32: 0>} : vector<16x128xi32>
    %iota3A_16 = tpu.iota {dimensions = array<i32: 1>} : vector<16x128xi32>
    %broadcast_in_dim3A_17 = arith.constant 0.000000e+00 : f32
    %broadcast_in_dim3A_18 = vector.broadcast %broadcast_in_dim3A_17 : f32 to vector<16x128xf32>
    %scan3A = arith.constant 0 : i32
    %scan3A_19 = arith.constant 10 : i32
    %scan3A_20 = arith.addi %scan3A, %scan3A_19 : i32
    %scan3A_21 = arith.constant 1 : i32
    %scan3A_22:2 = scf.for %scan3A_27 = %scan3A to %scan3A_20 step %scan3A_21 iter_args(%scan3A_28 = %select_n3A, %scan3A_29 = %broadcast_in_dim3A_18) -> (vector<90x10xf32>, vector<16x128xf32>)  : i32 {
      %reduce_max3A = vector.shape_cast %scan3A_28 : vector<90x10xf32> to vector<1x90x10xf32>
      %reduce_max3A_30 = arith.constant dense<0xFF800000> : vector<1xf32>
      %reduce_max3A_31 = vector.multi_reduction <maximumf>, %reduce_max3A, %reduce_max3A_30 [1, 2] : vector<1x90x10xf32> to vector<1xf32>
      %reduce_max3A_32 = vector.shape_cast %reduce_max3A_31 : vector<1xf32> to vector<1x1x1xf32>
      %reduce_max3A_33 = vector.extract %reduce_max3A_32[0, 0, 0] : f32 from vector<1x1x1xf32>
      %eq3A = vector.broadcast %reduce_max3A_33 : f32 to vector<90x10xf32>
      %eq3A_34 = arith.cmpf oeq, %scan3A_28, %eq3A : vector<90x10xf32>
      %jit3A_35 = arith.constant 1073741824 : i32
      %broadcast_in_dim3A_36 = vector.broadcast %jit3A_35 : i32 to vector<90x10xi32>
      %select_n3A_37 = arith.select %eq3A_34, %add3A, %broadcast_in_dim3A_36 : vector<90x10xi1>, vector<90x10xi32>
      %reduce_min3A = vector.shape_cast %select_n3A_37 : vector<90x10xi32> to vector<1x90x10xi32>
      %reduce_min3A_38 = arith.constant dense<2147483647> : vector<1xi32>
      %reduce_min3A_39 = vector.multi_reduction <minsi>, %reduce_min3A, %reduce_min3A_38 [1, 2] : vector<1x90x10xi32> to vector<1xi32>
      %reduce_min3A_40 = vector.shape_cast %reduce_min3A_39 : vector<1xi32> to vector<1x1x1xi32>
      %reduce_min3A_41 = vector.extract %reduce_min3A_40[0, 0, 0] : i32 from vector<1x1x1xi32>
      %eq3A_42 = vector.broadcast %reduce_min3A_41 : i32 to vector<90x10xi32>
      %eq3A_43 = arith.cmpi eq, %add3A, %eq3A_42 : vector<90x10xi32>
      %jit3A_44 = arith.constant 0.000000e+00 : f32
      %broadcast_in_dim3A_45 = vector.broadcast %jit3A_44 : f32 to vector<90x10xf32>
      %select_n3A_46 = arith.select %eq3A_43, %scan3A_28, %broadcast_in_dim3A_45 : vector<90x10xi1>, vector<90x10xf32>
      %reduce_sum3A = vector.shape_cast %select_n3A_46 : vector<90x10xf32> to vector<1x90x10xf32>
      %reduce_sum3A_47 = arith.constant dense<0.000000e+00> : vector<1xf32>
      %reduce_sum3A_48 = vector.multi_reduction <add>, %reduce_sum3A, %reduce_sum3A_47 [1, 2] : vector<1x90x10xf32> to vector<1xf32>
      %reduce_sum3A_49 = vector.shape_cast %reduce_sum3A_48 : vector<1xf32> to vector<1x1x1xf32>
      %reduce_sum3A_50 = vector.extract %reduce_sum3A_49[0, 0, 0] : f32 from vector<1x1x1xf32>
      %jit3A_51 = arith.constant 0.000000e+00 : f32
      %broadcast_in_dim3A_52 = vector.broadcast %jit3A_51 : f32 to vector<90x10xf32>
      %select_n3A_53 = arith.select %eq3A_43, %slice3A_2, %broadcast_in_dim3A_52 : vector<90x10xi1>, vector<90x10xf32>
      %reduce_sum3A_54 = vector.shape_cast %select_n3A_53 : vector<90x10xf32> to vector<1x90x10xf32>
      %reduce_sum3A_55 = arith.constant dense<0.000000e+00> : vector<1xf32>
      %reduce_sum3A_56 = vector.multi_reduction <add>, %reduce_sum3A_54, %reduce_sum3A_55 [1, 2] : vector<1x90x10xf32> to vector<1xf32>
      %reduce_sum3A_57 = vector.shape_cast %reduce_sum3A_56 : vector<1xf32> to vector<1x1x1xf32>
      %reduce_sum3A_58 = vector.extract %reduce_sum3A_57[0, 0, 0] : f32 from vector<1x1x1xf32>
      %jit3A_59 = arith.constant 0.000000e+00 : f32
      %broadcast_in_dim3A_60 = vector.broadcast %jit3A_59 : f32 to vector<90x10xf32>
      %select_n3A_61 = arith.select %eq3A_43, %convert_element_type3A, %broadcast_in_dim3A_60 : vector<90x10xi1>, vector<90x10xf32>
      %reduce_sum3A_62 = vector.shape_cast %select_n3A_61 : vector<90x10xf32> to vector<1x90x10xf32>
      %reduce_sum3A_63 = arith.constant dense<0.000000e+00> : vector<1xf32>
      %reduce_sum3A_64 = vector.multi_reduction <add>, %reduce_sum3A_62, %reduce_sum3A_63 [1, 2] : vector<1x90x10xf32> to vector<1xf32>
      %reduce_sum3A_65 = vector.shape_cast %reduce_sum3A_64 : vector<1xf32> to vector<1x1x1xf32>
      %reduce_sum3A_66 = vector.extract %reduce_sum3A_65[0, 0, 0] : f32 from vector<1x1x1xf32>
      %jit3A_67 = arith.constant 0.000000e+00 : f32
      %broadcast_in_dim3A_68 = vector.broadcast %jit3A_67 : f32 to vector<90x10xf32>
      %select_n3A_69 = arith.select %eq3A_43, %slice3A_3, %broadcast_in_dim3A_68 : vector<90x10xi1>, vector<90x10xf32>
      %reduce_sum3A_70 = vector.shape_cast %select_n3A_69 : vector<90x10xf32> to vector<1x90x10xf32>
      %reduce_sum3A_71 = arith.constant dense<0.000000e+00> : vector<1xf32>
      %reduce_sum3A_72 = vector.multi_reduction <add>, %reduce_sum3A_70, %reduce_sum3A_71 [1, 2] : vector<1x90x10xf32> to vector<1xf32>
      %reduce_sum3A_73 = vector.shape_cast %reduce_sum3A_72 : vector<1xf32> to vector<1x1x1xf32>
      %reduce_sum3A_74 = vector.extract %reduce_sum3A_73[0, 0, 0] : f32 from vector<1x1x1xf32>
      %jit3A_75 = arith.constant 0.000000e+00 : f32
      %broadcast_in_dim3A_76 = vector.broadcast %jit3A_75 : f32 to vector<90x10xf32>
      %select_n3A_77 = arith.select %eq3A_43, %slice3A_4, %broadcast_in_dim3A_76 : vector<90x10xi1>, vector<90x10xf32>
      %reduce_sum3A_78 = vector.shape_cast %select_n3A_77 : vector<90x10xf32> to vector<1x90x10xf32>
      %reduce_sum3A_79 = arith.constant dense<0.000000e+00> : vector<1xf32>
      %reduce_sum3A_80 = vector.multi_reduction <add>, %reduce_sum3A_78, %reduce_sum3A_79 [1, 2] : vector<1x90x10xf32> to vector<1xf32>
      %reduce_sum3A_81 = vector.shape_cast %reduce_sum3A_80 : vector<1xf32> to vector<1x1x1xf32>
      %reduce_sum3A_82 = vector.extract %reduce_sum3A_81[0, 0, 0] : f32 from vector<1x1x1xf32>
      %jit3A_83 = arith.constant 0.000000e+00 : f32
      %broadcast_in_dim3A_84 = vector.broadcast %jit3A_83 : f32 to vector<90x10xf32>
      %select_n3A_85 = arith.select %eq3A_43, %slice3A_5, %broadcast_in_dim3A_84 : vector<90x10xi1>, vector<90x10xf32>
      %reduce_sum3A_86 = vector.shape_cast %select_n3A_85 : vector<90x10xf32> to vector<1x90x10xf32>
      %reduce_sum3A_87 = arith.constant dense<0.000000e+00> : vector<1xf32>
      %reduce_sum3A_88 = vector.multi_reduction <add>, %reduce_sum3A_86, %reduce_sum3A_87 [1, 2] : vector<1x90x10xf32> to vector<1xf32>
      %reduce_sum3A_89 = vector.shape_cast %reduce_sum3A_88 : vector<1xf32> to vector<1x1x1xf32>
      %reduce_sum3A_90 = vector.extract %reduce_sum3A_89[0, 0, 0] : f32 from vector<1x1x1xf32>
      %jit3A_91 = arith.constant 0.000000e+00 : f32
      %broadcast_in_dim3A_92 = vector.broadcast %jit3A_91 : f32 to vector<90x10xf32>
      %select_n3A_93 = arith.select %eq3A_43, %slice3A_6, %broadcast_in_dim3A_92 : vector<90x10xi1>, vector<90x10xf32>
      %reduce_sum3A_94 = vector.shape_cast %select_n3A_93 : vector<90x10xf32> to vector<1x90x10xf32>
      %reduce_sum3A_95 = arith.constant dense<0.000000e+00> : vector<1xf32>
      %reduce_sum3A_96 = vector.multi_reduction <add>, %reduce_sum3A_94, %reduce_sum3A_95 [1, 2] : vector<1x90x10xf32> to vector<1xf32>
      %reduce_sum3A_97 = vector.shape_cast %reduce_sum3A_96 : vector<1xf32> to vector<1x1x1xf32>
      %reduce_sum3A_98 = vector.extract %reduce_sum3A_97[0, 0, 0] : f32 from vector<1x1x1xf32>
      %eq3A_99 = vector.broadcast %scan3A_27 : i32 to vector<16x128xi32>
      %eq3A_100 = arith.cmpi eq, %iota3A_15, %eq3A_99 : vector<16x128xi32>
      %eq3A_101 = arith.constant 0 : i32
      %eq3A_102 = vector.broadcast %eq3A_101 : i32 to vector<16x128xi32>
      %eq3A_103 = arith.cmpi eq, %iota3A_16, %eq3A_102 : vector<16x128xi32>
      %and3A = arith.andi %eq3A_100, %eq3A_103 : vector<16x128xi1>
      %broadcast_in_dim3A_104 = vector.broadcast %reduce_sum3A_50 : f32 to vector<16x128xf32>
      %select_n3A_105 = arith.select %and3A, %broadcast_in_dim3A_104, %scan3A_29 : vector<16x128xi1>, vector<16x128xf32>
      %eq3A_106 = vector.broadcast %scan3A_27 : i32 to vector<16x128xi32>
      %eq3A_107 = arith.cmpi eq, %iota3A_15, %eq3A_106 : vector<16x128xi32>
      %eq3A_108 = arith.constant 1 : i32
      %eq3A_109 = vector.broadcast %eq3A_108 : i32 to vector<16x128xi32>
      %eq3A_110 = arith.cmpi eq, %iota3A_16, %eq3A_109 : vector<16x128xi32>
      %and3A_111 = arith.andi %eq3A_107, %eq3A_110 : vector<16x128xi1>
      %broadcast_in_dim3A_112 = vector.broadcast %reduce_sum3A_58 : f32 to vector<16x128xf32>
      %select_n3A_113 = arith.select %and3A_111, %broadcast_in_dim3A_112, %select_n3A_105 : vector<16x128xi1>, vector<16x128xf32>
      %eq3A_114 = vector.broadcast %scan3A_27 : i32 to vector<16x128xi32>
      %eq3A_115 = arith.cmpi eq, %iota3A_15, %eq3A_114 : vector<16x128xi32>
      %eq3A_116 = arith.constant 2 : i32
      %eq3A_117 = vector.broadcast %eq3A_116 : i32 to vector<16x128xi32>
      %eq3A_118 = arith.cmpi eq, %iota3A_16, %eq3A_117 : vector<16x128xi32>
      %and3A_119 = arith.andi %eq3A_115, %eq3A_118 : vector<16x128xi1>
      %broadcast_in_dim3A_120 = vector.broadcast %reduce_sum3A_66 : f32 to vector<16x128xf32>
      %select_n3A_121 = arith.select %and3A_119, %broadcast_in_dim3A_120, %select_n3A_113 : vector<16x128xi1>, vector<16x128xf32>
      %eq3A_122 = vector.broadcast %scan3A_27 : i32 to vector<16x128xi32>
      %eq3A_123 = arith.cmpi eq, %iota3A_15, %eq3A_122 : vector<16x128xi32>
      %eq3A_124 = arith.constant 3 : i32
      %eq3A_125 = vector.broadcast %eq3A_124 : i32 to vector<16x128xi32>
      %eq3A_126 = arith.cmpi eq, %iota3A_16, %eq3A_125 : vector<16x128xi32>
      %and3A_127 = arith.andi %eq3A_123, %eq3A_126 : vector<16x128xi1>
      %broadcast_in_dim3A_128 = vector.broadcast %reduce_sum3A_74 : f32 to vector<16x128xf32>
      %select_n3A_129 = arith.select %and3A_127, %broadcast_in_dim3A_128, %select_n3A_121 : vector<16x128xi1>, vector<16x128xf32>
      %eq3A_130 = vector.broadcast %scan3A_27 : i32 to vector<16x128xi32>
      %eq3A_131 = arith.cmpi eq, %iota3A_15, %eq3A_130 : vector<16x128xi32>
      %eq3A_132 = arith.constant 4 : i32
      %eq3A_133 = vector.broadcast %eq3A_132 : i32 to vector<16x128xi32>
      %eq3A_134 = arith.cmpi eq, %iota3A_16, %eq3A_133 : vector<16x128xi32>
      %and3A_135 = arith.andi %eq3A_131, %eq3A_134 : vector<16x128xi1>
      %broadcast_in_dim3A_136 = vector.broadcast %reduce_sum3A_82 : f32 to vector<16x128xf32>
      %select_n3A_137 = arith.select %and3A_135, %broadcast_in_dim3A_136, %select_n3A_129 : vector<16x128xi1>, vector<16x128xf32>
      %eq3A_138 = vector.broadcast %scan3A_27 : i32 to vector<16x128xi32>
      %eq3A_139 = arith.cmpi eq, %iota3A_15, %eq3A_138 : vector<16x128xi32>
      %eq3A_140 = arith.constant 5 : i32
      %eq3A_141 = vector.broadcast %eq3A_140 : i32 to vector<16x128xi32>
      %eq3A_142 = arith.cmpi eq, %iota3A_16, %eq3A_141 : vector<16x128xi32>
      %and3A_143 = arith.andi %eq3A_139, %eq3A_142 : vector<16x128xi1>
      %broadcast_in_dim3A_144 = vector.broadcast %reduce_sum3A_90 : f32 to vector<16x128xf32>
      %select_n3A_145 = arith.select %and3A_143, %broadcast_in_dim3A_144, %select_n3A_137 : vector<16x128xi1>, vector<16x128xf32>
      %eq3A_146 = vector.broadcast %scan3A_27 : i32 to vector<16x128xi32>
      %eq3A_147 = arith.cmpi eq, %iota3A_15, %eq3A_146 : vector<16x128xi32>
      %eq3A_148 = arith.constant 6 : i32
      %eq3A_149 = vector.broadcast %eq3A_148 : i32 to vector<16x128xi32>
      %eq3A_150 = arith.cmpi eq, %iota3A_16, %eq3A_149 : vector<16x128xi32>
      %and3A_151 = arith.andi %eq3A_147, %eq3A_150 : vector<16x128xi1>
      %broadcast_in_dim3A_152 = vector.broadcast %reduce_sum3A_98 : f32 to vector<16x128xf32>
      %select_n3A_153 = arith.select %and3A_151, %broadcast_in_dim3A_152, %select_n3A_145 : vector<16x128xi1>, vector<16x128xf32>
      %jit3A_154 = arith.constant -2.000000e+00 : f32
      %broadcast_in_dim3A_155 = vector.broadcast %jit3A_154 : f32 to vector<90x10xf32>
      %select_n3A_156 = arith.select %eq3A_43, %broadcast_in_dim3A_155, %scan3A_28 : vector<90x10xi1>, vector<90x10xf32>
      scf.yield %select_n3A_156, %select_n3A_153 : vector<90x10xf32>, vector<16x128xf32>
    }
    %scan3A_23 = arith.constant 10 : i32
    %slice3A_24 = vector.extract_strided_slice %scan3A_22#1 {offsets = [0, 0], sizes = [10, 7], strides = [1, 1]} : vector<16x128xf32> to vector<10x7xf32>
    %swap3A = arith.constant 0 : index
    %swap3A_25 = arith.constant 0 : index
    %swap3A_26 = vector.load %arg1[%swap3A, %swap3A_25] : memref<10x7xf32, #tpu.memory_space<vmem>>, vector<10x7xf32>
    tpu.vector_store %arg1[%swap3A, %swap3A_25], %slice3A_24 {strides = array<i32>} : memref<10x7xf32, #tpu.memory_space<vmem>>, vector<10x7xf32>,
    return
  }
}

</mosaic_0001>

<sc_bundles>
// kernel: kernel.4.cloned.1.call-start
scs
__scs_entry_jumppad:
0x0: {  	(pc) =	sbr.rel $0x88, $3  }
0x1: {  	(tag) =	ssettag $0x0;
	lr =	simm.s32 $0x1  }
0x2: {  	[smem:$0x3F9E] =	sst lr;
	_ =	strace $0xD0000000  }
0x3: {  	_ = 	snop  }
0x4: {  	_ = 	snop  }
0x5: {  	_ = 	snop  }
0x6: {  	_ = 	snop  }
0x7: {  	_ = 	snop  }
__scs_overlays_trampoline_lowered:
0x8: {  	[smem:$0x3FAD] =	sst s0  }
0x9: {  	[smem:$0x3FAE] =	sst s1  }
0xa: {  	[smem:$0x3FAF] =	sst s2  }
0xb: {  	[smem:$0x3FB0] =	sst s3  }
0xc: {  	[smem:$0x3FB1] =	sst s4  }
0xd: {  	[smem:$0x3FB2] =	sst s5  }
0xe: {  	[smem:$0x3FB3] =	sst s6  }
0xf: {  	[smem:$0x3FB4] =	sst s7  }
0x10: {  	[smem:$0x3FB5] =	sst s8  }
0x11: {  	[smem:$0x3FB6] =	sst s9;
	s0 =	simm.s32 @!p0 $0x0  }
0x12: {  	s1 =	sld [smem:$0x3F9C];
	s0 =	simm.s32 @p0 $0x1  }
0x13: {  	[smem:$0x3FB7] =	sst s0;
	s0 =	simm.s32 @!p1 $0x0  }
0x14: {  	s2 =	sld [smem:$0x3F9B];
	s0 =	simm.s32 @p1 $0x1  }
0x15: {  	[smem:$0x3FB8] =	sst s0;
	s0 =	simm.s32 @!p2 $0x0  }
0x16: {  	s3 =	sld [smem:$0x3FDB];
	s0 =	simm.s32 @p2 $0x1  }
0x17: {  	s4 =	simm.s32 $0x1BF5;
	[smem:$0x3FBA] =	sst s0  }
0x18: {  	s0 =	sld [smem:$0x3F9D];
	_ =	swait.ge [sflag:s4], $0x0  }
0x19: {  	s7 =	sld [smem:$0x3F9E]  }
0x1a: {  	s8 =	sadd.s32 $0xFFFFE003, lr  }
0x1b: {  	s9 =	sadd.s32 $0xFFFFFEF7, lr;
	s5 =	simm.s32 $0xFFFFFFFF;
	p2 =	slt.u32 s8, $0xFFFFF086  }
0x1c: {  	p1 =	slt.u32 s9, $0xF7A;
	s5 =	simm.s32 @!p2 $0x0  }
0x1d: {  	s5 =	simm.s32 @p1 $0x1;
	p0 =	seq.s32 s7, s2  }
0x1e: {  	s7 =	smul.u32 @!p0 $0xF7A, s2;
	p2 =	seq.s32 @!p0 s5, $0x0  }
0x1f: {  	s9 =	smul.u32 $0xF7A, s1;
	s8 =	simm.s32 @!p0 $0x1BF5;
	p2 =	por !p2, p0  }
0x20: {  	[sflag:s8] =	ssyncset.s32 @!p0 $0xFFFFF086;
	s6 =	sadd.s32 @!p0 s3, s7;
	s7 =	simm.s32 @!p0 $0x108  }
0x21: {  	s3 =	sadd.s32 s3, s9;
	s6 =	sadd.s32 @!p0 $0x88, s6;
	s7 =	simm.s32 @p2 $0x1082  }
0x22: {  	[simem:s7], [sflag:s8] =	dma.local @!p0 [hbm:s6], $0xF7A  }
0x23: {  	s9 =	sor.u32 $0xD0000000, s2;
	s6 =	simm.s32 $0x108;
	_ =	swait.ge @!p0 [sflag:s8], $0x0  }
0x24: {  	s3 =	sadd.s32 $0x88, s3;
	s6 =	simm.s32 @!p1 $0x1082;
	[sflag:s4] =	ssyncset.s32 $0xFFFFF086  }
0x25: {  	[simem:s6], [sflag:s4] =	dma.local [hbm:s3], $0xF7A  }
0x26: {  	[smem:$0x3F9E] =	sst s1;
	(tag) =	ssettag s2;
	_ =	strace s9  }
0x27: {  	s1 =	sld [smem:$0x3FAE]  }
0x28: {  	s2 =	sld [smem:$0x3FAF]  }
0x29: {  	s4 =	sld [smem:$0x3FB1]  }
0x2a: {  	p0 =	seq.s32 s5, $0x0;
	s5 =	sld [smem:$0x3FB2]  }
0x2b: {  	s6 =	sld [smem:$0x3FB3]  }
0x2c: {  	s7 =	sld [smem:$0x3FB4]  }
0x2d: {  	s3 =	simm.s32 $0x108;
	s8 =	sld [smem:$0x3FB5]  }
0x2e: {  	s3 =	simm.s32 @!p0 $0x1082;
	s9 =	sld [smem:$0x3FB6]  }
0x2f: {  	lr =	sadd.s32 s0, s3;
	s0 =	sld [smem:$0x3FAD]  }
0x30: {  	s3 =	sld [smem:$0x3FB0]  }
0x31: {  	[smem:$0x3FB9] =	sst s10  }
0x32: {  	s10 =	sld [smem:$0x3FB7];
	_ =	sdelay $0x3  }
0x33: {  	p0 =	seq.s32 s10, $0x1;
	s10 =	sld [smem:$0x3FB9];
	_ =	sdelay $0x3  }
0x34: {  	[smem:$0x3FB9] =	sst s10  }
0x35: {  	s10 =	sld [smem:$0x3FB8];
	_ =	sdelay $0x3  }
0x36: {  	p1 =	seq.s32 s10, $0x1;
	s10 =	sld [smem:$0x3FB9];
	_ =	sdelay $0x3  }
0x37: {  	[smem:$0x3FB9] =	sst s10  }
0x38: {  	s10 =	sld [smem:$0x3FBA]  }
0x39: {  	_ = 	snop;
	(pc) =	sbr.ind lr, $3  }
0x3a: {  	_ = 	snop  }
0x3b: {  	_ = 	snop  }
0x3c: {  	p2 =	seq.s32 s10, $0x1;
	s10 =	sld [smem:$0x3FB9]  }
0x3d: {  	_ =	shalt  }
0x3e: {  	_ =	shalt  }
0x3f: {  	_ =	shalt  }
0x40: {  	_ =	shalt  }
0x41: {  	_ =	shalt  }
0x42: {  	_ =	shalt  }
0x43: {  	_ =	shalt  }
0x44: {  	_ =	shalt  }
0x45: {  	_ =	shalt  }
0x46: {  	_ =	shalt  }
0x47: {  	_ =	shalt  }
0x48: {  	_ =	shalt  }
0x49: {  	_ =	shalt  }
0x4a: {  	_ =	shalt  }
0x4b: {  	_ =	shalt  }
0x4c: {  	_ =	shalt  }
0x4d: {  	_ =	shalt  }
0x4e: {  	_ =	shalt  }
0x4f: {  	_ =	shalt  }
0x50: {  	_ =	shalt  }
0x51: {  	_ =	shalt  }
0x52: {  	_ =	shalt  }
0x53: {  	_ =	shalt  }
0x54: {  	_ =	shalt  }
0x55: {  	_ =	shalt  }
0x56: {  	_ =	shalt  }
0x57: {  	_ =	shalt  }
0x58: {  	_ =	shalt  }
0x59: {  	_ =	shalt  }
0x5a: {  	_ =	shalt  }
0x5b: {  	_ =	shalt  }
0x5c: {  	_ =	shalt  }
0x5d: {  	_ =	shalt  }
0x5e: {  	_ =	shalt  }
0x5f: {  	_ =	shalt  }
0x60: {  	_ =	shalt  }
0x61: {  	_ =	shalt  }
0x62: {  	_ =	shalt  }
0x63: {  	_ =	shalt  }
0x64: {  	_ =	shalt  }
0x65: {  	_ =	shalt  }
0x66: {  	_ =	shalt  }
0x67: {  	_ =	shalt  }
0x68: {  	_ =	shalt  }
0x69: {  	_ =	shalt  }
0x6a: {  	_ =	shalt  }
0x6b: {  	_ =	shalt  }
0x6c: {  	_ =	shalt  }
0x6d: {  	_ =	shalt  }
0x6e: {  	_ =	shalt  }
0x6f: {  	_ =	shalt  }
0x70: {  	_ =	shalt  }
0x71: {  	_ =	shalt  }
0x72: {  	_ =	shalt  }
0x73: {  	_ =	shalt  }
0x74: {  	_ =	shalt  }
0x75: {  	_ =	shalt  }
0x76: {  	_ =	shalt  }
0x77: {  	_ =	shalt  }
0x78: {  	_ =	shalt  }
0x79: {  	_ =	shalt  }
0x7a: {  	_ =	shalt  }
0x7b: {  	_ =	shalt  }
0x7c: {  	_ =	shalt  }
0x7d: {  	_ =	shalt  }
0x7e: {  	_ =	shalt  }
0x7f: {  	_ =	shalt  }
0x80: {  	_ =	shalt  }
0x81: {  	_ =	shalt  }
0x82: {  	_ =	shalt  }
0x83: {  	_ =	shalt  }
0x84: {  	_ =	shalt  }
0x85: {  	_ =	shalt  }
0x86: {  	_ =	shalt  }
0x87: {  	_ =	shalt  }
.Lfunc_end0:
.L_simem_size_0:
called_computation_lowered:
.L_overlay_start_0:
0x88: {  	s2 =	sld [smem:$0x3FD9]  }
0x89: {  	s3 =	sld [smem:$0x3FFE];
	_ =	sdelay $0x1  }
0x8a: {  	s1 =	srdreg.scid  }
0x8b: {  	s0 =	sand.u32 $0x1, s1  }
0x8c: {  	s16 =	sshll.u32 s0, $0xA;
	s2 =	sadd.s32 s3, s2  }
0x8d: {  	s2 =	sadd.s32 s2, s16  }
0x8e: {  	[smem:$0x3FC5] =	sst s2  }
0x8f: {  	_ = 	snop  }
0x90: {  	(tm) =	ssettm $0x1  }
0x91: {  	s17 =	sld [smem:$0x3FFB];
	_ =	sdelay $0x3  }
0x92: {  	_ =	strace s17  }
0x93: {  	s2 =	sld [smem:$0x3FFC];
	_ =	sdelay $0x3  }
0x94: {  	_ =	strace s2  }
0x95: {  	s2 =	sld [smem:$0x3FFD];
	_ =	sdelay $0x3  }
0x96: {  	_ =	strace s2  }
0x97: {  	_ =	strace $0x8FFFFFFF  }
0x98: {  	s18 =	sld [smem:$0x3FDB];
	_ =	sdelay $0x1  }
0x99: {  	s19 =	simm.s32 $_scs_section_size  }
0x9a: {  	s4 =	simm.s32 $_size__tile_overlayer_lowered;
	s5 =	simm.s32 $_tile_overlayer_lowered  }
0x9b: {  	s22 =	simm.s32 $0x1BFF;
	s21 =	sshll.u32 s5, $0x1;
	s2 =	sadd.s32 s19, s18  }
0x9c: {  	s6 =	simm.s32 $0x0;
	s20 =	sshll.u32 s4, $0x1;
	s4 =	sadd.s32 s21, s2  }
0x9d: {  	[timem:s6], [sflag:s22] =	dma.local [hbm:s4], s20  }
0x9e: {  	_ =	swait.ge [sflag:s22], s20  }
0x9f: {  	s3 =	ssub.s32 $0x0, s20;
	[sflag:s22] =	ssyncset.done $0x0  }
0xa0: {  	[sflag:s22] =	ssyncadd.s32 s3;
	_ =	sdelay $0x1  }
0xa1: {  	s23 =	simm.s32 $0x1B8B  }
0xa2: {  	_ =	swait.ge [sflag:s23], $0x1  }
0xa3: {  	[sflag:s23] =	ssyncset.done $0x0  }
0xa4: {  	s25 =	simm.s32 $0x1B8E;
	s24 =	sld [smem:$0x3FFE];
	[sflag:s23] =	ssyncadd.s32 $0xFFFFFFFF  }
0xa5: {  	s26 =	simm.s32 $execute0_lowered;
	[smem:$0x3FD2] =	sst s25  }
0xa6: {  	s4 =	sshll.u32 s26, $0x1;
	_ =	strace $0x80000046;
	[dreg:$0x1] =	wrdreg $0xFFFFFFFF  }
0xa7: {  	s28 =	simm.s32 $_size_execute0_lowered;
	s2 =	sadd.s32 s2, s4;
	[dreg:$0x0] =	wrdreg $0x0  }
0xa8: {  	s4 =	sshll.u32 s28, $0x1;
	[dreg:$0x2] =	wrdreg s2  }
0xa9: {  	[dreg:$0x3] =	wrdreg s4  }
0xaa: {  	[dreg:$0x4] =	wrdreg $0xC0  }
0xab: {  	_ =	task [dreg:s6], $0x5FFFF  }
0xac: {  	[dreg:$0x1] =	wrdreg $0xFFFFFFFF  }
0xad: {  	[dreg:$0x0] =	wrdreg $0x60  }
0xae: {  	[dreg:$0x2] =	wrdreg s24  }
0xaf: {  	[dreg:$0x3] =	wrdreg $0x9  }
0xb0: {  	_ =	task.clear_ibuf [dreg:s6], $0x4FFFF;
	_ =	strace $0x90000046  }
0xb1: {  	s29 =	simm.s32 $0x9;
	_ =	strace $0x80000048  }
0xb2: {  	_ =	swait.ge [sflag:s29], $0x1  }
0xb3: {  	[sflag:s29] =	ssyncadd.s32 $0xFFFFFFFF  }
0xb4: {  	_ =	strace $0x90000048  }
0xb5: {  	_ =	sfence  }
0xb6: {  	s30 =	sld [smem:$0x0];
	_ =	sdelay $0x2  }
0xb7: {  	s31 =	sshll.u32 s1, $0xD;
	s1 =	sshrl.u32 s1, $0x2  }
0xb8: {  	s3 =	sand.u32 $0x4000, s31;
	s1 =	sadd.s32 s1, s30  }
0xb9: {  	s0 =	sor.u32 s3, s0;
	s1 =	sshll.u32 s1, $0x11  }
0xba: {  	s0 =	sor.u32 s1, s0  }
0xbb: {  	s0 =	sadd.s32 $0x8F2B, s0  }
0xbc: {  	[sflag:s0] =	ssyncadd.remote.s32 $0x1  }
0xbd: {  	_ =	sfence.sel $0xFFFF  }
0xbe: {  	[dreg:$0x0] =	wrdreg $0xFFFFFFFF;
	(pc) =	sbr.abs _section_cstart, $3  }
0xbf: {  	[dreg:$0x1] =	wrdreg $0xFFFFFFFF  }
0xc0: {  	_ =	task.clear_ibuf [dreg:s6], $0x2FFFF;
	_ =	strace $0x9FFFFFFF  }
0xc1: {  	(tm) =	ssettm $0x7FFFFFFF  }
tec
execute0_lowered:
.L_overlay_start_1:
0x0: {  	(tag) =	ssettag $0x1  }
0x1: {  	s0 =	rddreg [dreg:$0x0];
	s1 =	simm.s32 $0x0;
	s22 =	srdreg.scid  }
0x2: {  	s5 =	stileid.u32;
	[smem:$0x7FF] =	sst s1;
	s2 =	sadd.s32 $0x600, s0  }
0x3: {  	s3 =	sadd.s32 $0xA00, s0;
	s23 =	sadd.s32 $0xE00, s0;
	s5 =	sshll.u32 s5, $0x1  }
0x4: {  	_ =	strace $0x80000047;
	[dreg:$0x2] =	wrdreg s2;
	s2 =	sand.u32 $0x1, s22  }
0x5: {  	s0 =	sadd.s32 $0x6800, s0;
	s4 =	ssub.s32 $0x2, s2;
	s2 =	sor.u32 s2, s5  }
0x6: {  	[dreg:$0x3] =	wrdreg s3;
	s6 =	sshrl.u32 s4, $0x1;
	s5 =	smin.u32 s2, $0x19  }
0x7: {  	s24 =	sadd.s32 $0x1, s2;
	s7 =	sadd.s32 $0x21, s2;
	s2 =	sshll.u32 s2, $0x4  }
0x8: {  	s4 =	ssub.s32 s4, s6;
	s8 =	sadd.s32 $0x41, s5;
	s9 =	sshrl.u32 s24, $0x3  }
0x9: {  	s6 =	sshll.u32 s24, $0x7;
	s10 =	sshrl.u32 s7, $0x3;
	s7 =	sshll.u32 s7, $0x7  }
0xa: {  	s5 =	sshll.u32 s5, $0x4;
	s2 =	sadd.s32 s0, s2;
	s9 =	smul.u32 $0x3C00, s9  }
0xb: {  	s6 =	sand.u32 $0x380, s6;
	s10 =	smul.u32 $0x3C00, s10;
	s7 =	sand.u32 $0x380, s7  }
0xc: {  	s25 =	sshrl.u32 s8, $0x3;
	[dreg:$0x7] =	wrdreg s2;
	s2 =	sadd.s32 $0x200, s2  }
0xd: {  	s8 =	sshll.u32 s8, $0x7;
	s0 =	sadd.s32 s5, s0;
	[dreg:$0x8] =	wrdreg s2  }
0xe: {  	s0 =	sadd.s32 $0x400, s0;
	s6 =	sor.u32 s6, s9;
	s9 =	smul.u32 $0x3C00, s25  }
0xf: {  	s8 =	sand.u32 $0x380, s8;
	s7 =	sor.u32 s7, s10;
	[dreg:$0x9] =	wrdreg s0  }
0x10: {  	s6 =	sshrl.u32 s6, $0x3;
	s28 =	sor.u32 s8, s9;
	s8 =	smax.u32 s4, $0x1  }
0x11: {  	s7 =	sshrl.u32 s7, $0x3;
	s26 =	sadd.s32 s23, s6;
	[dreg:$0xa] =	wrdreg s8  }
0x12: {  	s7 =	sadd.s32 s23, s7;
	[dreg:$0x4] =	wrdreg s26  }
0x13: {  	s9 =	sadd.s32 $0x80, s26;
	[dreg:$0x5] =	wrdreg s7  }
0x14: {  	s11 =	sadd.s32 $0x100, s26;
	[dreg:$0xb] =	wrdreg s9  }
0x15: {  	s12 =	sadd.s32 $0x180, s26;
	[dreg:$0xc] =	wrdreg s11  }
0x16: {  	s13 =	sadd.s32 $0x200, s26;
	[dreg:$0xd] =	wrdreg s12  }
0x17: {  	s14 =	sadd.s32 $0x280, s26;
	[dreg:$0xe] =	wrdreg s13  }
0x18: {  	s15 =	sadd.s32 $0x300, s26;
	[dreg:$0xf] =	wrdreg s14  }
0x19: {  	s16 =	sadd.s32 $0x380, s26;
	[dreg:$0x10] =	wrdreg s15  }
0x1a: {  	s17 =	sadd.s32 $0x400, s26;
	[dreg:$0x11] =	wrdreg s16  }
0x1b: {  	s18 =	sadd.s32 $0x480, s26;
	[dreg:$0x12] =	wrdreg s17  }
0x1c: {  	s19 =	sadd.s32 $0x500, s26;
	[dreg:$0x13] =	wrdreg s18  }
0x1d: {  	s20 =	sadd.s32 $0x580, s26;
	[dreg:$0x14] =	wrdreg s19  }
0x1e: {  	s21 =	sadd.s32 $0x600, s26;
	[dreg:$0x15] =	wrdreg s20  }
0x1f: {  	s22 =	sadd.s32 $0x680, s26;
	[dreg:$0x16] =	wrdreg s21  }
0x20: {  	s24 =	sadd.s32 $0x80, s7;
	[dreg:$0x17] =	wrdreg s22  }
0x21: {  	s25 =	sadd.s32 $0x100, s7;
	[dreg:$0x19] =	wrdreg s24  }
0x22: {  	s6 =	sshrl.u32 s28, $0x3;
	s28 =	sadd.s32 $0x200, s7;
	[dreg:$0x1a] =	wrdreg s25  }
0x23: {  	s2 =	sadd.s32 $0x280, s7;
	[dreg:$0x1c] =	wrdreg s28  }
0x24: {  	s4 =	sadd.s32 $0x300, s7;
	[dreg:$0x1d] =	wrdreg s2  }
0x25: {  	s5 =	sadd.s32 $0x380, s7;
	[dreg:$0x1e] =	wrdreg s4  }
0x26: {  	s8 =	sadd.s32 $0x480, s7;
	[dreg:$0x1f] =	wrdreg s5  }
0x27: {  	s10 =	sadd.s32 $0x580, s7;
	[smem:$0x7EA] =	sst s8  }
0x28: {  	s3 =	sadd.s32 s23, s6;
	s23 =	sadd.s32 $0x700, s26;
	[smem:$0x7EC] =	sst s10  }
0x29: {  	s26 =	sadd.s32 $0x180, s7;
	[dreg:$0x18] =	wrdreg s23  }
0x2a: {  	s6 =	sadd.s32 $0x400, s7;
	[dreg:$0x1b] =	wrdreg s26  }
0x2b: {  	s9 =	sadd.s32 $0x500, s7;
	[smem:$0x7E9] =	sst s6  }
0x2c: {  	s11 =	sadd.s32 $0x600, s7;
	[smem:$0x7EB] =	sst s9  }
0x2d: {  	s12 =	sadd.s32 $0x680, s7;
	[smem:$0x7ED] =	sst s11  }
0x2e: {  	s13 =	sadd.s32 $0x700, s7;
	[smem:$0x7EE] =	sst s12  }
0x2f: {  	[smem:$0x7EF] =	sst s13  }
0x30: {  	s14 =	sadd.s32 $0x80, s3;
	[dreg:$0x6] =	wrdreg s3  }
0x31: {  	s15 =	sadd.s32 $0x100, s3;
	[smem:$0x7F0] =	sst s14  }
0x32: {  	v0 =	vimm.f32 $1.000000000e+01;
	s16 =	sadd.s32 $0x180, s3;
	[smem:$0x7F1] =	sst s15  }
0x33: {  	(erf) = vrcp.f32 v0;
	v0 =	vimm.f32 $5.000000000e+00;
	s17 =	sadd.s32 $0x200, s3;
	[smem:$0x7F2] =	sst s16  }
0x34: {  	(erf) = vrcp.f32 v0;
	v0 =	vimm.f32 $2.000000000e+00;
	s18 =	sadd.s32 $0x280, s3;
	[smem:$0x7F3] =	sst s17  }
0x35: {  	(erf) = vrcp.f32 v0;
	s19 =	sadd.s32 $0x300, s3;
	[smem:$0x7F4] =	sst s18  }
0x36: {  	s20 =	sadd.s32 $0x380, s3;
	[smem:$0x7F5] =	sst s19  }
0x37: {  	s21 =	sadd.s32 $0x400, s3;
	[smem:$0x7F6] =	sst s20  }
0x38: {  	s22 =	sadd.s32 $0x480, s3;
	[smem:$0x7F7] =	sst s21  }
0x39: {  	s23 =	sadd.s32 $0x500, s3;
	[smem:$0x7F8] =	sst s22  }
0x3a: {  	s29 =	simm.s32 $0x6180;
	s24 =	sadd.s32 $0x580, s3;
	[smem:$0x7F9] =	sst s23  }
0x3b: {  	s30 =	simm.s32 $0x1;
	s25 =	sadd.s32 $0x600, s3;
	[smem:$0x7FA] =	sst s24  }
0x3c: {  	s31 =	simm.s32 $0x2;
	v0 =	vpop (erf);
	s26 =	sadd.s32 $0x680, s3;
	[smem:$0x7FB] =	sst s25  }
0x3d: {  	v1 =	vlaneseq.u32;
	v5 =	vimm.f32 $-1.000000020e+30;
	s0 =	simm.s32 $0x3C00;
	s28 =	sadd.s32 $0x700, s3;
	v2 =	vpop (erf);
	[smem:$0x7FC] =	sst s26  }
0x3e: {  	vm0 =	vcmask $0x2724;
	vm1 =	vcmask $0x2328;
	v3 =	vor.u32 $0x80000000, v1;
	s2 =	simm.s32 $0x5A00;
	s3 =	simm.s32 $0x0;
	[smem:$0x7FD] =	sst s28;
	v4 =	vpop (erf)  }
.LBB2_1:
0x3f: {  	s4 =	rddreg [dreg:$0x4]  }
0x40: {  	s21 =	rddreg [dreg:$0xb]  }
0x41: {  	[tilespmem:s29], [sflag:$0x2] =	stream.linear.gather [hbm4b:s4+s1], $0x80, $0x38;
	[tilespmem:$0x8180] =	vst v63  }
0x42: {  	s5 =	simm.s32 $0x6380;
	s22 =	rddreg [dreg:$0xc]  }
0x43: {  	[tilespmem:s5], [sflag:$0x2] =	stream.linear.gather [hbm4b:s21+s1], $0x80, $0x38;
	[tilespmem:$0x8180] =	vst v63  }
0x44: {  	s23 =	simm.s32 $0x6580;
	s24 =	rddreg [dreg:$0xd]  }
0x45: {  	[tilespmem:s23], [sflag:$0x2] =	stream.linear.gather [hbm4b:s22+s1], $0x80, $0x38;
	[tilespmem:$0x8180] =	vst v63  }
0x46: {  	s25 =	simm.s32 $0x6780;
	s26 =	rddreg [dreg:$0xe]  }
0x47: {  	[tilespmem:s25], [sflag:$0x2] =	stream.linear.gather [hbm4b:s24+s1], $0x80, $0x38;
	[tilespmem:$0x8180] =	vst v63  }
0x48: {  	s28 =	simm.s32 $0x6980;
	s6 =	rddreg [dreg:$0xf]  }
0x49: {  	[tilespmem:s28], [sflag:$0x2] =	stream.linear.gather [hbm4b:s26+s1], $0x80, $0x38;
	[tilespmem:$0x8180] =	vst v63  }
0x4a: {  	s7 =	simm.s32 $0x6B80;
	s8 =	rddreg [dreg:$0x10]  }
0x4b: {  	[tilespmem:s7], [sflag:$0x2] =	stream.linear.gather [hbm4b:s6+s1], $0x80, $0x38;
	[tilespmem:$0x8180] =	vst v63  }
0x4c: {  	s9 =	simm.s32 $0x6D80;
	s10 =	rddreg [dreg:$0x11]  }
0x4d: {  	[tilespmem:s9], [sflag:$0x2] =	stream.linear.gather [hbm4b:s8+s1], $0x80, $0x38;
	[tilespmem:$0x8180] =	vst v63  }
0x4e: {  	s11 =	simm.s32 $0x6F80;
	s12 =	rddreg [dreg:$0x12]  }
0x4f: {  	[tilespmem:s11], [sflag:$0x2] =	stream.linear.gather [hbm4b:s10+s1], $0x80, $0x38;
	[tilespmem:$0x8180] =	vst v63  }
0x50: {  	s13 =	simm.s32 $0x7180;
	s14 =	rddreg [dreg:$0x13]  }
0x51: {  	[tilespmem:s13], [sflag:$0x2] =	stream.linear.gather [hbm4b:s12+s1], $0x80, $0x38;
	[tilespmem:$0x8180] =	vst v63  }
0x52: {  	s15 =	simm.s32 $0x7380;
	s16 =	rddreg [dreg:$0x14]  }
0x53: {  	[tilespmem:s15], [sflag:$0x2] =	stream.linear.gather [hbm4b:s14+s1], $0x80, $0x38;
	[tilespmem:$0x8180] =	vst v63  }
0x54: {  	s17 =	simm.s32 $0x7580;
	s18 =	rddreg [dreg:$0x15]  }
0x55: {  	[tilespmem:s17], [sflag:$0x2] =	stream.linear.gather [hbm4b:s16+s1], $0x80, $0x38;
	[tilespmem:$0x8180] =	vst v63  }
0x56: {  	s19 =	simm.s32 $0x7780;
	s20 =	rddreg [dreg:$0x16]  }
0x57: {  	[tilespmem:s19], [sflag:$0x2] =	stream.linear.gather [hbm4b:s18+s1], $0x80, $0x38;
	[tilespmem:$0x8180] =	vst v63  }
0x58: {  	s21 =	simm.s32 $0x7980;
	s22 =	rddreg [dreg:$0x17]  }
0x59: {  	[tilespmem:s21], [sflag:$0x2] =	stream.linear.gather [hbm4b:s20+s1], $0x80, $0x38;
	[tilespmem:$0x8180] =	vst v63  }
0x5a: {  	s23 =	simm.s32 $0x7B80;
	s24 =	rddreg [dreg:$0x18]  }
0x5b: {  	[tilespmem:s23], [sflag:$0x2] =	stream.linear.gather [hbm4b:s22+s1], $0x80, $0x38;
	[tilespmem:$0x8180] =	vst v63  }
0x5c: {  	s25 =	simm.s32 $0x7D80;
	s26 =	rddreg [dreg:$0x5]  }
0x5d: {  	[tilespmem:s25], [sflag:$0x2] =	stream.linear.gather [hbm4b:s24+s1], $0x80, $0x38;
	[tilespmem:$0x8180] =	vst v63  }
0x5e: {  	s28 =	simm.s32 $0x6200;
	s6 =	rddreg [dreg:$0x19]  }
0x5f: {  	[tilespmem:s28], [sflag:$0x2] =	stream.linear.gather [hbm4b:s26+s1], $0x80, $0x38;
	[tilespmem:$0x8180] =	vst v63  }
0x60: {  	s7 =	simm.s32 $0x6400;
	s8 =	rddreg [dreg:$0x1a]  }
0x61: {  	[tilespmem:s7], [sflag:$0x2] =	stream.linear.gather [hbm4b:s6+s1], $0x80, $0x38;
	[tilespmem:$0x8180] =	vst v63  }
0x62: {  	s9 =	simm.s32 $0x6600;
	s10 =	rddreg [dreg:$0x1b]  }
0x63: {  	[tilespmem:s9], [sflag:$0x2] =	stream.linear.gather [hbm4b:s8+s1], $0x80, $0x38;
	[tilespmem:$0x8180] =	vst v63  }
0x64: {  	s11 =	simm.s32 $0x6800;
	s12 =	rddreg [dreg:$0x1c]  }
0x65: {  	[tilespmem:s11], [sflag:$0x2] =	stream.linear.gather [hbm4b:s10+s1], $0x80, $0x38;
	[tilespmem:$0x8180] =	vst v63  }
0x66: {  	s13 =	simm.s32 $0x6A00;
	s14 =	rddreg [dreg:$0x1d]  }
0x67: {  	[tilespmem:s13], [sflag:$0x2] =	stream.linear.gather [hbm4b:s12+s1], $0x80, $0x38;
	[tilespmem:$0x8180] =	vst v63  }
0x68: {  	s15 =	simm.s32 $0x6C00;
	s16 =	rddreg [dreg:$0x1e]  }
0x69: {  	[tilespmem:s15], [sflag:$0x2] =	stream.linear.gather [hbm4b:s14+s1], $0x80, $0x38;
	[tilespmem:$0x8180] =	vst v63  }
0x6a: {  	s17 =	simm.s32 $0x6E00;
	s18 =	rddreg [dreg:$0x1f]  }
0x6b: {  	[tilespmem:s17], [sflag:$0x2] =	stream.linear.gather [hbm4b:s16+s1], $0x80, $0x38;
	[tilespmem:$0x8180] =	vst v63  }
0x6c: {  	s19 =	simm.s32 $0x7000;
	s20 =	sld [smem:$0x7E9]  }
0x6d: {  	[tilespmem:s19], [sflag:$0x2] =	stream.linear.gather [hbm4b:s18+s1], $0x80, $0x38;
	[tilespmem:$0x8180] =	vst v63  }
0x6e: {  	s21 =	simm.s32 $0x7200;
	s22 =	sld [smem:$0x7EA]  }
0x6f: {  	[tilespmem:s21], [sflag:$0x2] =	stream.linear.gather [hbm4b:s20+s1], $0x80, $0x38;
	[tilespmem:$0x8180] =	vst v63  }
0x70: {  	s23 =	simm.s32 $0x7400;
	s24 =	sld [smem:$0x7EB]  }
0x71: {  	[tilespmem:s23], [sflag:$0x2] =	stream.linear.gather [hbm4b:s22+s1], $0x80, $0x38;
	[tilespmem:$0x8180] =	vst v63  }
0x72: {  	s25 =	simm.s32 $0x7600;
	s26 =	sld [smem:$0x7EC]  }
0x73: {  	[tilespmem:s25], [sflag:$0x2] =	stream.linear.gather [hbm4b:s24+s1], $0x80, $0x38;
	[tilespmem:$0x8180] =	vst v63  }
0x74: {  	s28 =	simm.s32 $0x7800;
	s6 =	sld [smem:$0x7ED]  }
0x75: {  	[tilespmem:s28], [sflag:$0x2] =	stream.linear.gather [hbm4b:s26+s1], $0x80, $0x38;
	[tilespmem:$0x8180] =	vst v63  }
0x76: {  	s7 =	simm.s32 $0x7A00;
	s8 =	sld [smem:$0x7EE]  }
0x77: {  	[tilespmem:s7], [sflag:$0x2] =	stream.linear.gather [hbm4b:s6+s1], $0x80, $0x38;
	[tilespmem:$0x8180] =	vst v63  }
0x78: {  	s9 =	simm.s32 $0x7C00;
	s10 =	sld [smem:$0x7EF]  }
0x79: {  	[tilespmem:s9], [sflag:$0x2] =	stream.linear.gather [hbm4b:s8+s1], $0x80, $0x38;
	[tilespmem:$0x8180] =	vst v63  }
0x7a: {  	s11 =	simm.s32 $0x7E00;
	s12 =	rddreg [dreg:$0x6]  }
0x7b: {  	[tilespmem:s11], [sflag:$0x2] =	stream.linear.gather [hbm4b:s10+s1], $0x80, $0x38;
	[tilespmem:$0x8180] =	vst v63  }
0x7c: {  	s13 =	simm.s32 $0x6280;
	s14 =	sld [smem:$0x7F0]  }
0x7d: {  	[tilespmem:s13], [sflag:$0x2] =	stream.linear.gather [hbm4b:s12+s1], $0x80, $0x38;
	[tilespmem:$0x8180] =	vst v63  }
0x7e: {  	s15 =	simm.s32 $0x6480;
	s16 =	sld [smem:$0x7F1]  }
0x7f: {  	[tilespmem:s15], [sflag:$0x2] =	stream.linear.gather [hbm4b:s14+s1], $0x80, $0x38;
	[tilespmem:$0x8180] =	vst v63  }
0x80: {  	s17 =	simm.s32 $0x6680;
	s18 =	sld [smem:$0x7F2]  }
0x81: {  	[tilespmem:s17], [sflag:$0x2] =	stream.linear.gather [hbm4b:s16+s1], $0x80, $0x38;
	[tilespmem:$0x8180] =	vst v63  }
0x82: {  	s19 =	simm.s32 $0x6880;
	s20 =	sld [smem:$0x7F3]  }
0x83: {  	[tilespmem:s19], [sflag:$0x2] =	stream.linear.gather [hbm4b:s18+s1], $0x80, $0x38;
	[tilespmem:$0x8180] =	vst v63  }
0x84: {  	s21 =	simm.s32 $0x6A80;
	s22 =	sld [smem:$0x7F4]  }
0x85: {  	[tilespmem:s21], [sflag:$0x2] =	stream.linear.gather [hbm4b:s20+s1], $0x80, $0x38;
	[tilespmem:$0x8180] =	vst v63  }
0x86: {  	s23 =	simm.s32 $0x6C80;
	s24 =	sld [smem:$0x7F5]  }
0x87: {  	[tilespmem:s23], [sflag:$0x2] =	stream.linear.gather [hbm4b:s22+s1], $0x80, $0x38;
	[tilespmem:$0x8180] =	vst v63  }
0x88: {  	s25 =	simm.s32 $0x6E80;
	s26 =	sld [smem:$0x7F6]  }
0x89: {  	[tilespmem:s25], [sflag:$0x2] =	stream.linear.gather [hbm4b:s24+s1], $0x80, $0x38;
	[tilespmem:$0x8180] =	vst v63  }
0x8a: {  	s28 =	simm.s32 $0x7080;
	s6 =	sld [smem:$0x7F7]  }
0x8b: {  	[tilespmem:s28], [sflag:$0x2] =	stream.linear.gather [hbm4b:s26+s1], $0x80, $0x38;
	[tilespmem:$0x8180] =	vst v63  }
0x8c: {  	s7 =	simm.s32 $0x7280;
	s8 =	sld [smem:$0x7F8]  }
0x8d: {  	[tilespmem:s7], [sflag:$0x2] =	stream.linear.gather [hbm4b:s6+s1], $0x80, $0x38;
	[tilespmem:$0x8180] =	vst v63  }
0x8e: {  	s9 =	simm.s32 $0x7480;
	s10 =	sld [smem:$0x7F9]  }
0x8f: {  	[tilespmem:s9], [sflag:$0x2] =	stream.linear.gather [hbm4b:s8+s1], $0x80, $0x38;
	[tilespmem:$0x8180] =	vst v63  }
0x90: {  	s11 =	simm.s32 $0x7680;
	s12 =	sld [smem:$0x7FA]  }
0x91: {  	[tilespmem:s11], [sflag:$0x2] =	stream.linear.gather [hbm4b:s10+s1], $0x80, $0x38;
	[tilespmem:$0x8180] =	vst v63  }
0x92: {  	s13 =	simm.s32 $0x7880;
	s14 =	sld [smem:$0x7FB]  }
0x93: {  	[tilespmem:s13], [sflag:$0x2] =	stream.linear.gather [hbm4b:s12+s1], $0x80, $0x38;
	[tilespmem:$0x8180] =	vst v63  }
0x94: {  	s15 =	simm.s32 $0x7A80;
	s16 =	sld [smem:$0x7FC]  }
0x95: {  	[tilespmem:s15], [sflag:$0x2] =	stream.linear.gather [hbm4b:s14+s1], $0x80, $0x38;
	[tilespmem:$0x8180] =	vst v63  }
0x96: {  	s17 =	simm.s32 $0x7C80;
	s18 =	sld [smem:$0x7FD]  }
0x97: {  	[tilespmem:s17], [sflag:$0x2] =	stream.linear.gather [hbm4b:s16+s1], $0x80, $0x38;
	[tilespmem:$0x8180] =	vst v63  }
0x98: {  	s19 =	simm.s32 $0x7E80  }
0x99: {  	[tilespmem:s19], [sflag:$0x2] =	stream.linear.gather [hbm4b:s18+s1], $0x80, $0x38;
	[tilespmem:$0x8180] =	vst v63  }
0x9a: {  	s20 =	rddreg [dreg:$0x2]  }
0x9b: {  	[tilespmem:s1], [sflag:$0x1] =	stream.linear.gather [hbm4b:s20+s1], $0x1E00, $0x38;
	[tilespmem:$0x8180] =	vst v63  }
0x9c: {  	s21 =	rddreg [dreg:$0x3];
	s22 =	simm.s32 $0x1E00  }
0x9d: {  	[tilespmem:s22], [sflag:$0x1] =	stream.linear.gather [hbm4b:s21+s1], $0x1E00, $0x38;
	[tilespmem:$0x8180] =	vst v63  }
0x9e: {  	_ =	swait.ge [sflag:s30], $0x1E00  }
0x9f: {  	[sflag:s30] =	ssyncset.done $0x0  }
0xa0: {  	s23 =	sand.u32 $0x3, s1;
	[sflag:s30] =	ssyncadd.s32 $0xFFFFE200  }
0xa1: {  	s4 =	sshll.u32 s23, $0x5;
	_ =	swait.ge [sflag:s30], $0x1E00  }
0xa2: {  	s4 =	sadd.s32 $0x0, s4;
	[sflag:s30] =	ssyncset.done $0x0  }
0xa3: {  	s21 =	sor.u32 $0x180, s4;
	s4 =	sadd.s32 $0x10, s4;
	[sflag:s30] =	ssyncadd.s32 $0xFFFFE200  }
0xa4: {  	s20 =	sor.u32 $0x180, s4;
	v6 =	vld [tilespmem:s21+$0x0]  }
0xa5: {  	s24 =	sand.u32 $0x60, s1;
	s25 =	sand.u32 $0x1E00, s1;
	v7 =	vld [tilespmem:s20+$0x0]  }
0xa6: {  	s19 =	sor.u32 s24, s25  }
0xa7: {  	s26 =	simm.s32 $0x1;
	s18 =	sor.u32 $0x10, s24;
	v8 =	vld [tilespmem:s19+$0x100]  }
0xa8: {  	s5 =	sand.u32 $0x3, s26;
	s17 =	sor.u32 s25, s18;
	v9 =	vld [tilespmem:s19+$0x80]  }
0xa9: {  	s5 =	sshll.u32 s5, $0x5;
	v10 =	vld [tilespmem:s17+$0x100];
	v6 =	vmul.f32 v6, v2  }
0xaa: {  	s5 =	sadd.s32 $0x80, s5;
	v11 =	vld [tilespmem:s20+$0x1E00];
	v7 =	vmul.f32 v7, v2  }
0xab: {  	s11 =	sor.u32 $0x180, s5;
	v13 =	vld [tilespmem:s17+$0x80];
	v6 =	vmul.f32 $1.442695020e+00, v6  }
0xac: {  	s23 =	simm.s32 $0x20;
	s4 =	simm.s32 $0x80;
	v14 =	vld [tilespmem:s11+$0x0];
	v8 =	vmul.f32 v8, v2;
	v7 =	vmul.f32 $1.442695020e+00, v7  }
0xad: {  	s6 =	sand.u32 $0x60, s23;
	s8 =	sand.u32 $0x1E00, s4;
	v17 =	vld [tilespmem:s17+$0x0];
	(erf) = vpow2.f32 v6  }
0xae: {  	s5 =	sadd.s32 $0x10, s5;
	s9 =	sor.u32 s6, s8;
	v12 =	vld [tilespmem:s21+$0x1E00];
	(erf) = vpow2.f32 v7;
	v7 =	vmul.f32 $1.442695020e+00, v8  }
0xaf: {  	s12 =	sor.u32 $0x180, s5;
	v10 =	vmul.f32 v10, v2;
	v8 =	vld [tilespmem:s9+$0x100]  }
0xb0: {  	v9 =	vmul.f32 v9, v0;
	(erf) = vpow2.f32 v7;
	v7 =	vld [tilespmem:s12+$0x0]  }
0xb1: {  	v13 =	vmul.f32 v13, v0;
	v10 =	vmul.f32 $1.442695020e+00, v10;
	v6 =	vld [tilespmem:s9+$0x80]  }
0xb2: {  	v15 =	vld [tilespmem:s19+$0x1E00];
	v14 =	vmul.f32 v14, v2;
	v17 =	vmul.f32 v17, v0  }
0xb3: {  	v16 =	vld [tilespmem:s17+$0x1E80];
	v9 =	vmul.f32 v12, v9;
	(erf) = vpow2.f32 v10  }
0xb4: {  	v20 =	vld [tilespmem:s17+$0x1F00];
	v13 =	vmul.f32 v11, v13;
	v8 =	vmul.f32 v8, v2  }
0xb5: {  	v14 =	vmul.f32 $1.442695020e+00, v14;
	v10 =	vld [tilespmem:s19+$0x0];
	v7 =	vmul.f32 v7, v2  }
0xb6: {  	s24 =	sor.u32 $0x10, s6;
	v18 =	vld [tilespmem:s19+$0x1F00];
	v6 =	vmul.f32 v6, v0;
	v8 =	vmul.f32 $1.442695020e+00, v8;
	v19 =	vpop (erf)  }
0xb7: {  	s16 =	sor.u32 s8, s24;
	v24 =	vld [tilespmem:s11+$0x1E00];
	v21 =	vpop (erf);
	v12 =	vmul.f32 v12, v19;
	v7 =	vmul.f32 $1.442695020e+00, v7  }
0xb8: {  	v22 =	vld [tilespmem:s16+$0x100];
	(erf) = vpow2.f32 v14;
	v11 =	vmul.f32 v11, v21  }
0xb9: {  	s28 =	simm.s32 $0x2;
	s10 =	simm.s32 $0x100;
	s5 =	simm.s32 $0x40;
	v19 =	vld [tilespmem:s19+$0x1E80];
	v12 =	vmul.f32 v12, v4;
	(erf) = vpow2.f32 v7  }
0xba: {  	s13 =	sand.u32 $0x3, s28;
	s7 =	sand.u32 $0x60, s5;
	s25 =	sand.u32 $0x1E00, s10;
	v21 =	vld [tilespmem:s17+$0x1E00];
	v14 =	vpop (erf);
	v7 =	vmul.f32 v10, v0;
	v10 =	vmul.f32 v20, v17  }
0xbb: {  	s14 =	sshll.u32 s13, $0x5;
	s13 =	sor.u32 s7, s25;
	v25 =	vadd.f32 v13, v16;
	v13 =	vld [tilespmem:s16+$0x80];
	v14 =	vmul.f32 v18, v14;
	(erf) = vpow2.f32 v8  }
0xbc: {  	s15 =	sadd.s32 $0x100, s14;
	v17 =	vld [tilespmem:s13+$0x80];
	v16 =	vpop (erf);
	v11 =	vmul.f32 v11, v4;
	v8 =	vmul.f32 v24, v6  }
0xbd: {  	s14 =	sor.u32 $0x180, s15;
	v7 =	vmul.f32 v18, v7;
	v18 =	vld [tilespmem:s13+$0x100];
	v16 =	vmul.f32 v20, v16  }
0xbe: {  	s15 =	sadd.s32 $0x10, s15;
	v20 =	vld [tilespmem:s14+$0x0];
	v9 =	vadd.f32 v9, v19;
	v19 =	vmul.f32 v22, v2;
	v29 =	vadd.f32 v11, v25  }
0xbf: {  	s15 =	sor.u32 $0x180, s15;
	v23 =	vld [tilespmem:s12+$0x1E00];
	v14 =	vmul.f32 v14, v4;
	v11 =	vsub.f32 v25, v11;
	v10 =	vadd.f32 v10, v21  }
0xc0: {  	v22 =	vld [tilespmem:s15+$0x0];
	v15 =	vadd.f32 v7, v15;
	v21 =	vsub.f32 v9, v12;
	v19 =	vmul.f32 $1.442695020e+00, v19  }
0xc1: {  	v28 =	vld [tilespmem:s16+$0x1E80];
	v26 =	vadd.f32 v12, v9;
	v9 =	vmul.f32 v13, v0;
	v13 =	vmul.f32 v16, v4  }
0xc2: {  	v30 =	vld [tilespmem:s16+$0x0];
	v6 =	vmul.f32 v17, v0;
	(erf) = vpow2.f32 v19  }
0xc3: {  	v7 =	vld [tilespmem:s9+$0x1E00];
	[tilespmem:s17+$0x3C80] =	vst v11;
	v27 =	vadd.f32 v14, v15;
	v12 =	vmul.f32 v18, v2;
	v18 =	vmul.f32 v20, v2  }
0xc4: {  	v16 =	vld [tilespmem:s9+$0x0];
	v17 =	vpop (erf);
	[tilespmem:s19+$0x3C80] =	vst v21;
	v19 =	vsub.f32 v15, v14;
	v9 =	vmul.f32 v23, v9;
	v15 =	vsub.f32 v10, v13  }
0xc5: {  	v20 =	vadd.f32 v13, v10;
	v13 =	vld [tilespmem:s9+$0x1F00];
	[tilespmem:s19+$0x3D00] =	vst v27;
	v22 =	vmul.f32 v22, v2;
	v14 =	vpop (erf);
	v18 =	vmul.f32 $1.442695020e+00, v18  }
0xc6: {  	s26 =	sand.u32 $0x780, s1;
	[tilespmem:s19+$0x3C00] =	vst v19;
	v10 =	vmul.f32 v23, v14;
	v23 =	vmul.f32 v24, v17;
	v14 =	vld [tilespmem:s16+$0x1F00]  }
0xc7: {  	s28 =	sand.u32 $0x780, s23;
	s23 =	simm.s32 $0x4;
	s8 =	sor.u32 $0x10, s7;
	v63 =	vsub.f32 v29, v11;
	v21 =	vsub.f32 v26, v21;
	[tilespmem:s17+$0x3C00] =	vst v15;
	v22 =	vmul.f32 $1.442695020e+00, v22;
	v17 =	vld [tilespmem:s9+$0x1E80]  }
0xc8: {  	s5 =	sand.u32 $0x780, s5;
	s22 =	sor.u32 s18, s26;
	s18 =	sor.u32 s25, s8;
	[tilespmem:s17+$0x3D00] =	vst v20;
	v25 =	vsub.f32 v20, v15;
	(erf) = vpow2.f32 v18;
	v18 =	vld [tilespmem:s16+$0x1E00];
	v15 =	vmul.f32 v23, v4  }
0xc9: {  	v9 =	vadd.f32 v9, v28;
	s19 =	sor.u32 s24, s28;
	s17 =	sor.u32 s8, s5;
	v20 =	vld [tilespmem:s18+$0x100];
	s5 =	simm.s32 $0x0;
	v24 =	vpop (erf);
	[tilespmem:s21+$0x3C00] =	vst v26;
	(erf) = vpow2.f32 v22;
	v23 =	vmul.f32 v30, v0  }
0xca: {  	v11 =	vld [tilespmem:s15+$0x1E00];
	v19 =	vsub.f32 v27, v19;
	s24 =	simm.s32 $0x3;
	s21 =	simm.s32 $0x180;
	[tilespmem:s20+$0x3C00] =	vst v29;
	s20 =	simm.s32 $0x60;
	v24 =	vmul.f32 v13, v24;
	v22 =	vmul.f32 v63, v25  }
.LBB2_2:
0xcb: {  	s6 =	sand.u32 $0x3, s24;
	s26 =	sand.u32 $0x60, s20;
	s25 =	sand.u32 $0x1E00, s21;
	v25 =	vld [tilespmem:s14+$0x1E00];
	v16 =	vmul.f32 v16, v0;
	v23 =	vmul.f32 v14, v23;
	v26 =	vpop (erf)  }
0xcc: {  	s6 =	sshll.u32 s6, $0x5;
	s8 =	sor.u32 s26, s25;
	s26 =	sor.u32 $0x10, s26;
	v27 =	vld [tilespmem:s18+$0x80];
	v17 =	vadd.f32 v8, v17;
	v24 =	vmul.f32 v24, v4;
	v8 =	vmul.f32 v21, v19;
	[tilespmem:s22+$0x5A00] =	vst v22  }
0xcd: {  	s23 =	sadd.s32 $0x2, s23;
	v12 =	vmul.f32 $1.442695020e+00, v12;
	s22 =	sand.u32 $0x780, s20;
	s6 =	sadd.s32 s6, s21;
	v19 =	vld [tilespmem:s8+$0x80];
	v13 =	vmul.f32 v13, v16;
	v18 =	vadd.f32 v23, v18  }
0xce: {  	v14 =	vmul.f32 v14, v26;
	s7 =	sor.u32 s26, s22;
	v16 =	vld [tilespmem:s8+$0x100];
	s28 =	sor.u32 $0x180, s6;
	s6 =	sadd.s32 $0x10, s6;
	v20 =	vmul.f32 v20, v2;
	v21 =	vsub.f32 v17, v15;
	[tilespmem:s5+$0x5A00] =	vst v8  }
0xcf: {  	v10 =	vmul.f32 v10, v4;
	p0 =	slt.u32 s23, $0x76;
	s22 =	smov.u32 s19;
	v22 =	vld [tilespmem:s28+$0x0];
	s5 =	sor.u32 $0x180, s6;
	(erf) = vpow2.f32 v12;
	v23 =	vadd.f32 v13, v7  }
0xd0: {  	s19 =	smov.u32 s17;
	v26 =	vadd.f32 v15, v17;
	s17 =	smov.u32 s7;
	s6 =	smov.u32 s12;
	v13 =	vld [tilespmem:s5+$0x0];
	v8 =	vmul.f32 v25, v6;
	v12 =	vmul.f32 $1.442695020e+00, v20;
	[tilespmem:s9+$0x3C80] =	vst v21  }
0xd1: {  	v14 =	vmul.f32 v14, v4;
	s12 =	smov.u32 s15;
	s15 =	smov.u32 s5;
	s5 =	smov.u32 s4;
	v7 =	vld [tilespmem:s13+$0x1E00];
	v15 =	vmul.f32 v27, v0;
	v17 =	vpop (erf);
	v20 =	vadd.f32 v24, v23  }
0xd2: {  	v28 =	vadd.f32 v10, v9;
	s4 =	smov.u32 s10;
	s10 =	smov.u32 s21;
	v6 =	vmul.f32 v19, v0;
	v19 =	vld [tilespmem:s18+$0x1E80];
	(erf) = vpow2.f32 v12;
	v27 =	vpop (erf)  }
0xd3: {  	v30 =	vsub.f32 v18, v14;
	v12 =	vmul.f32 v16, v2;
	v29 =	vld [tilespmem:s18+$0x0];
	v15 =	vmul.f32 v11, v15;
	[tilespmem:s9+$0x3D00] =	vst v20  }
0xd4: {  	v31 =	vsub.f32 v9, v10;
	v9 =	vadd.f32 v14, v18;
	v22 =	vmul.f32 v22, v2;
	v16 =	vld [tilespmem:s13+$0x0]  }
0xd5: {  	v10 =	vmul.f32 v11, v27;
	v11 =	vsub.f32 v23, v24;
	v18 =	vmul.f32 v13, v2;
	v13 =	vld [tilespmem:s13+$0x1F00];
	[tilespmem:s16+$0x3C00] =	vst v30  }
.Ltmp0:
0xd6: {  	v23 =	vmul.f32 v25, v17;
	v25 =	vsub.f32 v9, v30;
	v27 =	vmul.f32 $1.442695020e+00, v22;
	v14 =	vld [tilespmem:s18+$0x1F00];
	[tilespmem:s16+$0x3D00] =	vst v9;
	(pc) =	sbr.rel @p0 .LBB2_2-.Ltmp0, $4  }
0xd7: {  	v24 =	vmul.f32 $1.442695020e+00, v18;
	v17 =	vld [tilespmem:s13+$0x1E80];
	v9 =	vadd.f32 v15, v19;
	[tilespmem:s9+$0x3C00] =	vst v11;
	v19 =	vsub.f32 v20, v11;
	s9 =	smov.u32 s13;
	s13 =	smov.u32 s8  }
0xd8: {  	v15 =	vmul.f32 v23, v4;
	(erf) = vpow2.f32 v27;
	v18 =	vld [tilespmem:s18+$0x1E00];
	v22 =	vpop (erf);
	[tilespmem:s16+$0x3C80] =	vst v31;
	v27 =	vsub.f32 v28, v31;
	s16 =	smov.u32 s18;
	s18 =	sor.u32 s25, s26  }
0xd9: {  	v21 =	vsub.f32 v26, v21;
	s5 =	sshra.s32 s5, $0x2;
	v23 =	vmul.f32 v29, v0;
	v20 =	vld [tilespmem:s18+$0x100];
	(erf) = vpow2.f32 v24;
	[tilespmem:s11+$0x3C00] =	vst v26;
	s11 =	smov.u32 s14;
	s14 =	smov.u32 s28  }
0xda: {  	s24 =	sadd.s32 $0x1, s24;
	s20 =	sadd.s32 $0x20, s20;
	s21 =	sadd.s32 $0x80, s21;
	v11 =	vld [tilespmem:s15+$0x1E00];
	v24 =	vmul.f32 v13, v22;
	[tilespmem:s6+$0x3C00] =	vst v28;
	v22 =	vmul.f32 v27, v25  }
0xdb: {  	v16 =	vmul.f32 v16, v0;
	v12 =	vmul.f32 $1.442695020e+00, v12  }
0xdc: {  	v19 =	vmul.f32 v21, v19;
	v10 =	vmul.f32 v10, v4  }
0xdd: {  	v23 =	vmul.f32 v14, v23;
	v24 =	vmul.f32 v24, v4;
	v8 =	vadd.f32 v8, v17  }
0xde: {  	v25 =	vld [tilespmem:s18+$0x80];
	v13 =	vmul.f32 v13, v16;
	[tilespmem:s5+$0x5A00] =	vst v19;
	v19 =	vadd.f32 v10, v9;
	v20 =	vmul.f32 v20, v2  }
0xdf: {  	v54 =	vld [tilespmem:s14+$0x1E00];
	(erf) = vpow2.f32 v12;
	v9 =	vsub.f32 v9, v10;
	v16 =	vsub.f32 v8, v15  }
0xe0: {  	v26 =	vpop (erf);
	v8 =	vadd.f32 v15, v8;
	v15 =	vld [tilespmem:s13+$0x0];
	v7 =	vadd.f32 v13, v7;
	v12 =	vmul.f32 $1.442695020e+00, v20  }
0xe1: {  	v55 =	vld [tilespmem:s13+$0x1F00];
	v14 =	vmul.f32 v14, v26  }
0xe2: {  	v59 =	vld [tilespmem:s13+$0x1E00];
	[tilespmem:s16+$0x3C80] =	vst v9;
	(erf) = vpow2.f32 v12;
	v12 =	vadd.f32 v23, v18;
	v18 =	vadd.f32 v24, v7  }
0xe3: {  	v14 =	vmul.f32 v14, v4;
	v13 =	vld [tilespmem:s18+$0x0];
	v61 =	vsub.f32 v19, v9;
	[tilespmem:s9+$0x3C80] =	vst v16;
	v7 =	vsub.f32 v7, v24  }
0xe4: {  	v62 =	vld [tilespmem:s18+$0x1E80];
	v17 =	vmul.f32 v25, v0;
	v6 =	vmul.f32 v54, v6;
	v9 =	vsub.f32 v8, v16;
	v56 =	vpop (erf);
	[tilespmem:s9+$0x3D00] =	vst v18  }
0xe5: {  	v58 =	vld [tilespmem:s13+$0x1E80];
	v57 =	vpop (erf);
	v15 =	vmul.f32 v15, v0;
	v23 =	vsub.f32 v12, v14;
	[tilespmem:s9+$0x3C00] =	vst v7;
	v7 =	vsub.f32 v18, v7  }
0xe6: {  	v17 =	vmul.f32 v11, v17;
	v11 =	vmul.f32 v11, v57;
	v12 =	vadd.f32 v14, v12;
	v14 =	vld [tilespmem:s18+$0x1F00];
	[tilespmem:s11+$0x3C00] =	vst v8  }
0xe7: {  	v15 =	vmul.f32 v55, v15;
	[tilespmem:s16+$0x3C00] =	vst v23;
	v7 =	vmul.f32 v9, v7  }
0xe8: {  	s4 =	sshra.s32 s4, $0x2;
	v10 =	vmul.f32 v54, v56;
	v13 =	vmul.f32 v13, v0;
	v23 =	vsub.f32 v12, v23;
	[tilespmem:s16+$0x3D00] =	vst v12;
	v12 =	vld [tilespmem:s18+$0x1E00]  }
0xe9: {  	v60 =	vpop (erf);
	v9 =	vadd.f32 v15, v59;
	v15 =	vadd.f32 v17, v62;
	[tilespmem:s4+$0x5A00] =	vst v7;
	v7 =	vmul.f32 v11, v4  }
0xea: {  	v6 =	vadd.f32 v6, v58;
	v10 =	vmul.f32 v10, v4;
	v18 =	vmul.f32 v55, v60  }
0xeb: {  	[tilespmem:s22+$0x5A00] =	vst v22;
	v16 =	vmul.f32 v61, v23;
	v8 =	vmul.f32 v14, v13;
	v17 =	vadd.f32 v7, v15;
	v63 =	vpop (erf)  }
0xec: {  	[tilespmem:s12+$0x3C00] =	vst v19;
	v7 =	vsub.f32 v15, v7;
	v13 =	vmul.f32 v14, v63;
	v14 =	vmul.f32 v18, v4  }
0xed: {  	[tilespmem:s19+$0x5A00] =	vst v16;
	v8 =	vadd.f32 v8, v12;
	v12 =	vsub.f32 v6, v10  }
0xee: {  	[tilespmem:s18+$0x3C80] =	vst v7;
	v11 =	vadd.f32 v14, v9  }
0xef: {  	[tilespmem:s13+$0x3C80] =	vst v12;
	v13 =	vmul.f32 v13, v4;
	v9 =	vsub.f32 v9, v14  }
0xf0: {  	v6 =	vadd.f32 v10, v6;
	v10 =	vsub.f32 v17, v7;
	[tilespmem:s13+$0x3D00] =	vst v11  }
0xf1: {  	v16 =	vsub.f32 v8, v13;
	v8 =	vadd.f32 v13, v8;
	[tilespmem:s13+$0x3C00] =	vst v9  }
0xf2: {  	v7 =	vsub.f32 v6, v12;
	v9 =	vsub.f32 v11, v9;
	[tilespmem:s14+$0x3C00] =	vst v6  }
0xf3: {  	[tilespmem:s18+$0x3D00] =	vst v8;
	v8 =	vsub.f32 v8, v16  }
0xf4: {  	[tilespmem:s18+$0x3C00] =	vst v16;
	v7 =	vmul.f32 v7, v9  }
0xf5: {  	s22 =	sshra.s32 s10, $0x2;
	[tilespmem:s15+$0x3C00] =	vst v17;
	v6 =	vmul.f32 v10, v8  }
0xf6: {  	[tilespmem:s22+$0x5A00] =	vst v7  }
0xf7: {  	[tilespmem:s17+$0x5A00] =	vst v6  }
0xf8: {  	_ =	swait.ge [sflag:s31], $0x780  }
0xf9: {  	[sflag:s31] =	ssyncset.done $0x0  }
0xfa: {  	[sflag:s31] =	ssyncadd.s32 $0xFFFFF880  }
0xfb: {  	_ =	swait.ge [sflag:s31], $0x780  }
0xfc: {  	[sflag:s31] =	ssyncset.done $0x0  }
0xfd: {  	s4 =	simm.s32 $0x0;
	[sflag:s31] =	ssyncadd.s32 $0xFFFFF880  }
0xfe: {  	s23 =	simm.s32 $0x10;
	s6 =	sand.u32 $0x1E00, s4;
	_ =	swait.ge [sflag:s31], $0x780  }
0xff: {  	s5 =	sand.u32 $0x70, s23;
	s6 =	sor.u32 $0x6180, s6;
	[sflag:s31] =	ssyncset.done $0x0  }
0x100: {  	s10 =	sor.u32 s5, s6;
	[sflag:s31] =	ssyncadd.s32 $0xFFFFF880  }
0x101: {  	v6 =	vld [tilespmem:s10+$0x0];
	_ =	sdelay $0x2  }
0x102: {  	s24 =	simm.s32 $0x0;
	v7 =	vld [tilespmem:s10+$0x100]  }
0x103: {  	s5 =	sand.u32 $0x60, s24  }
0x104: {  	s9 =	sor.u32 s5, s6;
	v8 =	vld [tilespmem:s10+$0x80];
	v6 =	vsub.f32 $0.0e+00, v6  }
0x105: {  	v9 =	vld [tilespmem:s9+$0x100]  }
0x106: {  	v6 =	vmul.f32 $1.442695020e+00, v6  }
0x107: {  	v10 =	vld [tilespmem:s9+$0x80];
	v7 =	vsub.f32 $0.0e+00, v7  }
0x108: {  	(erf) = vpow2.f32 v6  }
0x109: {  	v8 =	vsub.f32 $0.0e+00, v8;
	v7 =	vmul.f32 $1.442695020e+00, v7  }
0x10a: {  	v9 =	vsub.f32 $0.0e+00, v9  }
0x10b: {  	v6 =	vmul.f32 $1.442695020e+00, v8;
	(erf) = vpow2.f32 v7;
	v7 =	vld [tilespmem:s9+$0x0]  }
0x10c: {  	v8 =	vmul.f32 $1.442695020e+00, v9;
	v9 =	vsub.f32 $0.0e+00, v10  }
0x10d: {  	(erf) = vpow2.f32 v6  }
0x10e: {  	s25 =	simm.s32 $0x80;
	v6 =	vmul.f32 $1.442695020e+00, v9;
	(erf) = vpow2.f32 v8  }
0x10f: {  	s26 =	simm.s32 $0x30;
	s5 =	sand.u32 $0x1E00, s25  }
0x110: {  	s6 =	sand.u32 $0x70, s26;
	s5 =	sor.u32 $0x6180, s5;
	(erf) = vpow2.f32 v6;
	v6 =	vsub.f32 $0.0e+00, v7  }
0x111: {  	s11 =	sor.u32 s6, s5;
	v7 =	vpop (erf)  }
0x112: {  	v8 =	vld [tilespmem:s11+$0x0];
	v6 =	vmul.f32 $1.442695020e+00, v6;
	v7 =	vadd.f32 $1.000000000e+00, v7  }
0x113: {  	s28 =	simm.s32 $0x20  }
0x114: {  	s6 =	sand.u32 $0x60, s28;
	(erf) = vpow2.f32 v6;
	v6 =	vld [tilespmem:s11+$0x100]  }
0x115: {  	s12 =	sor.u32 s6, s5;
	v10 =	vld [tilespmem:s11+$0x80];
	v9 =	vpop (erf)  }
0x116: {  	v11 =	vld [tilespmem:s12+$0x100];
	v9 =	vadd.f32 $1.000000000e+00, v9;
	(erf) = vrcp.f32 v7;
	v7 =	vpop (erf)  }
0x117: {  	v8 =	vsub.f32 $0.0e+00, v8;
	v12 =	vpop (erf);
	v7 =	vadd.f32 $1.000000000e+00, v7  }
0x118: {  	v14 =	vld [tilespmem:s12+$0x0];
	(erf) = vrcp.f32 v9;
	v9 =	vadd.f32 $1.000000000e+00, v12  }
0x119: {  	v8 =	vmul.f32 $1.442695020e+00, v8;
	v6 =	vsub.f32 $0.0e+00, v6;
	v12 =	vld [tilespmem:s12+$0x80];
	v13 =	vpop (erf);
	(erf) = vrcp.f32 v7  }
0x11a: {  	v13 =	vadd.f32 $1.000000000e+00, v13;
	(erf) = vrcp.f32 v9;
	v9 =	vsub.f32 $0.0e+00, v10  }
0x11b: {  	v10 =	vsub.f32 $0.0e+00, v11;
	v11 =	vmul.f32 $1.442695020e+00, v6  }
0x11c: {  	(erf) = vrcp.f32 v13;
	v9 =	vmul.f32 $1.442695020e+00, v9  }
0x11d: {  	v15 =	vsub.f32 $0.0e+00, v14;
	(erf) = vpow2.f32 v8;
	v10 =	vmul.f32 $1.442695020e+00, v10  }
0x11e: {  	v7 =	vimm.f32 $-1.000000020e+30;
	v8 =	vpop (erf);
	v12 =	vsub.f32 $0.0e+00, v12;
	(erf) = vpow2.f32 v11  }
0x11f: {  	v6 =	vimm.s32 $0x0;
	v8 =	vadd.f32 $1.000000000e+00, v8;
	v11 =	vpop (erf);
	(erf) = vpow2.f32 v9  }
0x120: {  	vm2 =	vgt.f32 v11, $9.999999770e-03;
	v9 =	vmul.f32 $1.442695020e+00, v12;
	(erf) = vpow2.f32 v10  }
0x121: {  	v10 =	vpop (erf);
	v13 =	vnsel vm2, $0xF149F2CA, v11;
	(erf) = vrcp.f32 v8;
	v11 =	vimm.s32 $0x0  }
0x122: {  	s16 =	simm.s32 $0x100;
	s5 =	simm.s32 $0x4;
	v8 =	vimm.s32 $0x0;
	vm2 =	vgt.f32 v10, $9.999999770e-03;
	v14 =	vpop (erf);
	(erf) = vpow2.f32 v9  }
0x123: {  	s13 =	simm.s32 $0x2;
	s14 =	simm.s32 $0x0;
	s15 =	simm.s32 $0x50;
	[tilespmem:s10+$0x0] =	vst v13;
	v12 =	vnsel vm2, $0xF149F2CA, v10;
	v10 =	vimm.f32 $-1.000000020e+30;
	v9 =	vimm.f32 $-1.000000020e+30;
	v16 =	vpop (erf)  }
.LBB2_4:
0x124: {  	s6 =	sadd.s32 $0xFFFFFFF0, s15;
	v19 =	vmul.f32 $1.442695020e+00, v15  }
0x125: {  	s7 =	sand.u32 $0x1E00, s16;
	vm2 =	vgt.f32 v16, $9.999999770e-03;
	vm3 =	vgt.f32 v14, $9.999999770e-03;
	v17 =	vpop (erf);
	v18 =	vmov v13;
	s18 =	smov.u32 s5;
	s17 =	sadd.s32 $0x2, s5  }
0x126: {  	s8 =	sand.u32 $0x70, s15;
	s6 =	sand.u32 $0x60, s6;
	s7 =	sor.u32 $0x6180, s7;
	vm4 =	vgt.f32 v17, $9.999999770e-03;
	v13 =	vnsel vm2, $0xF149F2CA, v16;
	v14 =	vnsel vm3, $0xF149F2CA, v14  }
0x127: {  	p0 =	slt.u32 s5, $0x76;
	s6 =	sor.u32 s6, s7;
	s7 =	sor.u32 s8, s7;
	(erf) = vpow2.f32 v19;
	v15 =	vpop (erf);
	v16 =	vnsel vm4, $0xF149F2CA, v17;
	vm2 =	vgt.f32 v13, v7;
	[tilespmem:s10+$0x80] =	vst v14  }
0x128: {  	v17 =	vld [tilespmem:s7+$0x0];
	v22 =	vadd.f32 $1.000000000e+00, v15;
	[tilespmem:s9+$0x80] =	vst v16;
	vm3 =	vgt.f32 v16, v10;
	v7 =	vsel vm2, v13, v7  }
0x129: {  	v19 =	vld [tilespmem:s7+$0x80];
	v20 =	vpop (erf);
	v10 =	vsel vm3, v16, v10;
	v6 =	vsel vm3, s14, v6;
	[tilespmem:s9+$0x100] =	vst v13;
	vm3 =	vgt.f32 v12, v7  }
0x12a: {  	s5 =	sadd.s32 $0x1, s14;
	v11 =	vsel vm2, s14, v11;
	v13 =	vld [tilespmem:s7+$0x100];
	(erf) = vrcp.f32 v22;
	v15 =	vpop (erf);
	vm2 =	vgt.f32 v14, v10  }
0x12b: {  	v20 =	vadd.f32 $1.000000000e+00, v20;
	v16 =	vld [tilespmem:s6+$0x100];
	v21 =	vpop (erf);
	v10 =	vsel vm2, v14, v10;
	v6 =	vsel vm2, s5, v6  }
0x12c: {  	v7 =	vsel vm3, v12, v7;
	v15 =	vadd.f32 $1.000000000e+00, v15;
	v14 =	vld [tilespmem:s6+$0x0];
	v21 =	vadd.f32 $1.000000000e+00, v21;
	[tilespmem:s10+$0x100] =	vst v12;
	v12 =	vpop (erf);
	s10 =	smov.u32 s11;
	s11 =	smov.u32 s7  }
0x12d: {  	v11 =	vsel vm3, s5, v11;
	v22 =	vld [tilespmem:s6+$0x80];
	v23 =	vpop (erf);
	(erf) = vrcp.f32 v20;
	vm2 =	vgt.f32 v12, $9.999999770e-03  }
0x12e: {  	v17 =	vsub.f32 $0.0e+00, v17;
	v20 =	vadd.f32 $1.000000000e+00, v23;
	(erf) = vrcp.f32 v15  }
0x12f: {  	v15 =	vsub.f32 $0.0e+00, v19;
	v13 =	vsub.f32 $0.0e+00, v13;
	(erf) = vrcp.f32 v21  }
0x130: {  	v17 =	vmul.f32 $1.442695020e+00, v17;
	v16 =	vsub.f32 $0.0e+00, v16;
	v19 =	vpop (erf);
	(erf) = vrcp.f32 v20  }
0x131: {  	v12 =	vnsel vm2, $0xF149F2CA, v12;
	v20 =	vmul.f32 $1.442695020e+00, v15;
	v13 =	vmul.f32 $1.442695020e+00, v13  }
0x132: {  	v16 =	vmul.f32 $1.442695020e+00, v16;
	(erf) = vpow2.f32 v17;
	v17 =	vadd.f32 $1.000000000e+00, v19;
	[tilespmem:s9+$0x0] =	vst v12;
	s9 =	smov.u32 s12;
	s12 =	smov.u32 s6  }
0x133: {  	vm2 =	vgt.f32 v12, v9;
	v15 =	vsub.f32 $0.0e+00, v14;
	v14 =	vsub.f32 $0.0e+00, v22;
	v19 =	vpop (erf)  }
.Ltmp1:
0x134: {  	v9 =	vsel vm2, v12, v9;
	(erf) = vpow2.f32 v13;
	vm3 =	vgt.f32 v19, $9.999999770e-03;
	(pc) =	sbr.rel @p0 .LBB2_4-.Ltmp1, $4  }
0x135: {  	v8 =	vsel vm2, s14, v8;
	s14 =	smov.u32 s13;
	s13 =	smov.u32 s18;
	(erf) = vpow2.f32 v20;
	v13 =	vnsel vm3, $0xF149F2CA, v19  }
0x136: {  	vm2 =	vgt.f32 v18, v9;
	v12 =	vmul.f32 $1.442695020e+00, v14;
	(erf) = vpow2.f32 v16;
	[tilespmem:s10+$0x0] =	vst v13;
	v16 =	vpop (erf)  }
0x137: {  	v9 =	vsel vm2, v18, v9;
	vm3 =	vgt.f32 v16, $9.999999770e-03;
	(erf) = vrcp.f32 v17;
	v14 =	vpop (erf)  }
0x138: {  	s15 =	sadd.s32 $0x20, s15;
	s16 =	sadd.s32 $0x80, s16;
	v8 =	vsel vm2, s5, v8;
	s5 =	smov.u32 s17;
	(erf) = vpow2.f32 v12;
	v12 =	vnsel vm3, $0xF149F2CA, v16;
	v16 =	vpop (erf)  }
0x139: {  	v15 =	vmul.f32 $1.442695020e+00, v15;
	_ =	sdelay $0x1  }
0x13a: {  	v17 =	vpop (erf);
	(erf) = vpow2.f32 v15;
	_ =	sdelay $0x1  }
0x13b: {  	v45 =	vpop (erf)  }
0x13c: {  	v15 =	vadd.f32 $1.000000000e+00, v45;
	v18 =	vpop (erf)  }
0x13d: {  	v19 =	vpop (erf);
	v18 =	vadd.f32 $1.000000000e+00, v18  }
0x13e: {  	(erf) = vrcp.f32 v15;
	v20 =	vpop (erf);
	v46 =	vadd.f32 $1.000000000e+00, v19  }
0x13f: {  	v47 =	vpop (erf);
	v20 =	vadd.f32 $1.000000000e+00, v20;
	(erf) = vrcp.f32 v18  }
0x140: {  	vm2 =	vgt.f32 v16, $9.999999770e-03;
	v48 =	vpop (erf);
	(erf) = vrcp.f32 v46  }
0x141: {  	vm4 =	vgt.f32 v17, $9.999999770e-03;
	v18 =	vadd.f32 $1.000000000e+00, v48;
	(erf) = vrcp.f32 v20  }
0x142: {  	vm3 =	vgt.f32 v14, $9.999999770e-03;
	v49 =	vnsel vm2, $0xF149F2CA, v16;
	v17 =	vnsel vm4, $0xF149F2CA, v17;
	v50 =	vpop (erf)  }
0x143: {  	vm2 =	vgt.f32 v49, v7;
	(erf) = vrcp.f32 v18;
	v16 =	vadd.f32 $1.000000000e+00, v50  }
0x144: {  	v14 =	vnsel vm3, $0xF149F2CA, v14;
	vm3 =	vgt.f32 v17, v10;
	v7 =	vsel vm2, v49, v7  }
0x145: {  	v11 =	vsel vm2, s14, v11;
	v10 =	vsel vm3, v17, v10;
	(erf) = vrcp.f32 v16  }
0x146: {  	v6 =	vsel vm3, s14, v6;
	vm12 =	vgt.f32 v12, v7;
	vm3 =	vgt.f32 v47, $9.999999770e-03  }
0x147: {  	s5 =	sadd.s32 $0x1, s14;
	vm2 =	vgt.f32 v14, v10;
	v7 =	vsel vm12, v12, v7;
	v51 =	vnsel vm3, $0xF149F2CA, v47;
	v52 =	vpop (erf)  }
0x148: {  	v10 =	vsel vm2, v14, v10;
	v6 =	vsel vm2, s5, v6;
	vm2 =	vgt.f32 v51, v9;
	v53 =	vpop (erf)  }
0x149: {  	v11 =	vsel vm12, s5, v11;
	v9 =	vsel vm2, v51, v9;
	vm3 =	vgt.f32 v52, $9.999999770e-03;
	v54 =	vpop (erf)  }
0x14a: {  	[tilespmem:s10+$0x100] =	vst v12;
	v8 =	vsel vm2, s14, v8;
	v55 =	vnsel vm3, $0xF149F2CA, v52;
	vm3 =	vgt.f32 v13, v9;
	v56 =	vpop (erf)  }
0x14b: {  	[tilespmem:s10+$0x80] =	vst v14;
	vm13 =	vgt.f32 v53, $9.999999770e-03;
	v9 =	vsel vm3, v13, v9;
	vm2 =	vgt.f32 v56, $9.999999770e-03  }
0x14c: {  	[tilespmem:s9+$0x100] =	vst v49;
	v8 =	vsel vm3, s5, v8;
	v57 =	vnsel vm13, $0xF149F2CA, v53;
	v58 =	vpop (erf);
	v59 =	vnsel vm2, $0xF149F2CA, v56  }
0x14d: {  	[tilespmem:s9+$0x80] =	vst v17;
	vm14 =	vgt.f32 v54, $9.999999770e-03;
	vm3 =	vgt.f32 v58, $9.999999770e-03;
	vm2 =	vgt.f32 v59, v7  }
0x14e: {  	[tilespmem:s9+$0x0] =	vst v51;
	v61 =	vnsel vm14, $0xF149F2CA, v54;
	v60 =	vnsel vm3, $0xF149F2CA, v58;
	v18 =	vsel vm2, v59, v7;
	v62 =	vpop (erf)  }
0x14f: {  	[tilespmem:s11+$0x0] =	vst v55;
	v11 =	vsel vm2, s13, v11;
	vm3 =	vgt.f32 v60, v10;
	vm15 =	vgt.f32 v62, $9.999999770e-03  }
0x150: {  	[tilespmem:s11+$0x100] =	vst v57;
	v7 =	vsel vm3, v60, v10;
	v10 =	vsel vm3, s13, v6;
	v17 =	vnsel vm15, $0xF149F2CA, v62  }
0x151: {  	s28 =	sadd.s32 $0x1, s13;
	[tilespmem:s11+$0x80] =	vst v61;
	vm3 =	vgt.f32 v57, v18;
	vm2 =	vgt.f32 v61, v7;
	vm4 =	vgt.f32 v17, v9  }
0x152: {  	[tilespmem:s12+$0x100] =	vst v59;
	v6 =	vsel vm2, v61, v7;
	v7 =	vsel vm2, s28, v10;
	v10 =	vsel vm4, v17, v9  }
0x153: {  	[tilespmem:s12+$0x80] =	vst v60;
	v9 =	vsel vm3, v57, v18;
	v63 =	vsel vm4, s13, v8;
	vm2 =	vgt.f32 v55, v10  }
0x154: {  	[tilespmem:s12+$0x0] =	vst v17;
	v8 =	vsel vm3, s28, v11;
	v11 =	vsel vm2, v55, v10;
	v10 =	vsel vm2, s28, v63  }
.LBB2_6:
0x155: {  	(xrf0) =	vmax.scan.msk.f32 $0xffff, v11;
	_ =	sdelay $0x5  }
0x156: {  	v12, _, _ =	vpop (xrf0)  }
0x157: {  	v12 =	vbroadcast v12, $0xF  }
0x158: {  	v10 =	vshll.u32 v10, $0x4  }
0x159: {  	v10 =	vxor.u32 v3, v10;
	vm2 =	veq.f32 v11, v12  }
0x15a: {  	v10 =	vnsel vm2, $0xC0000000, v10  }
0x15b: {  	(xrf0) =	vmin.scan.msk.u32 $0xffff, v10;
	_ =	sdelay $0x5  }
0x15c: {  	v10, _, _ =	vpop (xrf0);
	(xrf0) =	vmax.scan.msk.f32 $0xffff, v6  }
0x15d: {  	(v2sf) =	vpush v10, $0xF;
	_ =	sdelay $0x4  }
0x15e: {  	v10, _, _ =	vpop (xrf0)  }
0x15f: {  	v17 =	vbroadcast v10, $0xF  }
0x160: {  	v7 =	vshll.u32 v7, $0x4  }
0x161: {  	vm2 =	veq.f32 v6, v17;
	v6 =	vxor.u32 v3, v7  }
0x162: {  	v6 =	vnsel vm2, $0xC0000000, v6  }
0x163: {  	(xrf0) =	vmin.scan.msk.u32 $0xffff, v6;
	_ =	sdelay $0x4  }
0x164: {  	s5 =	spop (v2sf)  }
0x165: {  	s5 =	sxor.u32 $0x80000000, s5;
	v6, _, _ =	vpop (xrf0)  }
0x166: {  	(xrf0) =	vmax.scan.msk.f32 $0xffff, v9;
	v10 =	vmov s5;
	(v2sf) =	vpush v6, $0xF  }
0x167: {  	v7 =	vshll.u32 v10, $0x2  }
0x168: {  	v6 =	vand.u32 $0x7F, v10;
	v7 =	vand.u32 $0xFFFFFE00, v7  }
0x169: {  	v13 =	vor.u32 v6, v7  }
0x16a: {  	v11 =	vor.u32 $0x100, v13  }
0x16b: {  	v14 =	vor.u32 $0x180, v13  }
0x16c: {  	v15, _, _ =	vpop (xrf0)  }
0x16d: {  	v7 =	vor.u32 $0x80, v13;
	v22 =	vbroadcast v15, $0xF  }
0x16e: {  	v15 =	vshll.u32 v8, $0x4;
	v6 =	vld.idx.msk [tilespmem:v13+s0+$0x0], $0xffff  }
0x16f: {  	vm2 =	veq.f32 v9, v22;
	v8 =	vld.idx.msk [tilespmem:v11+s0+$0x0], $0xffff;
	v11 =	vxor.u32 v3, v15  }
0x170: {  	v9 =	vld.idx.msk [tilespmem:v14+s0+$0x0], $0xffff;
	v14 =	vnsel vm2, $0xC0000000, v11  }
0x171: {  	v11 =	vld.idx.msk [tilespmem:v10+s2+$0x0], $0xffff;
	v10 =	vimm.f32 $-1.000000020e+30;
	(xrf0) =	vmin.scan.msk.u32 $0xffff, v14  }
0x172: {  	v7 =	vld.idx.msk [tilespmem:v7+s0+$0x0], $0xffff;
	[tilespmem:v13+s29+$0x0] =	vst.idx.msk $0xffff, v10  }
0x173: {  	v13 =	vld [tilespmem:$0x7F80]  }
0x174: {  	v14 =	vld [tilespmem:$0x7F90]  }
0x175: {  	v15 =	vld [tilespmem:$0x7FA0];
	s6 =	spop (v2sf)  }
0x176: {  	v16 =	vmov s4;
	v18 =	vld [tilespmem:$0x7FB0];
	s6 =	sxor.u32 $0x80000000, s6  }
0x177: {  	s5 =	scvt.s32.f32 s5;
	vm2 =	veq.s32 v16, v1;
	v16 =	vld [tilespmem:$0x7FC0];
	v19 =	vmov s6;
	v20, _, _ =	vpop (xrf0)  }
0x178: {  	v12 =	vsel vm2, v12, v13;
	v13 =	vld [tilespmem:$0x7FD0];
	v21 =	vshll.u32 v19, $0x2;
	(v2sf) =	vpush v20, $0xF  }
0x179: {  	[tilespmem:$0x7F80] =	vst v12;
	v12 =	vsel vm2, s5, v14;
	v14 =	vand.u32 $0x7F, v19;
	v20 =	vand.u32 $0xFFFFFE00, v21  }
0x17a: {  	[tilespmem:$0x7F90] =	vst v12;
	v12 =	vsel vm2, v6, v15;
	v14 =	vor.u32 v14, v20  }
0x17b: {  	[tilespmem:$0x7FA0] =	vst v12;
	v12 =	vsel vm2, v7, v18;
	v18 =	vor.u32 $0x80, v14  }
0x17c: {  	[tilespmem:$0x7FB0] =	vst v12;
	v12 =	vsel vm2, v8, v16;
	v15 =	vor.u32 $0x100, v14  }
0x17d: {  	v16 =	vor.u32 $0x180, v14;
	[tilespmem:$0x7FC0] =	vst v12;
	v12 =	vsel vm2, v9, v13  }
0x17e: {  	[tilespmem:$0x7FD0] =	vst v12  }
0x17f: {  	v12 =	vld.idx.msk [tilespmem:v14+s0+$0x0], $0xffff  }
0x180: {  	v13 =	vld.idx.msk [tilespmem:v18+s0+$0x0], $0xffff  }
0x181: {  	v14 =	vld.idx.msk [tilespmem:v15+s0+$0x0], $0xffff  }
0x182: {  	v15 =	vld.idx.msk [tilespmem:v16+s0+$0x0], $0xffff  }
0x183: {  	v16 =	vld.idx.msk [tilespmem:v19+s2+$0x0], $0xffff;
	[tilespmem:v18+s29+$0x0] =	vst.idx.msk $0xffff, v10  }
0x184: {  	v18 =	vld [tilespmem:$0x8000]  }
0x185: {  	v19 =	vld [tilespmem:$0x8010]  }
0x186: {  	v20 =	vld [tilespmem:$0x8020]  }
0x187: {  	v21 =	vld [tilespmem:$0x8030];
	s18 =	spop (v2sf)  }
0x188: {  	s6 =	scvt.s32.f32 s6;
	v23 =	vld [tilespmem:$0x8040];
	s5 =	sxor.u32 $0x80000000, s18  }
0x189: {  	v17 =	vsel vm2, v17, v18;
	v18 =	vld [tilespmem:$0x8050];
	v24 =	vmov s5  }
0x18a: {  	[tilespmem:$0x8000] =	vst v17;
	v17 =	vsel vm2, s6, v19;
	v25 =	vshll.u32 v24, $0x2  }
0x18b: {  	[tilespmem:$0x8010] =	vst v17;
	v17 =	vsel vm2, v12, v20;
	v19 =	vand.u32 $0x7F, v24;
	v25 =	vand.u32 $0xFFFFFE00, v25  }
0x18c: {  	[tilespmem:$0x8020] =	vst v17;
	v17 =	vsel vm2, v13, v21;
	v19 =	vor.u32 v19, v25  }
0x18d: {  	[tilespmem:$0x8030] =	vst v17;
	v17 =	vsel vm2, v14, v23;
	v20 =	vor.u32 $0x80, v19  }
0x18e: {  	[tilespmem:$0x8040] =	vst v17;
	v17 =	vsel vm2, v15, v18;
	v23 =	vor.u32 $0x100, v19  }
0x18f: {  	[tilespmem:$0x8050] =	vst v17;
	v21 =	vor.u32 $0x180, v19  }
0x190: {  	v17 =	vld.idx.msk [tilespmem:v24+s2+$0x0], $0xffff  }
0x191: {  	v18 =	vld.idx.msk [tilespmem:v19+s0+$0x0], $0xffff  }
0x192: {  	v19 =	vld.idx.msk [tilespmem:v20+s0+$0x0], $0xffff  }
0x193: {  	v20 =	vld.idx.msk [tilespmem:v23+s0+$0x0], $0xffff  }
0x194: {  	v21 =	vld.idx.msk [tilespmem:v21+s0+$0x0], $0xffff;
	[tilespmem:v23+s29+$0x0] =	vst.idx.msk $0xffff, v10  }
0x195: {  	v23 =	vld [tilespmem:$0x8080]  }
0x196: {  	v24 =	vld [tilespmem:$0x8090]  }
0x197: {  	v25 =	vld [tilespmem:$0x80A0]  }
0x198: {  	v26 =	vld [tilespmem:$0x80B0]  }
0x199: {  	s5 =	scvt.s32.f32 s5;
	v27 =	vld [tilespmem:$0x80C0]  }
0x19a: {  	v22 =	vsel vm2, v22, v23;
	v23 =	vld [tilespmem:$0x80D0]  }
0x19b: {  	[tilespmem:$0x8080] =	vst v22;
	v22 =	vsel vm2, s5, v24  }
0x19c: {  	[tilespmem:$0x8090] =	vst v22;
	v22 =	vsel vm2, v18, v25  }
0x19d: {  	[tilespmem:$0x80A0] =	vst v22;
	v22 =	vsel vm2, v19, v26  }
0x19e: {  	[tilespmem:$0x80B0] =	vst v22;
	v22 =	vsel vm2, v20, v27  }
0x19f: {  	s11 =	simm.s32 $0x0;
	[tilespmem:$0x80C0] =	vst v22;
	v22 =	vsel vm2, v21, v23  }
0x1a0: {  	s19 =	simm.s32 $0x10;
	s7 =	simm.s32 $0x0;
	s20 =	sand.u32 $0x1E00, s11;
	[tilespmem:$0x80D0] =	vst v22  }
0x1a1: {  	s8 =	sadd.s32 $0x3C00, s20;
	s5 =	sand.u32 $0x70, s19;
	v22 =	vld [tilespmem:s7+$0x5A00]  }
0x1a2: {  	s9 =	sor.u32 s5, s8;
	v23 =	vld [tilespmem:s7+$0x5A10]  }
0x1a3: {  	s12 =	sor.u32 s20, s5;
	v24 =	vld [tilespmem:s9+$0x180]  }
0x1a4: {  	s21 =	simm.s32 $0x0;
	v25 =	vld [tilespmem:s12+$0x3C80]  }
0x1a5: {  	s5 =	sand.u32 $0x60, s21;
	v26 =	vld [tilespmem:s12+$0x3D00]  }
0x1a6: {  	s13 =	sor.u32 s5, s20;
	v27 =	vld [tilespmem:s12+$0x3C00]  }
0x1a7: {  	v29 =	vld [tilespmem:s13+$0x3D00]  }
0x1a8: {  	s5 =	sor.u32 s5, s8;
	v32 =	vld [tilespmem:s13+$0x3C00]  }
0x1a9: {  	v35 =	vld [tilespmem:s5+$0x180];
	v28 =	vadd.f32 v22, v11  }
0x1aa: {  	v38 =	vld [tilespmem:s13+$0x3C80];
	v30 =	vadd.f32 v22, v16;
	v31 =	vadd.f32 v23, v16  }
0x1ab: {  	v33 =	vmin.f32 v9, v24;
	v34 =	vmin.f32 v21, v24;
	v36 =	vmax.f32 v7, v25  }
0x1ac: {  	v24 =	vmin.f32 v15, v24;
	v37 =	vmax.f32 v19, v25;
	v61 =	vmin.f32 v14, v26  }
0x1ad: {  	v22 =	vadd.f32 v22, v17;
	v62 =	vmax.f32 v12, v27;
	v39 =	vmin.f32 v20, v26  }
0x1ae: {  	v25 =	vmax.f32 v13, v25;
	v63 =	vmax.f32 v12, v32;
	v40 =	vmin.f32 v14, v29  }
0x1af: {  	v41 =	vmin.f32 v20, v29;
	v42 =	vmin.f32 v21, v35;
	v43 =	vmax.f32 v19, v38  }
0x1b0: {  	v46 =	vmax.f32 v6, v27;
	v26 =	vmin.f32 v8, v26;
	v47 =	vadd.f32 v23, v11  }
0x1b1: {  	v49 =	vmax.f32 v7, v38;
	v50 =	vmin.f32 v15, v35;
	v55 =	vadd.f32 v23, v17  }
0x1b2: {  	s22 =	simm.s32 $0x80;
	v29 =	vmin.f32 v8, v29;
	v33 =	vsub.f32 v33, v36;
	v34 =	vsub.f32 v34, v37  }
0x1b3: {  	s23 =	simm.s32 $0x30;
	s5 =	sand.u32 $0x1E00, s22;
	v35 =	vmin.f32 v9, v35;
	v36 =	vsub.f32 v61, v62;
	v24 =	vsub.f32 v24, v25  }
0x1b4: {  	s6 =	sand.u32 $0x70, s23;
	s25 =	sadd.s32 $0x3C00, s5;
	v25 =	vmax.f32 v18, v32;
	v45 =	vsub.f32 v42, v43;
	v37 =	vsub.f32 v40, v63  }
0x1b5: {  	s10 =	sor.u32 s6, s25;
	v25 =	vsub.f32 v41, v25;
	v36 =	vmax.f32 v36, $0.0e+00;
	v24 =	vmax.f32 v24, $0.0e+00  }
0x1b6: {  	s26 =	simm.s32 $0x20;
	v53 =	vld [tilespmem:s10+$0x180];
	v26 =	vsub.f32 v26, v46;
	v32 =	vmax.f32 v6, v32;
	v24 =	vmul.f32 v24, v36  }
0x1b7: {  	s9 =	sor.u32 s5, s6;
	s6 =	sand.u32 $0x60, s26;
	v52 =	vsub.f32 v35, v49;
	v25 =	vmax.f32 v25, $0.0e+00;
	v36 =	vmax.f32 v45, $0.0e+00  }
0x1b8: {  	v56 =	vld [tilespmem:s9+$0x3D00];
	s10 =	sor.u32 s6, s5;
	v29 =	vsub.f32 v29, v32;
	v25 =	vmul.f32 v36, v25;
	v31 =	vsub.f32 v31, v24  }
0x1b9: {  	v44 =	vld [tilespmem:s10+$0x3C00];
	v48 =	vmax.f32 v37, $0.0e+00;
	v51 =	vmax.f32 v33, $0.0e+00;
	v26 =	vmax.f32 v26, $0.0e+00  }
0x1ba: {  	v34 =	vmax.f32 v34, $0.0e+00;
	v22 =	vsub.f32 v22, v25;
	v31 =	vadd.f32 $9.999999930e-09, v31  }
0x1bb: {  	v57 =	vmin.f32 v9, v53;
	v58 =	vmin.f32 v21, v53;
	v35 =	vmin.f32 v15, v53  }
0x1bc: {  	v22 =	vadd.f32 $9.999999930e-09, v22;
	(erf) = vrcp.f32 v31;
	v31 =	vmax.f32 v13, v38  }
0x1bd: {  	v29 =	vmax.f32 v29, $0.0e+00;
	v32 =	vmul.f32 v51, v26;
	v31 =	vsub.f32 v50, v31  }
0x1be: {  	v45 =	vmin.f32 v14, v56;
	v61 =	vmax.f32 v12, v44;
	(erf) = vrcp.f32 v22  }
0x1bf: {  	s24 =	simm.s32 $0x20;
	v51 =	vmax.f32 v6, v44;
	v22 =	vmax.f32 v31, $0.0e+00;
	v31 =	vmax.f32 v52, $0.0e+00  }
0x1c0: {  	v33 =	vmul.f32 v22, v48;
	v29 =	vmul.f32 v31, v29;
	v22 =	vmax.f32 v18, v27;
	v27 =	vld [tilespmem:s24+$0x5A00]  }
0x1c1: {  	v44 =	vmax.f32 v18, v44;
	v26 =	vsub.f32 v47, v32;
	v31 =	vsub.f32 v39, v22;
	v22 =	vld [tilespmem:s24+$0x5A10]  }
0x1c2: {  	v36 =	vimm.s32 $0x0;
	v30 =	vsub.f32 v30, v33;
	v28 =	vsub.f32 v28, v29  }
0x1c3: {  	v26 =	vadd.f32 $9.999999930e-09, v26;
	v38 =	vld [tilespmem:s9+$0x3C80];
	v39 =	vmin.f32 v8, v56;
	v31 =	vmax.f32 v31, $0.0e+00  }
0x1c4: {  	v28 =	vadd.f32 $9.999999930e-09, v28;
	v31 =	vmul.f32 v34, v31;
	v30 =	vadd.f32 $9.999999930e-09, v30  }
0x1c5: {  	v54 =	vpop (erf);
	(erf) = vrcp.f32 v26;
	v23 =	vadd.f32 v27, v11;
	v41 =	vadd.f32 v27, v16  }
0x1c6: {  	v27 =	vadd.f32 v27, v17;
	(erf) = vrcp.f32 v28;
	v28 =	vadd.f32 v22, v16  }
0x1c7: {  	v37 =	vmul.f32 v54, v24;
	v24 =	vld [tilespmem:s9+$0x3C00];
	v34 =	vsub.f32 v55, v31;
	v26 =	vpop (erf);
	v48 =	vadd.f32 v22, v11  }
0x1c8: {  	(erf) = vrcp.f32 v30;
	v30 =	vld [tilespmem:s10+$0x3D00];
	v59 =	vmul.f32 v26, v25;
	v25 =	vmax.f32 v7, v38  }
0x1c9: {  	s28 =	sor.u32 s6, s25;
	v26 =	vmax.f32 v19, v38;
	v38 =	vmax.f32 v13, v38;
	v40 =	vsub.f32 v57, v25  }
0x1ca: {  	v34 =	vadd.f32 $9.999999930e-09, v34;
	vm2 =	vge.f32 v37, $5.000000000e-01;
	v37 =	vld [tilespmem:s28+$0x180];
	v35 =	vsub.f32 v35, v38  }
0x1cb: {  	v25 =	vsub.f32 v58, v26;
	v26 =	vmin.f32 v20, v56;
	vm3 =	vge.f32 v59, $5.000000000e-01  }
0x1cc: {  	(erf) = vrcp.f32 v34;
	v34 =	vld [tilespmem:s10+$0x3C80];
	v35 =	vmax.f32 v35, $0.0e+00;
	v46 =	vmax.f32 v6, v24  }
0x1cd: {  	v47 =	vld [tilespmem:s13+$0x6280];
	v60 =	vmax.f32 v12, v24;
	v46 =	vsub.f32 v39, v46;
	v49 =	vmin.f32 v14, v30  }
0x1ce: {  	v63 =	vmin.f32 v20, v30;
	v55 =	vsub.f32 v45, v60;
	v39 =	vsub.f32 v49, v61  }
0x1cf: {  	v60 =	vmin.f32 v8, v30;
	v53 =	vsub.f32 v63, v44;
	v59 =	vmin.f32 v15, v37;
	v50 =	vpop (erf)  }
0x1d0: {  	v56 =	vld [tilespmem:s12+$0x6200];
	v61 =	vmin.f32 v9, v37;
	v37 =	vmin.f32 v21, v37;
	v62 =	vpop (erf);
	v52 =	vmax.f32 v39, $0.0e+00  }
0x1d1: {  	v39 =	vmax.f32 v53, $0.0e+00;
	v58 =	vmax.f32 v7, v34;
	v43 =	vmul.f32 v62, v29  }
0x1d2: {  	v57 =	vld [tilespmem:s13+$0x6180];
	v29 =	vsel vm3, $0xF149F2CA, v47;
	v47 =	vmax.f32 v40, $0.0e+00;
	v40 =	vmax.f32 v55, $0.0e+00  }
0x1d3: {  	v32 =	vmul.f32 v50, v32;
	v54 =	vpop (erf);
	v62 =	vsub.f32 v60, v51;
	v30 =	vmul.f32 v35, v40  }
0x1d4: {  	v55 =	vld [tilespmem:s12+$0x6180];
	v44 =	vsub.f32 v61, v58;
	v58 =	vmax.f32 v13, v34;
	v33 =	vmul.f32 v54, v33  }
0x1d5: {  	v35 =	vsel vm2, $0xF149F2CA, v56;
	vm2 =	vge.f32 v32, $5.000000000e-01;
	v28 =	vsub.f32 v28, v30  }
0x1d6: {  	v63 =	vld [tilespmem:s13+$0x6200];
	vm3 =	vge.f32 v43, $5.000000000e-01;
	v56 =	vmax.f32 v62, $0.0e+00;
	vm4 =	vge.f32 v33, $5.000000000e-01  }
0x1d7: {  	v61 =	vld [tilespmem:s12+$0x6280];
	v53 =	vpop (erf);
	v54 =	vsel vm3, $0xF149F2CA, v57;
	v57 =	vmax.f32 v19, v34;
	v28 =	vadd.f32 $9.999999930e-09, v28  }
0x1d8: {  	v31 =	vmul.f32 v53, v31;
	v33 =	vsub.f32 v37, v57;
	vm3 =	vgt.f32 v54, v10  }
0x1d9: {  	v60 =	vsel vm2, $0xF149F2CA, v55;
	vm2 =	vgt.f32 v29, v10;
	(erf) = vrcp.f32 v28  }
0x1da: {  	v62 =	vsel vm3, s11, v36;
	vm5 =	vge.f32 v31, $5.000000000e-01;
	v31 =	vsub.f32 v59, v58  }
0x1db: {  	v59 =	vsel vm4, $0xF149F2CA, v63;
	v63 =	vsel vm3, v54, v10;
	v28 =	vmax.f32 v33, $0.0e+00  }
0x1dc: {  	vm4 =	vgt.f32 v59, v10;
	v40 =	vsel vm5, $0xF149F2CA, v61;
	v33 =	vmul.f32 v28, v39  }
0x1dd: {  	[tilespmem:s13+$0x6280] =	vst v29;
	v28 =	vmax.f32 v31, $0.0e+00;
	v38 =	vsel vm4, s11, v36;
	v39 =	vsel vm2, s11, v36  }
0x1de: {  	[tilespmem:s12+$0x6200] =	vst v35;
	v34 =	vsel vm4, v59, v10;
	v31 =	vmax.f32 v46, $0.0e+00;
	v27 =	vsub.f32 v27, v33  }
0x1df: {  	[tilespmem:s13+$0x6180] =	vst v54;
	vm4 =	vgt.f32 v60, v63;
	vm3 =	vgt.f32 v35, v34;
	v32 =	vmul.f32 v28, v52  }
0x1e0: {  	[tilespmem:s12+$0x6180] =	vst v60;
	v28 =	vmax.f32 v44, $0.0e+00;
	v31 =	vmul.f32 v47, v31;
	v27 =	vadd.f32 $9.999999930e-09, v27  }
0x1e1: {  	s14 =	simm.s32 $0x50;
	s18 =	simm.s32 $0x1;
	[tilespmem:s13+$0x6200] =	vst v59;
	v37 =	vmul.f32 v28, v56;
	v28 =	vsel vm4, v60, v63;
	v36 =	vsub.f32 v41, v32  }
0x1e2: {  	s13 =	simm.s32 $0x4;
	s11 =	simm.s32 $0x2;
	[tilespmem:s12+$0x6280] =	vst v40;
	s12 =	simm.s32 $0x100;
	v42 =	vsub.f32 v48, v31;
	(erf) = vrcp.f32 v27;
	v27 =	vsel vm4, s18, v62;
	v41 =	vpop (erf)  }
.LBB2_7:
0x1e3: {  	s5 =	sadd.s32 $0xFFFFFFF0, s14  }
0x1e4: {  	s6 =	sand.u32 $0x1E00, s12;
	s7 =	sshra.s32 s12, $0x2;
	v24 =	vmax.f32 v18, v24;
	v10 =	vsel vm2, v29, v10;
	v34 =	vsel vm3, v35, v34;
	s15 =	smov.u32 s13  }
0x1e5: {  	s16 =	sand.u32 $0x70, s14;
	s5 =	sand.u32 $0x60, s5;
	s8 =	sadd.s32 $0x3C00, s6;
	v29 =	vld [tilespmem:s7+$0x5A00];
	v35 =	vadd.f32 $9.999999930e-09, v42;
	v24 =	vsub.f32 v26, v24;
	vm2 =	vgt.f32 v40, v10  }
0x1e6: {  	v38 =	vsel vm3, s18, v38;
	v23 =	vsub.f32 v23, v37;
	s17 =	sor.u32 s5, s6;
	s5 =	sor.u32 s5, s8;
	s8 =	sor.u32 s16, s8;
	v26 =	vld [tilespmem:s7+$0x5A10];
	v10 =	vsel vm2, v40, v10  }
0x1e7: {  	p0 =	slt.u32 s13, $0x76;
	s13 =	sadd.s32 $0x2, s13;
	v25 =	vmax.f32 v25, $0.0e+00;
	s16 =	sor.u32 s6, s16;
	v39 =	vsel vm2, s18, v39;
	v40 =	vld [tilespmem:s8+$0x180];
	v24 =	vmax.f32 v24, $0.0e+00  }
0x1e8: {  	v46 =	vadd.f32 v22, v17;
	v43 =	vadd.f32 $9.999999930e-09, v23;
	v42 =	vld [tilespmem:s16+$0x3C80];
	v44 =	vmul.f32 v25, v24  }
0x1e9: {  	v30 =	vmul.f32 v41, v30;
	v25 =	vadd.f32 $9.999999930e-09, v36;
	v45 =	vld [tilespmem:s16+$0x3D00];
	(erf) = vrcp.f32 v35  }
0x1ea: {  	v23 =	vadd.f32 v29, v11;
	v36 =	vadd.f32 v29, v16;
	v24 =	vld [tilespmem:s16+$0x3C00];
	(erf) = vrcp.f32 v43  }
0x1eb: {  	v43 =	vsub.f32 v46, v44;
	v35 =	vld [tilespmem:s17+$0x3D00];
	v41 =	vadd.f32 v26, v16;
	(erf) = vrcp.f32 v25;
	v22 =	vpop (erf)  }
0x1ec: {  	v46 =	vld [tilespmem:s17+$0x3C00];
	v25 =	vmin.f32 v9, v40;
	v47 =	vmin.f32 v21, v40;
	v33 =	vmul.f32 v22, v33;
	v22 =	vmovc v26  }
0x1ed: {  	v40 =	vmin.f32 v15, v40;
	v48 =	vld [tilespmem:s5+$0x180];
	v26 =	vmax.f32 v7, v42;
	v49 =	vmax.f32 v19, v42  }
0x1ee: {  	v50 =	vld [tilespmem:s17+$0x3C80];
	v51 =	vsub.f32 v25, v26;
	v52 =	vmin.f32 v14, v45;
	v25 =	vsub.f32 v47, v49  }
0x1ef: {  	v47 =	vadd.f32 v29, v17;
	v26 =	vmin.f32 v20, v45;
	v49 =	vmax.f32 v12, v24  }
0x1f0: {  	v43 =	vadd.f32 $9.999999930e-09, v43;
	v45 =	vmin.f32 v8, v45;
	v29 =	vmax.f32 v6, v24;
	v53 =	vld [tilespmem:s10+$0x6280]  }
0x1f1: {  	vm2 =	vge.f32 v30, $5.000000000e-01;
	v54 =	vadd.f32 v22, v11;
	v45 =	vsub.f32 v45, v29  }
0x1f2: {  	v56 =	vmin.f32 v14, v35;
	v29 =	vmax.f32 v12, v46;
	v55 =	vpop (erf);
	(erf) = vrcp.f32 v43  }
0x1f3: {  	vm3 =	vge.f32 v33, $5.000000000e-01;
	v43 =	vmax.f32 v6, v46;
	v29 =	vsub.f32 v56, v29;
	v30 =	vpop (erf)  }
0x1f4: {  	v33 =	vmax.f32 v18, v46;
	v46 =	vmin.f32 v20, v35;
	v30 =	vmul.f32 v30, v37;
	v37 =	vpop (erf)  }
0x1f5: {  	v33 =	vsub.f32 v46, v33;
	v56 =	vmax.f32 v29, $0.0e+00;
	v29 =	vsel vm3, $0xF149F2CA, v53  }
0x1f6: {  	v42 =	vmax.f32 v13, v42;
	v49 =	vsub.f32 v52, v49;
	v46 =	vmax.f32 v51, $0.0e+00;
	v51 =	vld [tilespmem:s9+$0x6200]  }
0x1f7: {  	v40 =	vsub.f32 v40, v42;
	v33 =	vmax.f32 v33, $0.0e+00;
	v32 =	vmul.f32 v37, v32;
	v42 =	vld [tilespmem:s10+$0x6180]  }
0x1f8: {  	v52 =	vmin.f32 v15, v48;
	v37 =	vmax.f32 v7, v50;
	vm3 =	vge.f32 v30, $5.000000000e-01  }
0x1f9: {  	v40 =	vmax.f32 v40, $0.0e+00;
	v31 =	vmul.f32 v55, v31;
	v30 =	vmax.f32 v49, $0.0e+00  }
0x1fa: {  	v35 =	vmin.f32 v8, v35;
	v30 =	vmul.f32 v40, v30;
	vm5 =	vge.f32 v32, $5.000000000e-01  }
0x1fb: {  	v32 =	vmin.f32 v9, v48;
	v40 =	vsub.f32 v35, v43;
	v43 =	vld [tilespmem:s10+$0x6200];
	v35 =	vsel vm2, $0xF149F2CA, v51;
	v49 =	vpop (erf)  }
0x1fc: {  	v48 =	vmin.f32 v21, v48;
	v41 =	vsub.f32 v41, v30;
	v42 =	vsel vm3, $0xF149F2CA, v42;
	v51 =	vld [tilespmem:s9+$0x6180];
	[tilespmem:s9+$0x6200] =	vst v35  }
0x1fd: {  	v37 =	vsub.f32 v32, v37;
	v53 =	vmax.f32 v40, $0.0e+00;
	v32 =	vmul.f32 v49, v44;
	[tilespmem:s10+$0x6180] =	vst v42  }
0x1fe: {  	v40 =	vmax.f32 v19, v50;
	v41 =	vadd.f32 $9.999999930e-09, v41;
	vm2 =	vge.f32 v31, $5.000000000e-01  }
0x1ff: {  	v40 =	vsub.f32 v48, v40;
	v31 =	vmax.f32 v13, v50;
	vm4 =	vge.f32 v32, $5.000000000e-01  }
0x200: {  	v31 =	vsub.f32 v52, v31;
	vm3 =	vgt.f32 v42, v28;
	(erf) = vrcp.f32 v41  }
0x201: {  	v32 =	vmax.f32 v40, $0.0e+00;
	v40 =	vsel vm5, $0xF149F2CA, v43;
	v43 =	vsel vm2, $0xF149F2CA, v51;
	v41 =	vld [tilespmem:s9+$0x6280]  }
0x202: {  	v33 =	vmul.f32 v32, v33;
	vm5 =	vgt.f32 v40, v34;
	vm2 =	vgt.f32 v29, v10;
	[tilespmem:s9+$0x6180] =	vst v43  }
0x203: {  	v31 =	vmax.f32 v31, $0.0e+00;
	v38 =	vsel vm5, s11, v38;
	v39 =	vsel vm2, s11, v39;
	[tilespmem:s10+$0x6200] =	vst v40  }
0x204: {  	v27 =	vsel vm3, s11, v27;
	v44 =	vsub.f32 v47, v33;
	v34 =	vsel vm5, v40, v34;
	[tilespmem:s10+$0x6280] =	vst v29;
	s10 =	smov.u32 s17  }
.Ltmp2:
0x205: {  	v45 =	vmax.f32 v45, $0.0e+00;
	v28 =	vsel vm3, v42, v28;
	vm3 =	vgt.f32 v35, v34;
	(pc) =	sbr.rel @p0 .LBB2_7-.Ltmp2, $4  }
0x206: {  	v32 =	vmul.f32 v31, v56;
	v42 =	vadd.f32 $9.999999930e-09, v44;
	v40 =	vsel vm4, $0xF149F2CA, v41  }
0x207: {  	s18 =	sadd.s32 $0x1, s11;
	v37 =	vmax.f32 v37, $0.0e+00;
	v31 =	vmul.f32 v46, v45;
	s11 =	smov.u32 s15;
	vm4 =	vgt.f32 v43, v28;
	[tilespmem:s9+$0x6280] =	vst v40;
	s9 =	smov.u32 s16  }
0x208: {  	v36 =	vsub.f32 v36, v32;
	v27 =	vsel vm4, s18, v27;
	(erf) = vrcp.f32 v42  }
0x209: {  	s12 =	sadd.s32 $0x80, s12;
	s14 =	sadd.s32 $0x20, s14;
	v37 =	vmul.f32 v37, v53;
	v28 =	vsel vm4, v43, v28;
	v42 =	vsub.f32 v54, v31;
	v41 =	vpop (erf)  }
0x20a: {  	v6 =	vmax.f32 v18, v24  }
0x20b: {  	v6 =	vsub.f32 v26, v6  }
0x20c: {  	v7 =	vsub.f32 v23, v37  }
0x20d: {  	v8 =	vmax.f32 v25, $0.0e+00;
	v9 =	vadd.f32 $9.999999930e-09, v42;
	v6 =	vmax.f32 v6, $0.0e+00  }
0x20e: {  	v7 =	vadd.f32 $9.999999930e-09, v7;
	v6 =	vmul.f32 v8, v6;
	v8 =	vadd.f32 v22, v17  }
0x20f: {  	v11 =	vadd.f32 $9.999999930e-09, v36;
	(erf) = vrcp.f32 v9  }
0x210: {  	(erf) = vrcp.f32 v7;
	v8 =	vsub.f32 v8, v6  }
0x211: {  	(erf) = vrcp.f32 v11  }
0x212: {  	v7 =	vadd.f32 $9.999999930e-09, v8;
	_ =	sdelay $0x1  }
0x213: {  	(erf) = vrcp.f32 v7;
	_ =	sdelay $0x1  }
0x214: {  	v14 =	vld [tilespmem:s10+$0x6180]  }
0x215: {  	v10 =	vsel vm2, v29, v10;
	v9 =	vld [tilespmem:s9+$0x6200];
	v8 =	vpop (erf)  }
0x216: {  	vm2 =	vgt.f32 v40, v10;
	v7 =	vld [tilespmem:s10+$0x6280];
	v8 =	vmul.f32 v8, v33;
	v13 =	vpop (erf)  }
0x217: {  	v12 =	vmul.f32 v41, v30;
	v15 =	vsel vm3, s18, v38;
	v54 =	vld [tilespmem:s10+$0x6200];
	v55 =	vsel vm2, v40, v10;
	v16 =	vpop (erf)  }
0x218: {  	v11 =	vsel vm3, v35, v34;
	vm3 =	vge.f32 v8, $5.000000000e-01;
	v56 =	vpop (erf);
	v8 =	vmul.f32 v16, v37  }
0x219: {  	v10 =	vsel vm2, s18, v39;
	vm2 =	vge.f32 v12, $5.000000000e-01;
	v12 =	vmul.f32 v56, v32  }
0x21a: {  	v57 =	vld [tilespmem:s9+$0x6180];
	v9 =	vsel vm2, $0xF149F2CA, v9;
	v13 =	vmul.f32 v13, v31;
	vm2 =	vge.f32 v8, $5.000000000e-01  }
0x21b: {  	v7 =	vsel vm3, $0xF149F2CA, v7;
	vm3 =	vge.f32 v12, $5.000000000e-01;
	v8 =	vsel vm2, $0xF149F2CA, v14;
	v19 =	vpop (erf)  }
0x21c: {  	v58 =	vld [tilespmem:s9+$0x6280];
	v12 =	vsel vm3, $0xF149F2CA, v54;
	vm4 =	vgt.f32 v8, v28;
	v6 =	vmul.f32 v19, v6  }
0x21d: {  	s4 =	sadd.s32 $0x1, s4;
	vm2 =	vge.f32 v13, $5.000000000e-01;
	[tilespmem:s10+$0x6180] =	vst v8;
	vm5 =	vgt.f32 v12, v11;
	v8 =	vsel vm4, v8, v28  }
0x21e: {  	p0 =	sne.s32 s4, $0x9;
	v59 =	vsel vm5, s11, v15;
	v61 =	vsel vm5, v12, v11;
	vm3 =	vge.f32 v6, $5.000000000e-01  }
.Ltmp3:
0x21f: {  	[tilespmem:s9+$0x6200] =	vst v9;
	v6 =	vsel vm2, $0xF149F2CA, v57;
	vm2 =	vgt.f32 v7, v55;
	vm14 =	vgt.f32 v9, v61;
	(pc) =	sbr.rel @p0 .LBB2_6-.Ltmp3, $4  }
0x220: {  	s5 =	sadd.s32 $0x1, s11;
	[tilespmem:s10+$0x6280] =	vst v7;
	v60 =	vsel vm2, s11, v10;
	v10 =	vsel vm4, s11, v27;
	vm15 =	vgt.f32 v6, v8  }
0x221: {  	[tilespmem:s10+$0x6200] =	vst v12;
	v62 =	vsel vm3, $0xF149F2CA, v58;
	v63 =	vsel vm2, v7, v55;
	v7 =	vsel vm14, s5, v59  }
0x222: {  	[tilespmem:s9+$0x6180] =	vst v6;
	v10 =	vsel vm15, s5, v10;
	v11 =	vsel vm15, v6, v8;
	vm2 =	vgt.f32 v62, v63  }
0x223: {  	v6 =	vsel vm14, v9, v61;
	[tilespmem:s9+$0x6280] =	vst v62;
	v9 =	vsel vm2, v62, v63;
	v8 =	vsel vm2, s5, v60  }
0x224: {  	(xrf0) =	vmax.scan.msk.f32 $0xffff, v11;
	_ =	sdelay $0x5  }
0x225: {  	v12, _, _ =	vpop (xrf0)  }
0x226: {  	v12 =	vbroadcast v12, $0xF  }
0x227: {  	v10 =	vshll.u32 v10, $0x4  }
0x228: {  	v10 =	vxor.u32 v3, v10;
	vm2 =	veq.f32 v11, v12  }
0x229: {  	v10 =	vnsel vm2, $0xC0000000, v10  }
0x22a: {  	(xrf0) =	vmin.scan.msk.u32 $0xffff, v10;
	_ =	sdelay $0x5  }
0x22b: {  	v10, _, _ =	vpop (xrf0);
	(xrf0) =	vmax.scan.msk.f32 $0xffff, v6;
	_ =	sdelay $0x2  }
0x22c: {  	(v2sf) =	vpush v10, $0xF;
	_ =	sdelay $0x2  }
0x22d: {  	v34, _, _ =	vpop (xrf0)  }
0x22e: {  	v10 =	vbroadcast v34, $0xF  }
0x22f: {  	v7 =	vshll.u32 v7, $0x4  }
0x230: {  	vm2 =	veq.f32 v6, v10;
	v6 =	vxor.u32 v3, v7  }
0x231: {  	v6 =	vnsel vm2, $0xC0000000, v6  }
0x232: {  	(xrf0) =	vmin.scan.msk.u32 $0xffff, v6;
	_ =	sdelay $0x5  }
0x233: {  	v6, _, _ =	vpop (xrf0);
	(xrf0) =	vmax.scan.msk.f32 $0xffff, v9  }
0x234: {  	s4 =	spop (v2sf)  }
0x235: {  	s4 =	sxor.u32 $0x80000000, s4;
	(v2sf) =	vpush v6, $0xF  }
0x236: {  	v7 =	vmov s4  }
0x237: {  	v6 =	vshll.u32 v7, $0x2  }
0x238: {  	v7 =	vand.u32 $0x7F, v7;
	v6 =	vand.u32 $0xFFFFFE00, v6  }
0x239: {  	v6 =	vor.u32 v7, v6;
	v13, _, _ =	vpop (xrf0)  }
0x23a: {  	v7 =	vor.u32 $0x80, v6;
	v13 =	vbroadcast v13, $0xF  }
0x23b: {  	v8 =	vshll.u32 v8, $0x4;
	v35 =	vor.u32 $0x100, v6  }
0x23c: {  	v8 =	vxor.u32 v3, v8;
	v14 =	vor.u32 $0x180, v6;
	vm2 =	veq.f32 v9, v13  }
0x23d: {  	v8 =	vnsel vm2, $0xC0000000, v8  }
0x23e: {  	v15 =	vld.idx.msk [tilespmem:v6+s0+$0x0], $0xffff;
	(xrf0) =	vmin.scan.msk.u32 $0xffff, v8  }
0x23f: {  	v7 =	vld.idx.msk [tilespmem:v7+s0+$0x0], $0xffff  }
0x240: {  	v36 =	vld.idx.msk [tilespmem:v35+s0+$0x0], $0xffff  }
0x241: {  	v37 =	vld.idx.msk [tilespmem:v14+s0+$0x0], $0xffff;
	[tilespmem:v6+s29+$0x0] =	vst.idx.msk $0xffff, v5  }
0x242: {  	v6 =	vld [tilespmem:$0x7F80]  }
0x243: {  	v38 =	vld [tilespmem:$0x7F90]  }
0x244: {  	v39 =	vld [tilespmem:$0x7FA0];
	s5 =	spop (v2sf);
	v17, _, _ =	vpop (xrf0)  }
0x245: {  	v16 =	vld [tilespmem:$0x7FB0];
	s5 =	sxor.u32 $0x80000000, s5;
	(v2sf) =	vpush v17, $0xF  }
0x246: {  	s4 =	scvt.s32.f32 s4;
	v18 =	vld [tilespmem:$0x7FC0];
	v19 =	vmov s5  }
0x247: {  	vm2 =	veq.s32 v1, $0x9;
	v40 =	vld [tilespmem:$0x7FD0];
	v6 =	vsel vm0, v12, v6;
	v41 =	vshll.u32 v19, $0x2  }
0x248: {  	[tilespmem:$0x7F80] =	vst v6;
	v6 =	vsel vm2, s4, v38;
	v42 =	vand.u32 $0x7F, v19;
	v17 =	vand.u32 $0xFFFFFE00, v41  }
0x249: {  	[tilespmem:$0x7F90] =	vst v6;
	v6 =	vsel vm1, v39, v15;
	v11 =	vor.u32 v42, v17  }
0x24a: {  	[tilespmem:$0x7FA0] =	vst v6;
	v6 =	vsel vm1, v16, v7;
	v7 =	vor.u32 $0x80, v11  }
0x24b: {  	[tilespmem:$0x7FB0] =	vst v6;
	v6 =	vsel vm1, v18, v36;
	v43 =	vor.u32 $0x100, v11  }
0x24c: {  	[tilespmem:$0x7FC0] =	vst v6;
	v6 =	vsel vm1, v40, v37;
	v44 =	vor.u32 $0x180, v11  }
0x24d: {  	[tilespmem:$0x7FD0] =	vst v6  }
0x24e: {  	v6 =	vld.idx.msk [tilespmem:v11+s0+$0x0], $0xffff  }
0x24f: {  	v45 =	vld.idx.msk [tilespmem:v7+s0+$0x0], $0xffff  }
0x250: {  	v9 =	vld.idx.msk [tilespmem:v43+s0+$0x0], $0xffff  }
0x251: {  	v8 =	vld.idx.msk [tilespmem:v44+s0+$0x0], $0xffff;
	[tilespmem:v7+s29+$0x0] =	vst.idx.msk $0xffff, v5  }
0x252: {  	v7 =	vld [tilespmem:$0x8000]  }
0x253: {  	v46 =	vld [tilespmem:$0x8010]  }
0x254: {  	v47 =	vld [tilespmem:$0x8020];
	s20 =	spop (v2sf)  }
0x255: {  	v48 =	vld [tilespmem:$0x8030];
	s4 =	sxor.u32 $0x80000000, s20  }
0x256: {  	s5 =	scvt.s32.f32 s5;
	v49 =	vld [tilespmem:$0x8040];
	v50 =	vmov s4  }
0x257: {  	v51 =	vld [tilespmem:$0x8050];
	v7 =	vsel vm0, v10, v7;
	v52 =	vshll.u32 v50, $0x2  }
0x258: {  	v12 =	vsel vm2, s5, v46;
	[tilespmem:$0x8000] =	vst v7;
	v7 =	vand.u32 $0x7F, v50;
	v53 =	vand.u32 $0xFFFFFE00, v52  }
0x259: {  	v6 =	vsel vm1, v47, v6;
	[tilespmem:$0x8010] =	vst v12;
	v7 =	vor.u32 v7, v53  }
0x25a: {  	[tilespmem:$0x8020] =	vst v6;
	v6 =	vsel vm1, v48, v45;
	v54 =	vor.u32 $0x80, v7  }
0x25b: {  	[tilespmem:$0x8030] =	vst v6;
	v6 =	vsel vm1, v49, v9;
	v55 =	vor.u32 $0x100, v7  }
0x25c: {  	[tilespmem:$0x8040] =	vst v6;
	v6 =	vsel vm1, v51, v8;
	v56 =	vor.u32 $0x180, v7  }
0x25d: {  	[tilespmem:$0x8050] =	vst v6  }
0x25e: {  	v6 =	vld.idx.msk [tilespmem:v7+s0+$0x0], $0xffff  }
0x25f: {  	v7 =	vld.idx.msk [tilespmem:v54+s0+$0x0], $0xffff  }
0x260: {  	v57 =	vld.idx.msk [tilespmem:v55+s0+$0x0], $0xffff  }
0x261: {  	v8 =	vld.idx.msk [tilespmem:v56+s0+$0x0], $0xffff;
	[tilespmem:v55+s29+$0x0] =	vst.idx.msk $0xffff, v5  }
0x262: {  	v9 =	vld [tilespmem:$0x8080]  }
0x263: {  	v58 =	vld [tilespmem:$0x8090]  }
0x264: {  	v59 =	vld [tilespmem:$0x80A0]  }
0x265: {  	v60 =	vld [tilespmem:$0x80B0]  }
0x266: {  	s4 =	scvt.s32.f32 s4;
	v61 =	vld [tilespmem:$0x80C0]  }
0x267: {  	v62 =	vld [tilespmem:$0x80D0];
	v9 =	vsel vm0, v13, v9  }
0x268: {  	v63 =	vsel vm2, s4, v58;
	[tilespmem:$0x8080] =	vst v9  }
0x269: {  	v6 =	vsel vm1, v59, v6;
	[tilespmem:$0x8090] =	vst v63  }
0x26a: {  	[tilespmem:$0x80A0] =	vst v6;
	v6 =	vsel vm1, v60, v7  }
0x26b: {  	[tilespmem:$0x80B0] =	vst v6;
	v6 =	vsel vm1, v61, v57  }
0x26c: {  	[tilespmem:$0x80C0] =	vst v6;
	v6 =	vsel vm1, v62, v8  }
0x26d: {  	s21 =	rddreg [dreg:$0x7];
	s22 =	simm.s32 $0x7F80;
	[tilespmem:$0x80D0] =	vst v6  }
0x26e: {  	[hbm4b:s21+s1] =	stream.linear.scatter [tilespmem:s22], [sflag:$0x1], $0x80, $0x38;
	[tilespmem:$0x8180] =	vst v63  }
0x26f: {  	s23 =	rddreg [dreg:$0x8];
	s24 =	simm.s32 $0x8000  }
0x270: {  	[hbm4b:s23+s1] =	stream.linear.scatter [tilespmem:s24], [sflag:$0x1], $0x80, $0x38;
	[tilespmem:$0x8180] =	vst v63  }
0x271: {  	s25 =	rddreg [dreg:$0x9];
	s26 =	simm.s32 $0x8080  }
0x272: {  	[hbm4b:s25+s1] =	stream.linear.scatter [tilespmem:s26], [sflag:$0x1], $0x80, $0x38;
	[tilespmem:$0x8180] =	vst v63  }
0x273: {  	_ =	swait.ge [sflag:s30], $0x80  }
0x274: {  	[sflag:s30] =	ssyncset.done $0x0  }
0x275: {  	[sflag:s30] =	ssyncadd.s32 $0xFFFFFF80  }
0x276: {  	_ =	swait.ge [sflag:s30], $0x80  }
0x277: {  	[sflag:s30] =	ssyncset.done $0x0  }
0x278: {  	[sflag:s30] =	ssyncadd.s32 $0xFFFFFF80  }
0x279: {  	_ =	swait.ge [sflag:s30], $0x80  }
0x27a: {  	s3 =	sadd.s32 $0x1, s3;
	s28 =	rddreg [dreg:$0xa]  }
0x27b: {  	p0 =	sne.s32 s3, s28  }
.Ltmp4:
0x27c: {  	_ = 	snop;
	(pc) =	sbr.rel @p0 .LBB2_1-.Ltmp4, $3  }
0x27d: {  	_ =	sdelay $0x1  }
0x27e: {  	[sflag:s30] =	ssyncset.done $0x0  }
0x27f: {  	[sflag:s30] =	ssyncadd.s32 $0xFFFFFF80  }
0x280: {  	_ =	sfence.sel $0x180000  }
0x281: {  	[bflag:$0x0] =	sbarrier.arrive $0xFFFF  }
0x282: {  	_ =	strace $0x90000047  }
0x283: {  	s0 =	stileid.u32;
	[bflag:$0x2] =	sbarrier.arrive $0xFFFF  }
0x284: {  	p0 =	sne.s32 s0, $0x0;
	s0 =	rddreg [dreg:$0x1]  }
0x285: {  	s0 =	sadd.s32 @!p0 $0x100000, s0  }
0x286: {  	[sflag:s0] =	ssyncadd.tile.s32 @!p0 $0x1;
	_ =	shalt  }
.Lfunc_end2:
_tile_overlayer_lowered:
.L_overlay_start_2:
0x287: {  	(tag) =	ssettag $0x2  }
0x288: {  	s0 =	rddreg [dreg:$0x0];
	s2 =	stileid.u32  }
0x289: {  	s1 =	rddreg [dreg:$0x1];
	p0 =	sne.s32 s2, $0x0  }
0x28a: {  	s3 =	rddreg [dreg:$0x2];
	[bflag:$0x3] =	sbarrier.arrive $0xFFFF;
	s2 =	simm.s32 @!p0 $0x1C03  }
0x28b: {  	[timem:s3], [sflag:s2] =	dma.local @!p0 [hbm:s0], s1  }
0x28c: {  	s0 =	simm.s32 @!p0 $0x3  }
0x28d: {  	_ =	swait.ge @!p0 [sflag:s0], s1  }
0x28e: {  	s1 =	ssub.s32 @!p0 $0x0, s1;
	[sflag:s0] =	ssyncset.done @!p0 $0x0  }
0x28f: {  	[sflag:s0] =	ssyncadd.s32 @!p0 s1  }
0x290: {  	[bflag:$0x3] =	sbarrier.arrive $0xFFFF  }
0x291: {  	_ =	shalt  }

</sc_bundles>
